<compile_context>
chip_gen: v7x
topology: tpu7x:2x2x1
jax: 0.10.2.dev20260603
libtpu: 0.0.44.dev20260713+nightly
codegen_flags: <defaults>
</compile_context>

<pallas_src>
import functools

import jax
import jax.numpy as jnp
from jax import lax
from jax.experimental import pallas as pl
from jax.experimental.pallas import tpu as pltpu
from jax.experimental.pallas import tpu_sc as plsc

NUM_HEADS = 16
NUM_TYPES = 32
S = 2048
N = S * S

NC = 2
NS = 16
L = 16
NW = NC * NS
TROWS = S // 8
TROWS_W = TROWS // NW
CW = 512
CHUNK = 8 * CW
N_CHUNKS = TROWS_W * (S // CW)
GROUPS = CHUNK // L
HHALF = NUM_HEADS // 2
NBUF = 2

_mesh = plsc.VectorSubcoreMesh(core_axis_name="c", subcore_axis_name="s")


@functools.partial(
    pl.kernel,
    out_type=jax.ShapeDtypeStruct((NUM_HEADS, S, S), jnp.float32),
    mesh=_mesh,
    scratch_types=[
        pltpu.VMEM((NUM_HEADS * NUM_TYPES,), jnp.float32),
        pltpu.VMEM((NUM_TYPES, NUM_HEADS), jnp.float32),
        pltpu.VMEM((NBUF, 8, CW), jnp.int32),
        pltpu.VMEM((2, HHALF, 8, CW), jnp.float32),
        pltpu.SemaphoreType.DMA,
        pltpu.SemaphoreType.DMA,
    ],
    compiler_params=pltpu.CompilerParams(
        needs_layout_passes=False, use_tc_tiling_on_sc=True),
)
def _edge_bias_sc(idx_hbm, tbl_hbm, out_hbm, tbl_v, tbl2_v, idx_v, out_v, in_sem,
                  out_sem):
    wid = lax.axis_index("s") * NC + lax.axis_index("c")
    row0 = wid * TROWS_W * 8
    cpr = S // CW

    def chunk_slices(c):
        r = row0 + (c // cpr) * 8
        col = (c % cpr) * CW
        return pl.ds(r, 8), pl.ds(col, CW)

    r0, c0 = chunk_slices(0)
    pltpu.async_copy(idx_hbm.at[r0, c0], idx_v.at[0], in_sem)
    pltpu.sync_copy(tbl_hbm, tbl2_v)
    hofs = lax.iota(jnp.int32, L) * NUM_TYPES
    for t in range(NUM_TYPES):
        plsc.store_scatter(tbl_v, [hofs + t], tbl2_v[t, :])

    def pair_body(p, carry):
        for b in range(NBUF):
            c = p * NBUF + b
            rs, cs = chunk_slices(c)
            nb = (b + 1) % NBUF

            @pl.when(c + 1 < N_CHUNKS)
            def _prefetch():
                nrs, ncs = chunk_slices(c + 1)
                pltpu.async_copy(idx_hbm.at[nrs, ncs], idx_v.at[nb], in_sem)

            pltpu.make_async_copy(idx_hbm.at[rs, cs], idx_v.at[b],
                                  in_sem).wait()

            for half in range(2):
                h0 = half * HHALF
                hs = pl.ds(h0, HHALF)

                @pl.when(c >= 1)
                def _drain():
                    prs, pcs = chunk_slices(c - 1)
                    pltpu.make_async_copy(out_v.at[half],
                                          out_hbm.at[hs, prs, pcs],
                                          out_sem).wait()

                @plsc.parallel_loop(0, GROUPS, unroll=4)
                def grp_body(g):
                    row = g // (CW // L)
                    col = (g % (CW // L)) * L
                    idx = idx_v[b, row, pl.ds(col, L)]
                    for hh in range(HHALF):
                        vals = plsc.load_gather(
                            tbl_v, [idx + (h0 + hh) * NUM_TYPES])
                        out_v[half, hh, row, pl.ds(col, L)] = vals

                pltpu.async_copy(out_v.at[half], out_hbm.at[hs, rs, cs],
                                 out_sem)
        return carry

    lax.fori_loop(0, N_CHUNKS // NBUF, pair_body, 0)
    rl, cl = chunk_slices(N_CHUNKS - 1)
    for half in range(2):
        hs = pl.ds(half * HHALF, HHALF)
        pltpu.make_async_copy(out_v.at[half], out_hbm.at[hs, rl, cl],
                              out_sem).wait()


def kernel(edge_type_matrix, edge_embedding_weight):
    idx = edge_type_matrix.astype(jnp.int32)
    return _edge_bias_sc(idx, edge_embedding_weight)

# --- scband reference (transcript-rebuilt; emitter-appended) ---
"""Pipeline reference for scband-hetero-edge-bias-68504728371422 (READ-ONLY COPY).

The authoritative reference and input builder live on the scoring server;
editing this copy changes nothing except your own understanding.
"""

import jax, jax.numpy as jnp
import numpy as np

NUM_HEADS = 16
NUM_EDGE_TYPES = 32
S = 2048

def setup_inputs(seed: int = 0) -> dict:
    key = jax.random.key(seed)
    k1, k2 = jax.random.split(key)
    edge_type_matrix = jax.random.randint(k1, (S, S), 0, NUM_EDGE_TYPES, dtype=jnp.int64 if jax.config.jax_enable_x64 else jnp.int32)
    # embedding table; original inits to zeros, but use small random values so outputs/grads are non-trivial
    edge_embedding_weight = jax.random.normal(k2, (NUM_EDGE_TYPES, NUM_HEADS), dtype=jnp.float32) * 0.02
    return {"edge_type_matrix": edge_type_matrix, "edge_embedding_weight": edge_embedding_weight}

def reference(edge_type_matrix, edge_embedding_weight):
    # nn.Embedding lookup: [X, Y] int -> [X, Y, num_heads]
    emb = jnp.take(edge_embedding_weight, edge_type_matrix, axis=0)
    # rearrange 'X Y B -> B X Y'
    bias = jnp.transpose(emb, (2, 0, 1))
    return bias

if __name__ == "__main__":
    import jax
    _d = setup_inputs()
    print(jax.jit(kernel)(*tuple(_d.values())))

</pallas_src>

<mosaic_0001>
#map = affine_map<(d0, d1) -> (0, 0)>
#map1 = affine_map<(d0, d1) -> (0, 0, 0)>
module attributes {stable_mosaic.version = 14 : i64} {
  func.func @_edge_bias_sc(%arg0: i32, %arg1: i32, %arg2: memref<2048x2048xi32, #tpu.memory_space<hbm>>, %arg3: memref<32x16xf32, #tpu.memory_space<hbm>>, %arg4: memref<16x2048x2048xf32, #tpu.memory_space<hbm>>, %arg5: memref<512xf32, #tpu.memory_space<vmem>>, %arg6: memref<32x16xf32, #tpu.memory_space<vmem>>, %arg7: memref<2x8x512xi32, #tpu.memory_space<vmem>>, %arg8: memref<2x8x8x512xf32, #tpu.memory_space<vmem>>, %arg9: memref<!tpu.dma_semaphore, #tpu.memory_space<semaphore_mem>>, %arg10: memref<!tpu.dma_semaphore, #tpu.memory_space<semaphore_mem>>) attributes {dimension_semantics = [#tpu.dimension_semantics<core_parallel>, #tpu.dimension_semantics<subcore_parallel>], iteration_bounds = array<i64: 2, 16>, scalar_prefetch = 0 : i64, scratch_operands = 6 : i64, tpu.core_type = #tpu.core_type<sc_vector_subcore>, window_params = [{transform_indices = #map}, {transform_indices = #map}, {transform_indices = #map1}]} {
    %mul3A = arith.constant 2 : i32
    %mul3A_0 = arith.muli %arg1, %mul3A : i32
    %add3A = arith.addi %mul3A_0, %arg0 : i32
    %mul3A_1 = arith.constant 8 : i32
    %mul3A_2 = arith.muli %add3A, %mul3A_1 : i32
    %mul3A_3 = arith.constant 8 : i32
    %mul3A_4 = arith.muli %mul3A_2, %mul3A_3 : i32
    %add3A_5 = arith.constant 0 : i32
    %add3A_6 = arith.addi %mul3A_4, %add3A_5 : i32
    %dma_start3A = arith.constant 0 : i32
    %dma_start3A_7 = arith.constant 0 : i32
    %dma_start3A_8 = arith.constant 0 : i32
    %dma_start3A_9 = tpu.memref_slice %arg7[%dma_start3A, %dma_start3A_7, %dma_start3A_8] : memref<2x8x512xi32, #tpu.memory_space<vmem>> -> memref<1x8x512xi32, #tpu.memory_space<vmem>>
    %dma_start3A_10 = tpu.memref_squeeze %dma_start3A_9 : memref<1x8x512xi32, #tpu.memory_space<vmem>> -> memref<8x512xi32, #tpu.memory_space<vmem>>
    %dma_start3A_11 = arith.constant 0 : i32
    %dma_start3A_12 = tpu.memref_slice %arg2[%add3A_6, %dma_start3A_11] : memref<2048x2048xi32, #tpu.memory_space<hbm>> -> memref<8x512xi32, #tpu.memory_space<hbm>>
    %dma_start3A_13 = arith.constant 0 : i32
    %dma_start3A_14 = arith.constant 0 : i32
    %dma_start3A_15 = tpu.memref_slice %arg7[%dma_start3A, %dma_start3A_13, %dma_start3A_14] : memref<2x8x512xi32, #tpu.memory_space<vmem>> -> memref<1x8x512xi32, #tpu.memory_space<vmem>>
    %dma_start3A_16 = tpu.memref_squeeze %dma_start3A_15 : memref<1x8x512xi32, #tpu.memory_space<vmem>> -> memref<8x512xi32, #tpu.memory_space<vmem>>
    %dma_start3A_17 = arith.constant 0 : i32
    %dma_start3A_18 = tpu.memref_slice %arg2[%add3A_6, %dma_start3A_17] : memref<2048x2048xi32, #tpu.memory_space<hbm>> -> memref<8x512xi32, #tpu.memory_space<hbm>>
    tpu.enqueue_dma source(%dma_start3A_18 : memref<8x512xi32, #tpu.memory_space<hbm>>) target(%dma_start3A_16 : memref<8x512xi32, #tpu.memory_space<vmem>>) target_semaphore(%arg9 : memref<!tpu.dma_semaphore, #tpu.memory_space<semaphore_mem>>)
    "tpu.region"() ({
      %run_scoped3A = tpu.sem_alloc : memref<!tpu.dma_semaphore, #tpu.memory_space<semaphore_mem>>
      tpu.enqueue_dma source(%arg3 : memref<32x16xf32, #tpu.memory_space<hbm>>) target(%arg6 : memref<32x16xf32, #tpu.memory_space<vmem>>) target_semaphore(%run_scoped3A : memref<!tpu.dma_semaphore, #tpu.memory_space<semaphore_mem>>)
      tpu.wait_dma2 semaphore(%run_scoped3A : memref<!tpu.dma_semaphore, #tpu.memory_space<semaphore_mem>>) src(%arg3 : memref<32x16xf32, #tpu.memory_space<hbm>>) dst(%arg6 : memref<32x16xf32, #tpu.memory_space<vmem>>)
      tpu.yield
    }) : () -> ()
    %iota3A = tpu.iota {dimensions = array<i32: 0>} : vector<16xi32>
    %mul3A_19 = arith.constant 32 : i32
    %mul3A_20 = vector.broadcast %mul3A_19 : i32 to vector<16xi32>
    %mul3A_21 = arith.muli %iota3A, %mul3A_20 : vector<16xi32>
    %add3A_22 = arith.constant 0 : i32
    %add3A_23 = vector.broadcast %add3A_22 : i32 to vector<16xi32>
    %add3A_24 = arith.addi %mul3A_21, %add3A_23 : vector<16xi32>
    %get3A = arith.constant 0 : i32
    %get3A_25 = arith.index_cast %get3A : i32 to index
    %get3A_26 = arith.constant 0 : index
    %get3A_27 = tpu.vector_load %arg6[%get3A_25, %get3A_26] {strides = array<i32>} : memref<32x16xf32, #tpu.memory_space<vmem>>, vector<16xf32>,
    tpu.vector_store_idx %arg5[%add3A_24], %get3A_27 : memref<512xf32, #tpu.memory_space<vmem>>[vector<16xi32>], vector<16xf32>,
    %add3A_28 = arith.constant 1 : i32
    %add3A_29 = vector.broadcast %add3A_28 : i32 to vector<16xi32>
    %add3A_30 = arith.addi %mul3A_21, %add3A_29 : vector<16xi32>
    %get3A_31 = arith.constant 1 : i32
    %get3A_32 = arith.index_cast %get3A_31 : i32 to index
    %get3A_33 = arith.constant 0 : index
    %get3A_34 = tpu.vector_load %arg6[%get3A_32, %get3A_33] {strides = array<i32>} : memref<32x16xf32, #tpu.memory_space<vmem>>, vector<16xf32>,
    tpu.vector_store_idx %arg5[%add3A_30], %get3A_34 : memref<512xf32, #tpu.memory_space<vmem>>[vector<16xi32>], vector<16xf32>,
    %add3A_35 = arith.constant 2 : i32
    %add3A_36 = vector.broadcast %add3A_35 : i32 to vector<16xi32>
    %add3A_37 = arith.addi %mul3A_21, %add3A_36 : vector<16xi32>
    %get3A_38 = arith.constant 2 : i32
    %get3A_39 = arith.index_cast %get3A_38 : i32 to index
    %get3A_40 = arith.constant 0 : index
    %get3A_41 = tpu.vector_load %arg6[%get3A_39, %get3A_40] {strides = array<i32>} : memref<32x16xf32, #tpu.memory_space<vmem>>, vector<16xf32>,
    tpu.vector_store_idx %arg5[%add3A_37], %get3A_41 : memref<512xf32, #tpu.memory_space<vmem>>[vector<16xi32>], vector<16xf32>,
    %add3A_42 = arith.constant 3 : i32
    %add3A_43 = vector.broadcast %add3A_42 : i32 to vector<16xi32>
    %add3A_44 = arith.addi %mul3A_21, %add3A_43 : vector<16xi32>
    %get3A_45 = arith.constant 3 : i32
    %get3A_46 = arith.index_cast %get3A_45 : i32 to index
    %get3A_47 = arith.constant 0 : index
    %get3A_48 = tpu.vector_load %arg6[%get3A_46, %get3A_47] {strides = array<i32>} : memref<32x16xf32, #tpu.memory_space<vmem>>, vector<16xf32>,
    tpu.vector_store_idx %arg5[%add3A_44], %get3A_48 : memref<512xf32, #tpu.memory_space<vmem>>[vector<16xi32>], vector<16xf32>,
    %add3A_49 = arith.constant 4 : i32
    %add3A_50 = vector.broadcast %add3A_49 : i32 to vector<16xi32>
    %add3A_51 = arith.addi %mul3A_21, %add3A_50 : vector<16xi32>
    %get3A_52 = arith.constant 4 : i32
    %get3A_53 = arith.index_cast %get3A_52 : i32 to index
    %get3A_54 = arith.constant 0 : index
    %get3A_55 = tpu.vector_load %arg6[%get3A_53, %get3A_54] {strides = array<i32>} : memref<32x16xf32, #tpu.memory_space<vmem>>, vector<16xf32>,
    tpu.vector_store_idx %arg5[%add3A_51], %get3A_55 : memref<512xf32, #tpu.memory_space<vmem>>[vector<16xi32>], vector<16xf32>,
    %add3A_56 = arith.constant 5 : i32
    %add3A_57 = vector.broadcast %add3A_56 : i32 to vector<16xi32>
    %add3A_58 = arith.addi %mul3A_21, %add3A_57 : vector<16xi32>
    %get3A_59 = arith.constant 5 : i32
    %get3A_60 = arith.index_cast %get3A_59 : i32 to index
    %get3A_61 = arith.constant 0 : index
    %get3A_62 = tpu.vector_load %arg6[%get3A_60, %get3A_61] {strides = array<i32>} : memref<32x16xf32, #tpu.memory_space<vmem>>, vector<16xf32>,
    tpu.vector_store_idx %arg5[%add3A_58], %get3A_62 : memref<512xf32, #tpu.memory_space<vmem>>[vector<16xi32>], vector<16xf32>,
    %add3A_63 = arith.constant 6 : i32
    %add3A_64 = vector.broadcast %add3A_63 : i32 to vector<16xi32>
    %add3A_65 = arith.addi %mul3A_21, %add3A_64 : vector<16xi32>
    %get3A_66 = arith.constant 6 : i32
    %get3A_67 = arith.index_cast %get3A_66 : i32 to index
    %get3A_68 = arith.constant 0 : index
    %get3A_69 = tpu.vector_load %arg6[%get3A_67, %get3A_68] {strides = array<i32>} : memref<32x16xf32, #tpu.memory_space<vmem>>, vector<16xf32>,
    tpu.vector_store_idx %arg5[%add3A_65], %get3A_69 : memref<512xf32, #tpu.memory_space<vmem>>[vector<16xi32>], vector<16xf32>,
    %add3A_70 = arith.constant 7 : i32
    %add3A_71 = vector.broadcast %add3A_70 : i32 to vector<16xi32>
    %add3A_72 = arith.addi %mul3A_21, %add3A_71 : vector<16xi32>
    %get3A_73 = arith.constant 7 : i32
    %get3A_74 = arith.index_cast %get3A_73 : i32 to index
    %get3A_75 = arith.constant 0 : index
    %get3A_76 = tpu.vector_load %arg6[%get3A_74, %get3A_75] {strides = array<i32>} : memref<32x16xf32, #tpu.memory_space<vmem>>, vector<16xf32>,
    tpu.vector_store_idx %arg5[%add3A_72], %get3A_76 : memref<512xf32, #tpu.memory_space<vmem>>[vector<16xi32>], vector<16xf32>,
    %add3A_77 = arith.constant 8 : i32
    %add3A_78 = vector.broadcast %add3A_77 : i32 to vector<16xi32>
    %add3A_79 = arith.addi %mul3A_21, %add3A_78 : vector<16xi32>
    %get3A_80 = arith.constant 8 : i32
    %get3A_81 = arith.index_cast %get3A_80 : i32 to index
    %get3A_82 = arith.constant 0 : index
    %get3A_83 = tpu.vector_load %arg6[%get3A_81, %get3A_82] {strides = array<i32>} : memref<32x16xf32, #tpu.memory_space<vmem>>, vector<16xf32>,
    tpu.vector_store_idx %arg5[%add3A_79], %get3A_83 : memref<512xf32, #tpu.memory_space<vmem>>[vector<16xi32>], vector<16xf32>,
    %add3A_84 = arith.constant 9 : i32
    %add3A_85 = vector.broadcast %add3A_84 : i32 to vector<16xi32>
    %add3A_86 = arith.addi %mul3A_21, %add3A_85 : vector<16xi32>
    %get3A_87 = arith.constant 9 : i32
    %get3A_88 = arith.index_cast %get3A_87 : i32 to index
    %get3A_89 = arith.constant 0 : index
    %get3A_90 = tpu.vector_load %arg6[%get3A_88, %get3A_89] {strides = array<i32>} : memref<32x16xf32, #tpu.memory_space<vmem>>, vector<16xf32>,
    tpu.vector_store_idx %arg5[%add3A_86], %get3A_90 : memref<512xf32, #tpu.memory_space<vmem>>[vector<16xi32>], vector<16xf32>,
    %add3A_91 = arith.constant 10 : i32
    %add3A_92 = vector.broadcast %add3A_91 : i32 to vector<16xi32>
    %add3A_93 = arith.addi %mul3A_21, %add3A_92 : vector<16xi32>
    %get3A_94 = arith.constant 10 : i32
    %get3A_95 = arith.index_cast %get3A_94 : i32 to index
    %get3A_96 = arith.constant 0 : index
    %get3A_97 = tpu.vector_load %arg6[%get3A_95, %get3A_96] {strides = array<i32>} : memref<32x16xf32, #tpu.memory_space<vmem>>, vector<16xf32>,
    tpu.vector_store_idx %arg5[%add3A_93], %get3A_97 : memref<512xf32, #tpu.memory_space<vmem>>[vector<16xi32>], vector<16xf32>,
    %add3A_98 = arith.constant 11 : i32
    %add3A_99 = vector.broadcast %add3A_98 : i32 to vector<16xi32>
    %add3A_100 = arith.addi %mul3A_21, %add3A_99 : vector<16xi32>
    %get3A_101 = arith.constant 11 : i32
    %get3A_102 = arith.index_cast %get3A_101 : i32 to index
    %get3A_103 = arith.constant 0 : index
    %get3A_104 = tpu.vector_load %arg6[%get3A_102, %get3A_103] {strides = array<i32>} : memref<32x16xf32, #tpu.memory_space<vmem>>, vector<16xf32>,
    tpu.vector_store_idx %arg5[%add3A_100], %get3A_104 : memref<512xf32, #tpu.memory_space<vmem>>[vector<16xi32>], vector<16xf32>,
    %add3A_105 = arith.constant 12 : i32
    %add3A_106 = vector.broadcast %add3A_105 : i32 to vector<16xi32>
    %add3A_107 = arith.addi %mul3A_21, %add3A_106 : vector<16xi32>
    %get3A_108 = arith.constant 12 : i32
    %get3A_109 = arith.index_cast %get3A_108 : i32 to index
    %get3A_110 = arith.constant 0 : index
    %get3A_111 = tpu.vector_load %arg6[%get3A_109, %get3A_110] {strides = array<i32>} : memref<32x16xf32, #tpu.memory_space<vmem>>, vector<16xf32>,
    tpu.vector_store_idx %arg5[%add3A_107], %get3A_111 : memref<512xf32, #tpu.memory_space<vmem>>[vector<16xi32>], vector<16xf32>,
    %add3A_112 = arith.constant 13 : i32
    %add3A_113 = vector.broadcast %add3A_112 : i32 to vector<16xi32>
    %add3A_114 = arith.addi %mul3A_21, %add3A_113 : vector<16xi32>
    %get3A_115 = arith.constant 13 : i32
    %get3A_116 = arith.index_cast %get3A_115 : i32 to index
    %get3A_117 = arith.constant 0 : index
    %get3A_118 = tpu.vector_load %arg6[%get3A_116, %get3A_117] {strides = array<i32>} : memref<32x16xf32, #tpu.memory_space<vmem>>, vector<16xf32>,
    tpu.vector_store_idx %arg5[%add3A_114], %get3A_118 : memref<512xf32, #tpu.memory_space<vmem>>[vector<16xi32>], vector<16xf32>,
    %add3A_119 = arith.constant 14 : i32
    %add3A_120 = vector.broadcast %add3A_119 : i32 to vector<16xi32>
    %add3A_121 = arith.addi %mul3A_21, %add3A_120 : vector<16xi32>
    %get3A_122 = arith.constant 14 : i32
    %get3A_123 = arith.index_cast %get3A_122 : i32 to index
    %get3A_124 = arith.constant 0 : index
    %get3A_125 = tpu.vector_load %arg6[%get3A_123, %get3A_124] {strides = array<i32>} : memref<32x16xf32, #tpu.memory_space<vmem>>, vector<16xf32>,
    tpu.vector_store_idx %arg5[%add3A_121], %get3A_125 : memref<512xf32, #tpu.memory_space<vmem>>[vector<16xi32>], vector<16xf32>,
    %add3A_126 = arith.constant 15 : i32
    %add3A_127 = vector.broadcast %add3A_126 : i32 to vector<16xi32>
    %add3A_128 = arith.addi %mul3A_21, %add3A_127 : vector<16xi32>
    %get3A_129 = arith.constant 15 : i32
    %get3A_130 = arith.index_cast %get3A_129 : i32 to index
    %get3A_131 = arith.constant 0 : index
    %get3A_132 = tpu.vector_load %arg6[%get3A_130, %get3A_131] {strides = array<i32>} : memref<32x16xf32, #tpu.memory_space<vmem>>, vector<16xf32>,
    tpu.vector_store_idx %arg5[%add3A_128], %get3A_132 : memref<512xf32, #tpu.memory_space<vmem>>[vector<16xi32>], vector<16xf32>,
    %add3A_133 = arith.constant 16 : i32
    %add3A_134 = vector.broadcast %add3A_133 : i32 to vector<16xi32>
    %add3A_135 = arith.addi %mul3A_21, %add3A_134 : vector<16xi32>
    %get3A_136 = arith.constant 16 : i32
    %get3A_137 = arith.index_cast %get3A_136 : i32 to index
    %get3A_138 = arith.constant 0 : index
    %get3A_139 = tpu.vector_load %arg6[%get3A_137, %get3A_138] {strides = array<i32>} : memref<32x16xf32, #tpu.memory_space<vmem>>, vector<16xf32>,
    tpu.vector_store_idx %arg5[%add3A_135], %get3A_139 : memref<512xf32, #tpu.memory_space<vmem>>[vector<16xi32>], vector<16xf32>,
    %add3A_140 = arith.constant 17 : i32
    %add3A_141 = vector.broadcast %add3A_140 : i32 to vector<16xi32>
    %add3A_142 = arith.addi %mul3A_21, %add3A_141 : vector<16xi32>
    %get3A_143 = arith.constant 17 : i32
    %get3A_144 = arith.index_cast %get3A_143 : i32 to index
    %get3A_145 = arith.constant 0 : index
    %get3A_146 = tpu.vector_load %arg6[%get3A_144, %get3A_145] {strides = array<i32>} : memref<32x16xf32, #tpu.memory_space<vmem>>, vector<16xf32>,
    tpu.vector_store_idx %arg5[%add3A_142], %get3A_146 : memref<512xf32, #tpu.memory_space<vmem>>[vector<16xi32>], vector<16xf32>,
    %add3A_147 = arith.constant 18 : i32
    %add3A_148 = vector.broadcast %add3A_147 : i32 to vector<16xi32>
    %add3A_149 = arith.addi %mul3A_21, %add3A_148 : vector<16xi32>
    %get3A_150 = arith.constant 18 : i32
    %get3A_151 = arith.index_cast %get3A_150 : i32 to index
    %get3A_152 = arith.constant 0 : index
    %get3A_153 = tpu.vector_load %arg6[%get3A_151, %get3A_152] {strides = array<i32>} : memref<32x16xf32, #tpu.memory_space<vmem>>, vector<16xf32>,
    tpu.vector_store_idx %arg5[%add3A_149], %get3A_153 : memref<512xf32, #tpu.memory_space<vmem>>[vector<16xi32>], vector<16xf32>,
    %add3A_154 = arith.constant 19 : i32
    %add3A_155 = vector.broadcast %add3A_154 : i32 to vector<16xi32>
    %add3A_156 = arith.addi %mul3A_21, %add3A_155 : vector<16xi32>
    %get3A_157 = arith.constant 19 : i32
    %get3A_158 = arith.index_cast %get3A_157 : i32 to index
    %get3A_159 = arith.constant 0 : index
    %get3A_160 = tpu.vector_load %arg6[%get3A_158, %get3A_159] {strides = array<i32>} : memref<32x16xf32, #tpu.memory_space<vmem>>, vector<16xf32>,
    tpu.vector_store_idx %arg5[%add3A_156], %get3A_160 : memref<512xf32, #tpu.memory_space<vmem>>[vector<16xi32>], vector<16xf32>,
    %add3A_161 = arith.constant 20 : i32
    %add3A_162 = vector.broadcast %add3A_161 : i32 to vector<16xi32>
    %add3A_163 = arith.addi %mul3A_21, %add3A_162 : vector<16xi32>
    %get3A_164 = arith.constant 20 : i32
    %get3A_165 = arith.index_cast %get3A_164 : i32 to index
    %get3A_166 = arith.constant 0 : index
    %get3A_167 = tpu.vector_load %arg6[%get3A_165, %get3A_166] {strides = array<i32>} : memref<32x16xf32, #tpu.memory_space<vmem>>, vector<16xf32>,
    tpu.vector_store_idx %arg5[%add3A_163], %get3A_167 : memref<512xf32, #tpu.memory_space<vmem>>[vector<16xi32>], vector<16xf32>,
    %add3A_168 = arith.constant 21 : i32
    %add3A_169 = vector.broadcast %add3A_168 : i32 to vector<16xi32>
    %add3A_170 = arith.addi %mul3A_21, %add3A_169 : vector<16xi32>
    %get3A_171 = arith.constant 21 : i32
    %get3A_172 = arith.index_cast %get3A_171 : i32 to index
    %get3A_173 = arith.constant 0 : index
    %get3A_174 = tpu.vector_load %arg6[%get3A_172, %get3A_173] {strides = array<i32>} : memref<32x16xf32, #tpu.memory_space<vmem>>, vector<16xf32>,
    tpu.vector_store_idx %arg5[%add3A_170], %get3A_174 : memref<512xf32, #tpu.memory_space<vmem>>[vector<16xi32>], vector<16xf32>,
    %add3A_175 = arith.constant 22 : i32
    %add3A_176 = vector.broadcast %add3A_175 : i32 to vector<16xi32>
    %add3A_177 = arith.addi %mul3A_21, %add3A_176 : vector<16xi32>
    %get3A_178 = arith.constant 22 : i32
    %get3A_179 = arith.index_cast %get3A_178 : i32 to index
    %get3A_180 = arith.constant 0 : index
    %get3A_181 = tpu.vector_load %arg6[%get3A_179, %get3A_180] {strides = array<i32>} : memref<32x16xf32, #tpu.memory_space<vmem>>, vector<16xf32>,
    tpu.vector_store_idx %arg5[%add3A_177], %get3A_181 : memref<512xf32, #tpu.memory_space<vmem>>[vector<16xi32>], vector<16xf32>,
    %add3A_182 = arith.constant 23 : i32
    %add3A_183 = vector.broadcast %add3A_182 : i32 to vector<16xi32>
    %add3A_184 = arith.addi %mul3A_21, %add3A_183 : vector<16xi32>
    %get3A_185 = arith.constant 23 : i32
    %get3A_186 = arith.index_cast %get3A_185 : i32 to index
    %get3A_187 = arith.constant 0 : index
    %get3A_188 = tpu.vector_load %arg6[%get3A_186, %get3A_187] {strides = array<i32>} : memref<32x16xf32, #tpu.memory_space<vmem>>, vector<16xf32>,
    tpu.vector_store_idx %arg5[%add3A_184], %get3A_188 : memref<512xf32, #tpu.memory_space<vmem>>[vector<16xi32>], vector<16xf32>,
    %add3A_189 = arith.constant 24 : i32
    %add3A_190 = vector.broadcast %add3A_189 : i32 to vector<16xi32>
    %add3A_191 = arith.addi %mul3A_21, %add3A_190 : vector<16xi32>
    %get3A_192 = arith.constant 24 : i32
    %get3A_193 = arith.index_cast %get3A_192 : i32 to index
    %get3A_194 = arith.constant 0 : index
    %get3A_195 = tpu.vector_load %arg6[%get3A_193, %get3A_194] {strides = array<i32>} : memref<32x16xf32, #tpu.memory_space<vmem>>, vector<16xf32>,
    tpu.vector_store_idx %arg5[%add3A_191], %get3A_195 : memref<512xf32, #tpu.memory_space<vmem>>[vector<16xi32>], vector<16xf32>,
    %add3A_196 = arith.constant 25 : i32
    %add3A_197 = vector.broadcast %add3A_196 : i32 to vector<16xi32>
    %add3A_198 = arith.addi %mul3A_21, %add3A_197 : vector<16xi32>
    %get3A_199 = arith.constant 25 : i32
    %get3A_200 = arith.index_cast %get3A_199 : i32 to index
    %get3A_201 = arith.constant 0 : index
    %get3A_202 = tpu.vector_load %arg6[%get3A_200, %get3A_201] {strides = array<i32>} : memref<32x16xf32, #tpu.memory_space<vmem>>, vector<16xf32>,
    tpu.vector_store_idx %arg5[%add3A_198], %get3A_202 : memref<512xf32, #tpu.memory_space<vmem>>[vector<16xi32>], vector<16xf32>,
    %add3A_203 = arith.constant 26 : i32
    %add3A_204 = vector.broadcast %add3A_203 : i32 to vector<16xi32>
    %add3A_205 = arith.addi %mul3A_21, %add3A_204 : vector<16xi32>
    %get3A_206 = arith.constant 26 : i32
    %get3A_207 = arith.index_cast %get3A_206 : i32 to index
    %get3A_208 = arith.constant 0 : index
    %get3A_209 = tpu.vector_load %arg6[%get3A_207, %get3A_208] {strides = array<i32>} : memref<32x16xf32, #tpu.memory_space<vmem>>, vector<16xf32>,
    tpu.vector_store_idx %arg5[%add3A_205], %get3A_209 : memref<512xf32, #tpu.memory_space<vmem>>[vector<16xi32>], vector<16xf32>,
    %add3A_210 = arith.constant 27 : i32
    %add3A_211 = vector.broadcast %add3A_210 : i32 to vector<16xi32>
    %add3A_212 = arith.addi %mul3A_21, %add3A_211 : vector<16xi32>
    %get3A_213 = arith.constant 27 : i32
    %get3A_214 = arith.index_cast %get3A_213 : i32 to index
    %get3A_215 = arith.constant 0 : index
    %get3A_216 = tpu.vector_load %arg6[%get3A_214, %get3A_215] {strides = array<i32>} : memref<32x16xf32, #tpu.memory_space<vmem>>, vector<16xf32>,
    tpu.vector_store_idx %arg5[%add3A_212], %get3A_216 : memref<512xf32, #tpu.memory_space<vmem>>[vector<16xi32>], vector<16xf32>,
    %add3A_217 = arith.constant 28 : i32
    %add3A_218 = vector.broadcast %add3A_217 : i32 to vector<16xi32>
    %add3A_219 = arith.addi %mul3A_21, %add3A_218 : vector<16xi32>
    %get3A_220 = arith.constant 28 : i32
    %get3A_221 = arith.index_cast %get3A_220 : i32 to index
    %get3A_222 = arith.constant 0 : index
    %get3A_223 = tpu.vector_load %arg6[%get3A_221, %get3A_222] {strides = array<i32>} : memref<32x16xf32, #tpu.memory_space<vmem>>, vector<16xf32>,
    tpu.vector_store_idx %arg5[%add3A_219], %get3A_223 : memref<512xf32, #tpu.memory_space<vmem>>[vector<16xi32>], vector<16xf32>,
    %add3A_224 = arith.constant 29 : i32
    %add3A_225 = vector.broadcast %add3A_224 : i32 to vector<16xi32>
    %add3A_226 = arith.addi %mul3A_21, %add3A_225 : vector<16xi32>
    %get3A_227 = arith.constant 29 : i32
    %get3A_228 = arith.index_cast %get3A_227 : i32 to index
    %get3A_229 = arith.constant 0 : index
    %get3A_230 = tpu.vector_load %arg6[%get3A_228, %get3A_229] {strides = array<i32>} : memref<32x16xf32, #tpu.memory_space<vmem>>, vector<16xf32>,
    tpu.vector_store_idx %arg5[%add3A_226], %get3A_230 : memref<512xf32, #tpu.memory_space<vmem>>[vector<16xi32>], vector<16xf32>,
    %add3A_231 = arith.constant 30 : i32
    %add3A_232 = vector.broadcast %add3A_231 : i32 to vector<16xi32>
    %add3A_233 = arith.addi %mul3A_21, %add3A_232 : vector<16xi32>
    %get3A_234 = arith.constant 30 : i32
    %get3A_235 = arith.index_cast %get3A_234 : i32 to index
    %get3A_236 = arith.constant 0 : index
    %get3A_237 = tpu.vector_load %arg6[%get3A_235, %get3A_236] {strides = array<i32>} : memref<32x16xf32, #tpu.memory_space<vmem>>, vector<16xf32>,
    tpu.vector_store_idx %arg5[%add3A_233], %get3A_237 : memref<512xf32, #tpu.memory_space<vmem>>[vector<16xi32>], vector<16xf32>,
    %add3A_238 = arith.constant 31 : i32
    %add3A_239 = vector.broadcast %add3A_238 : i32 to vector<16xi32>
    %add3A_240 = arith.addi %mul3A_21, %add3A_239 : vector<16xi32>
    %get3A_241 = arith.constant 31 : i32
    %get3A_242 = arith.index_cast %get3A_241 : i32 to index
    %get3A_243 = arith.constant 0 : index
    %get3A_244 = tpu.vector_load %arg6[%get3A_242, %get3A_243] {strides = array<i32>} : memref<32x16xf32, #tpu.memory_space<vmem>>, vector<16xf32>,
    tpu.vector_store_idx %arg5[%add3A_240], %get3A_244 : memref<512xf32, #tpu.memory_space<vmem>>[vector<16xi32>], vector<16xf32>,
    %scan3A = arith.constant 0 : i32
    %scan3A_245 = arith.constant 0 : i32
    %scan3A_246 = arith.constant 16 : i32
    %scan3A_247 = arith.addi %scan3A_245, %scan3A_246 : i32
    %scan3A_248 = arith.constant 1 : i32
    scf.for %scan3A_285 = %scan3A_245 to %scan3A_247 step %scan3A_248  : i32 {
      %mul3A_286 = arith.constant 2 : i32
      %mul3A_287 = arith.muli %scan3A_285, %mul3A_286 : i32
      %add3A_288 = arith.constant 0 : i32
      %add3A_289 = arith.addi %mul3A_287, %add3A_288 : i32
      %jit3A = arith.constant 4 : i32
      %div3A = arith.divsi %add3A_289, %jit3A : i32
      %sign3A = arith.constant 0 : i32
      %sign3A_290 = arith.cmpi sgt, %add3A_289, %sign3A : i32
      %sign3A_291 = arith.extui %sign3A_290 : i1 to i32
      %sign3A_292 = arith.constant 0 : i32
      %sign3A_293 = arith.cmpi slt, %add3A_289, %sign3A_292 : i32
      %sign3A_294 = arith.extui %sign3A_293 : i1 to i32
      %sign3A_295 = arith.subi %sign3A_291, %sign3A_294 : i32
      %sign3A_296 = arith.constant 0 : i32
      %sign3A_297 = arith.cmpi sgt, %jit3A, %sign3A_296 : i32
      %sign3A_298 = arith.extui %sign3A_297 : i1 to i32
      %sign3A_299 = arith.constant 0 : i32
      %sign3A_300 = arith.cmpi slt, %jit3A, %sign3A_299 : i32
      %sign3A_301 = arith.extui %sign3A_300 : i1 to i32
      %sign3A_302 = arith.subi %sign3A_298, %sign3A_301 : i32
      %ne3A = arith.cmpi ne, %sign3A_295, %sign3A_302 : i32
      %rem3A = arith.remsi %add3A_289, %jit3A : i32
      %ne3A_303 = arith.constant 0 : i32
      %ne3A_304 = arith.cmpi ne, %rem3A, %ne3A_303 : i32
      %and3A = arith.andi %ne3A, %ne3A_304 : i1
      %sub3A = arith.constant 1 : i32
      %sub3A_305 = arith.subi %div3A, %sub3A : i32
      %select_n3A = arith.select %and3A, %sub3A_305, %div3A : i32
      %mul3A_306 = arith.constant 8 : i32
      %mul3A_307 = arith.muli %select_n3A, %mul3A_306 : i32
      %add3A_308 = arith.addi %mul3A_4, %mul3A_307 : i32
      %jit3A_309 = arith.constant 4 : i32
      %eq3A = arith.constant 0 : i32
      %eq3A_310 = arith.cmpi eq, %jit3A_309, %eq3A : i32
      %jit3A_311 = arith.constant 1 : i32
      %select_n3A_312 = arith.select %eq3A_310, %jit3A_311, %jit3A_309 : i32
      %rem3A_313 = arith.remsi %add3A_289, %select_n3A_312 : i32
      %ne3A_314 = arith.constant 0 : i32
      %ne3A_315 = arith.cmpi ne, %rem3A_313, %ne3A_314 : i32
      %lt3A = arith.constant 0 : i32
      %lt3A_316 = arith.cmpi slt, %rem3A_313, %lt3A : i32
      %lt3A_317 = arith.constant 0 : i32
      %lt3A_318 = arith.cmpi slt, %select_n3A_312, %lt3A_317 : i32
      %ne3A_319 = arith.xori %lt3A_316, %lt3A_318 : i1
      %and3A_320 = arith.andi %ne3A_319, %ne3A_315 : i1
      %add3A_321 = arith.addi %rem3A_313, %select_n3A_312 : i32
      %select_n3A_322 = arith.select %and3A_320, %add3A_321, %rem3A_313 : i32
      %mul3A_323 = arith.constant 512 : i32
      %mul3A_324 = arith.muli %select_n3A_322, %mul3A_323 : i32
      %add3A_325 = arith.constant 1 : i32
      %add3A_326 = arith.addi %add3A_289, %add3A_325 : i32
      %lt3A_327 = arith.constant 32 : i32
      %lt3A_328 = arith.cmpi slt, %add3A_326, %lt3A_327 : i32
      %convert_element_type3A = arith.extui %lt3A_328 : i1 to i32
      %cond3A = arith.constant 0 : i32
      %cond3A_329 = arith.cmpi ne, %convert_element_type3A, %cond3A : i32
      scf.if %cond3A_329 {
        %add3A_498 = arith.constant 1 : i32
        %add3A_499 = arith.addi %add3A_289, %add3A_498 : i32
        %jit3A_500 = arith.constant 4 : i32
        %div3A_501 = arith.divsi %add3A_499, %jit3A_500 : i32
        %sign3A_502 = arith.constant 0 : i32
        %sign3A_503 = arith.cmpi sgt, %add3A_499, %sign3A_502 : i32
        %sign3A_504 = arith.extui %sign3A_503 : i1 to i32
        %sign3A_505 = arith.constant 0 : i32
        %sign3A_506 = arith.cmpi slt, %add3A_499, %sign3A_505 : i32
        %sign3A_507 = arith.extui %sign3A_506 : i1 to i32
        %sign3A_508 = arith.subi %sign3A_504, %sign3A_507 : i32
        %sign3A_509 = arith.constant 0 : i32
        %sign3A_510 = arith.cmpi sgt, %jit3A_500, %sign3A_509 : i32
        %sign3A_511 = arith.extui %sign3A_510 : i1 to i32
        %sign3A_512 = arith.constant 0 : i32
        %sign3A_513 = arith.cmpi slt, %jit3A_500, %sign3A_512 : i32
        %sign3A_514 = arith.extui %sign3A_513 : i1 to i32
        %sign3A_515 = arith.subi %sign3A_511, %sign3A_514 : i32
        %ne3A_516 = arith.cmpi ne, %sign3A_508, %sign3A_515 : i32
        %rem3A_517 = arith.remsi %add3A_499, %jit3A_500 : i32
        %ne3A_518 = arith.constant 0 : i32
        %ne3A_519 = arith.cmpi ne, %rem3A_517, %ne3A_518 : i32
        %and3A_520 = arith.andi %ne3A_516, %ne3A_519 : i1
        %sub3A_521 = arith.constant 1 : i32
        %sub3A_522 = arith.subi %div3A_501, %sub3A_521 : i32
        %select_n3A_523 = arith.select %and3A_520, %sub3A_522, %div3A_501 : i32
        %mul3A_524 = arith.constant 8 : i32
        %mul3A_525 = arith.muli %select_n3A_523, %mul3A_524 : i32
        %add3A_526 = arith.addi %mul3A_4, %mul3A_525 : i32
        %jit3A_527 = arith.constant 4 : i32
        %eq3A_528 = arith.constant 0 : i32
        %eq3A_529 = arith.cmpi eq, %jit3A_527, %eq3A_528 : i32
        %jit3A_530 = arith.constant 1 : i32
        %select_n3A_531 = arith.select %eq3A_529, %jit3A_530, %jit3A_527 : i32
        %rem3A_532 = arith.remsi %add3A_499, %select_n3A_531 : i32
        %ne3A_533 = arith.constant 0 : i32
        %ne3A_534 = arith.cmpi ne, %rem3A_532, %ne3A_533 : i32
        %lt3A_535 = arith.constant 0 : i32
        %lt3A_536 = arith.cmpi slt, %rem3A_532, %lt3A_535 : i32
        %lt3A_537 = arith.constant 0 : i32
        %lt3A_538 = arith.cmpi slt, %select_n3A_531, %lt3A_537 : i32
        %ne3A_539 = arith.xori %lt3A_536, %lt3A_538 : i1
        %and3A_540 = arith.andi %ne3A_539, %ne3A_534 : i1
        %add3A_541 = arith.addi %rem3A_532, %select_n3A_531 : i32
        %select_n3A_542 = arith.select %and3A_540, %add3A_541, %rem3A_532 : i32
        %mul3A_543 = arith.constant 512 : i32
        %mul3A_544 = arith.muli %select_n3A_542, %mul3A_543 : i32
        %dma_start3A_545 = arith.constant 1 : i32
        %dma_start3A_546 = arith.constant 0 : i32
        %dma_start3A_547 = arith.constant 0 : i32
        %dma_start3A_548 = tpu.memref_slice %arg7[%dma_start3A_545, %dma_start3A_546, %dma_start3A_547] : memref<2x8x512xi32, #tpu.memory_space<vmem>> -> memref<1x8x512xi32, #tpu.memory_space<vmem>>
        %dma_start3A_549 = tpu.memref_squeeze %dma_start3A_548 : memref<1x8x512xi32, #tpu.memory_space<vmem>> -> memref<8x512xi32, #tpu.memory_space<vmem>>
        %dma_start3A_550 = tpu.memref_slice %arg2[%add3A_526, %mul3A_544] : memref<2048x2048xi32, #tpu.memory_space<hbm>> -> memref<8x512xi32, #tpu.memory_space<hbm>>
        %dma_start3A_551 = arith.constant 0 : i32
        %dma_start3A_552 = arith.constant 0 : i32
        %dma_start3A_553 = tpu.memref_slice %arg7[%dma_start3A_545, %dma_start3A_551, %dma_start3A_552] : memref<2x8x512xi32, #tpu.memory_space<vmem>> -> memref<1x8x512xi32, #tpu.memory_space<vmem>>
        %dma_start3A_554 = tpu.memref_squeeze %dma_start3A_553 : memref<1x8x512xi32, #tpu.memory_space<vmem>> -> memref<8x512xi32, #tpu.memory_space<vmem>>
        %dma_start3A_555 = tpu.memref_slice %arg2[%add3A_526, %mul3A_544] : memref<2048x2048xi32, #tpu.memory_space<hbm>> -> memref<8x512xi32, #tpu.memory_space<hbm>>
        tpu.enqueue_dma source(%dma_start3A_555 : memref<8x512xi32, #tpu.memory_space<hbm>>) target(%dma_start3A_554 : memref<8x512xi32, #tpu.memory_space<vmem>>) target_semaphore(%arg9 : memref<!tpu.dma_semaphore, #tpu.memory_space<semaphore_mem>>)
      } else {
      }
      %dma_wait3A_330 = arith.constant 0 : i32
      %dma_wait3A_331 = arith.constant 0 : i32
      %dma_wait3A_332 = arith.constant 0 : i32
      %dma_wait3A_333 = tpu.memref_slice %arg7[%dma_wait3A_330, %dma_wait3A_331, %dma_wait3A_332] : memref<2x8x512xi32, #tpu.memory_space<vmem>> -> memref<1x8x512xi32, #tpu.memory_space<vmem>>
      %dma_wait3A_334 = tpu.memref_squeeze %dma_wait3A_333 : memref<1x8x512xi32, #tpu.memory_space<vmem>> -> memref<8x512xi32, #tpu.memory_space<vmem>>
      %dma_wait3A_335 = tpu.memref_slice %arg2[%add3A_308, %mul3A_324] : memref<2048x2048xi32, #tpu.memory_space<hbm>> -> memref<8x512xi32, #tpu.memory_space<hbm>>
      %dma_wait3A_336 = arith.constant 0 : i32
      %dma_wait3A_337 = arith.constant 0 : i32
      %dma_wait3A_338 = tpu.memref_slice %arg7[%dma_wait3A_330, %dma_wait3A_336, %dma_wait3A_337] : memref<2x8x512xi32, #tpu.memory_space<vmem>> -> memref<1x8x512xi32, #tpu.memory_space<vmem>>
      %dma_wait3A_339 = tpu.memref_squeeze %dma_wait3A_338 : memref<1x8x512xi32, #tpu.memory_space<vmem>> -> memref<8x512xi32, #tpu.memory_space<vmem>>
      %dma_wait3A_340 = tpu.memref_slice %arg2[%add3A_308, %mul3A_324] : memref<2048x2048xi32, #tpu.memory_space<hbm>> -> memref<8x512xi32, #tpu.memory_space<hbm>>
      tpu.wait_dma2 semaphore(%arg9 : memref<!tpu.dma_semaphore, #tpu.memory_space<semaphore_mem>>) src(%dma_wait3A_340 : memref<8x512xi32, #tpu.memory_space<hbm>>) dst(%dma_wait3A_339 : memref<8x512xi32, #tpu.memory_space<vmem>>)
      %ge3A = arith.constant 1 : i32
      %ge3A_341 = arith.cmpi sge, %add3A_289, %ge3A : i32
      %convert_element_type3A_342 = arith.extui %ge3A_341 : i1 to i32
      %cond3A_343 = arith.constant 0 : i32
      %cond3A_344 = arith.cmpi ne, %convert_element_type3A_342, %cond3A_343 : i32
      scf.if %cond3A_344 {
        %sub3A_498 = arith.constant 1 : i32
        %sub3A_499 = arith.subi %add3A_289, %sub3A_498 : i32
        %jit3A_500 = arith.constant 4 : i32
        %div3A_501 = arith.divsi %sub3A_499, %jit3A_500 : i32
        %sign3A_502 = arith.constant 0 : i32
        %sign3A_503 = arith.cmpi sgt, %sub3A_499, %sign3A_502 : i32
        %sign3A_504 = arith.extui %sign3A_503 : i1 to i32
        %sign3A_505 = arith.constant 0 : i32
        %sign3A_506 = arith.cmpi slt, %sub3A_499, %sign3A_505 : i32
        %sign3A_507 = arith.extui %sign3A_506 : i1 to i32
        %sign3A_508 = arith.subi %sign3A_504, %sign3A_507 : i32
        %sign3A_509 = arith.constant 0 : i32
        %sign3A_510 = arith.cmpi sgt, %jit3A_500, %sign3A_509 : i32
        %sign3A_511 = arith.extui %sign3A_510 : i1 to i32
        %sign3A_512 = arith.constant 0 : i32
        %sign3A_513 = arith.cmpi slt, %jit3A_500, %sign3A_512 : i32
        %sign3A_514 = arith.extui %sign3A_513 : i1 to i32
        %sign3A_515 = arith.subi %sign3A_511, %sign3A_514 : i32
        %ne3A_516 = arith.cmpi ne, %sign3A_508, %sign3A_515 : i32
        %rem3A_517 = arith.remsi %sub3A_499, %jit3A_500 : i32
        %ne3A_518 = arith.constant 0 : i32
        %ne3A_519 = arith.cmpi ne, %rem3A_517, %ne3A_518 : i32
        %and3A_520 = arith.andi %ne3A_516, %ne3A_519 : i1
        %sub3A_521 = arith.constant 1 : i32
        %sub3A_522 = arith.subi %div3A_501, %sub3A_521 : i32
        %select_n3A_523 = arith.select %and3A_520, %sub3A_522, %div3A_501 : i32
        %mul3A_524 = arith.constant 8 : i32
        %mul3A_525 = arith.muli %select_n3A_523, %mul3A_524 : i32
        %add3A_526 = arith.addi %mul3A_4, %mul3A_525 : i32
        %jit3A_527 = arith.constant 4 : i32
        %eq3A_528 = arith.constant 0 : i32
        %eq3A_529 = arith.cmpi eq, %jit3A_527, %eq3A_528 : i32
        %jit3A_530 = arith.constant 1 : i32
        %select_n3A_531 = arith.select %eq3A_529, %jit3A_530, %jit3A_527 : i32
        %rem3A_532 = arith.remsi %sub3A_499, %select_n3A_531 : i32
        %ne3A_533 = arith.constant 0 : i32
        %ne3A_534 = arith.cmpi ne, %rem3A_532, %ne3A_533 : i32
        %lt3A_535 = arith.constant 0 : i32
        %lt3A_536 = arith.cmpi slt, %rem3A_532, %lt3A_535 : i32
        %lt3A_537 = arith.constant 0 : i32
        %lt3A_538 = arith.cmpi slt, %select_n3A_531, %lt3A_537 : i32
        %ne3A_539 = arith.xori %lt3A_536, %lt3A_538 : i1
        %and3A_540 = arith.andi %ne3A_539, %ne3A_534 : i1
        %add3A_541 = arith.addi %rem3A_532, %select_n3A_531 : i32
        %select_n3A_542 = arith.select %and3A_540, %add3A_541, %rem3A_532 : i32
        %mul3A_543 = arith.constant 512 : i32
        %mul3A_544 = arith.muli %select_n3A_542, %mul3A_543 : i32
        %dma_wait3A_545 = arith.constant 0 : i32
        %dma_wait3A_546 = arith.constant 0 : i32
        %dma_wait3A_547 = arith.constant 0 : i32
        %dma_wait3A_548 = arith.constant 0 : i32
        %dma_wait3A_549 = tpu.memref_slice %arg8[%dma_wait3A_545, %dma_wait3A_546, %dma_wait3A_547, %dma_wait3A_548] : memref<2x8x8x512xf32, #tpu.memory_space<vmem>> -> memref<1x8x8x512xf32, #tpu.memory_space<vmem>>
        %dma_wait3A_550 = tpu.memref_squeeze %dma_wait3A_549 : memref<1x8x8x512xf32, #tpu.memory_space<vmem>> -> memref<8x8x512xf32, #tpu.memory_space<vmem>>
        %dma_wait3A_551 = arith.constant 0 : i32
        %dma_wait3A_552 = tpu.memref_slice %arg4[%dma_wait3A_551, %add3A_526, %mul3A_544] : memref<16x2048x2048xf32, #tpu.memory_space<hbm>> -> memref<8x8x512xf32, #tpu.memory_space<hbm>>
        %dma_wait3A_553 = arith.constant 0 : i32
        %dma_wait3A_554 = tpu.memref_slice %arg4[%dma_wait3A_553, %add3A_526, %mul3A_544] : memref<16x2048x2048xf32, #tpu.memory_space<hbm>> -> memref<8x8x512xf32, #tpu.memory_space<hbm>>
        %dma_wait3A_555 = arith.constant 0 : i32
        %dma_wait3A_556 = arith.constant 0 : i32
        %dma_wait3A_557 = arith.constant 0 : i32
        %dma_wait3A_558 = tpu.memref_slice %arg8[%dma_wait3A_545, %dma_wait3A_555, %dma_wait3A_556, %dma_wait3A_557] : memref<2x8x8x512xf32, #tpu.memory_space<vmem>> -> memref<1x8x8x512xf32, #tpu.memory_space<vmem>>
        %dma_wait3A_559 = tpu.memref_squeeze %dma_wait3A_558 : memref<1x8x8x512xf32, #tpu.memory_space<vmem>> -> memref<8x8x512xf32, #tpu.memory_space<vmem>>
        tpu.wait_dma2 semaphore(%arg10 : memref<!tpu.dma_semaphore, #tpu.memory_space<semaphore_mem>>) src(%dma_wait3A_559 : memref<8x8x512xf32, #tpu.memory_space<vmem>>) dst(%dma_wait3A_554 : memref<8x8x512xf32, #tpu.memory_space<hbm>>)
      } else {
      }
      %parallel_loop3A = arith.constant 0 : i32
      %parallel_loop3A_345 = arith.constant 256 : i32
      %parallel_loop3A_346 = arith.constant 1 : i32
      scf.for %parallel_loop3A_498 = %parallel_loop3A to %parallel_loop3A_345 step %parallel_loop3A_346  : i32 {
        %parallel_loop3A_499 = arith.constant 32 : i32
        %parallel_loop3A_500 = arith.divsi %parallel_loop3A_498, %parallel_loop3A_499 : i32
        %parallel_loop3A_501 = arith.constant 0 : i32
        %parallel_loop3A_502 = arith.cmpi sgt, %parallel_loop3A_498, %parallel_loop3A_501 : i32
        %parallel_loop3A_503 = arith.extui %parallel_loop3A_502 : i1 to i32
        %parallel_loop3A_504 = arith.constant 0 : i32
        %parallel_loop3A_505 = arith.cmpi slt, %parallel_loop3A_498, %parallel_loop3A_504 : i32
        %parallel_loop3A_506 = arith.extui %parallel_loop3A_505 : i1 to i32
        %parallel_loop3A_507 = arith.subi %parallel_loop3A_503, %parallel_loop3A_506 : i32
        %parallel_loop3A_508 = arith.constant 0 : i32
        %parallel_loop3A_509 = arith.cmpi sgt, %parallel_loop3A_499, %parallel_loop3A_508 : i32
        %parallel_loop3A_510 = arith.extui %parallel_loop3A_509 : i1 to i32
        %parallel_loop3A_511 = arith.constant 0 : i32
        %parallel_loop3A_512 = arith.cmpi slt, %parallel_loop3A_499, %parallel_loop3A_511 : i32
        %parallel_loop3A_513 = arith.extui %parallel_loop3A_512 : i1 to i32
        %parallel_loop3A_514 = arith.subi %parallel_loop3A_510, %parallel_loop3A_513 : i32
        %parallel_loop3A_515 = arith.cmpi ne, %parallel_loop3A_507, %parallel_loop3A_514 : i32
        %parallel_loop3A_516 = arith.remsi %parallel_loop3A_498, %parallel_loop3A_499 : i32
        %parallel_loop3A_517 = arith.constant 0 : i32
        %parallel_loop3A_518 = arith.cmpi ne, %parallel_loop3A_516, %parallel_loop3A_517 : i32
        %parallel_loop3A_519 = arith.andi %parallel_loop3A_515, %parallel_loop3A_518 : i1
        %parallel_loop3A_520 = arith.constant 1 : i32
        %parallel_loop3A_521 = arith.subi %parallel_loop3A_500, %parallel_loop3A_520 : i32
        %parallel_loop3A_522 = arith.select %parallel_loop3A_519, %parallel_loop3A_521, %parallel_loop3A_500 : i32
        %parallel_loop3A_523 = arith.constant 32 : i32
        %parallel_loop3A_524 = arith.constant 0 : i32
        %parallel_loop3A_525 = arith.cmpi eq, %parallel_loop3A_523, %parallel_loop3A_524 : i32
        %parallel_loop3A_526 = arith.constant 1 : i32
        %parallel_loop3A_527 = arith.select %parallel_loop3A_525, %parallel_loop3A_526, %parallel_loop3A_523 : i32
        %parallel_loop3A_528 = arith.remsi %parallel_loop3A_498, %parallel_loop3A_527 : i32
        %parallel_loop3A_529 = arith.constant 0 : i32
        %parallel_loop3A_530 = arith.cmpi ne, %parallel_loop3A_528, %parallel_loop3A_529 : i32
        %parallel_loop3A_531 = arith.constant 0 : i32
        %parallel_loop3A_532 = arith.cmpi slt, %parallel_loop3A_528, %parallel_loop3A_531 : i32
        %parallel_loop3A_533 = arith.constant 0 : i32
        %parallel_loop3A_534 = arith.cmpi slt, %parallel_loop3A_527, %parallel_loop3A_533 : i32
        %parallel_loop3A_535 = arith.xori %parallel_loop3A_532, %parallel_loop3A_534 : i1
        %parallel_loop3A_536 = arith.andi %parallel_loop3A_535, %parallel_loop3A_530 : i1
        %parallel_loop3A_537 = arith.addi %parallel_loop3A_528, %parallel_loop3A_527 : i32
        %parallel_loop3A_538 = arith.select %parallel_loop3A_536, %parallel_loop3A_537, %parallel_loop3A_528 : i32
        %parallel_loop3A_539 = arith.constant 16 : i32
        %parallel_loop3A_540 = arith.muli %parallel_loop3A_538, %parallel_loop3A_539 : i32
        %parallel_loop3A_541 = arith.constant 0 : i32
        %parallel_loop3A_542 = arith.index_cast %parallel_loop3A_541 : i32 to index
        %parallel_loop3A_543 = arith.index_cast %parallel_loop3A_522 : i32 to index
        %parallel_loop3A_544 = arith.index_cast %parallel_loop3A_540 : i32 to index
        %parallel_loop3A_545 = tpu.vector_load %arg7[%parallel_loop3A_542, %parallel_loop3A_543, %parallel_loop3A_544] {strides = array<i32>} : memref<2x8x512xi32, #tpu.memory_space<vmem>>, vector<16xi32>,
        %parallel_loop3A_546 = arith.constant 0 : i32
        %parallel_loop3A_547 = vector.broadcast %parallel_loop3A_546 : i32 to vector<16xi32>
        %parallel_loop3A_548 = arith.addi %parallel_loop3A_545, %parallel_loop3A_547 : vector<16xi32>
        %parallel_loop3A_549 = tpu.vector_load_idx %arg5[%parallel_loop3A_548] : memref<512xf32, #tpu.memory_space<vmem>>[vector<16xi32>], vector<16xf32>,
        %parallel_loop3A_550 = arith.constant 0 : i32
        %parallel_loop3A_551 = arith.constant 0 : i32
        %parallel_loop3A_552 = arith.index_cast %parallel_loop3A_550 : i32 to index
        %parallel_loop3A_553 = arith.index_cast %parallel_loop3A_551 : i32 to index
        %parallel_loop3A_554 = arith.index_cast %parallel_loop3A_522 : i32 to index
        %parallel_loop3A_555 = arith.index_cast %parallel_loop3A_540 : i32 to index
        %parallel_loop3A_556 = tpu.vector_load %arg8[%parallel_loop3A_552, %parallel_loop3A_553, %parallel_loop3A_554, %parallel_loop3A_555] {strides = array<i32>} : memref<2x8x8x512xf32, #tpu.memory_space<vmem>>, vector<16xf32>,
        tpu.vector_store %arg8[%parallel_loop3A_552, %parallel_loop3A_553, %parallel_loop3A_554, %parallel_loop3A_555], %parallel_loop3A_549 {strides = array<i32>} : memref<2x8x8x512xf32, #tpu.memory_space<vmem>>, vector<16xf32>,
        %parallel_loop3A_557 = arith.constant 32 : i32
        %parallel_loop3A_558 = vector.broadcast %parallel_loop3A_557 : i32 to vector<16xi32>
        %parallel_loop3A_559 = arith.addi %parallel_loop3A_545, %parallel_loop3A_558 : vector<16xi32>
        %parallel_loop3A_560 = tpu.vector_load_idx %arg5[%parallel_loop3A_559] : memref<512xf32, #tpu.memory_space<vmem>>[vector<16xi32>], vector<16xf32>,
        %parallel_loop3A_561 = arith.constant 0 : i32
        %parallel_loop3A_562 = arith.constant 1 : i32
        %parallel_loop3A_563 = arith.index_cast %parallel_loop3A_561 : i32 to index
        %parallel_loop3A_564 = arith.index_cast %parallel_loop3A_562 : i32 to index
        %parallel_loop3A_565 = arith.index_cast %parallel_loop3A_522 : i32 to index
        %parallel_loop3A_566 = arith.index_cast %parallel_loop3A_540 : i32 to index
        %parallel_loop3A_567 = tpu.vector_load %arg8[%parallel_loop3A_563, %parallel_loop3A_564, %parallel_loop3A_565, %parallel_loop3A_566] {strides = array<i32>} : memref<2x8x8x512xf32, #tpu.memory_space<vmem>>, vector<16xf32>,
        tpu.vector_store %arg8[%parallel_loop3A_563, %parallel_loop3A_564, %parallel_loop3A_565, %parallel_loop3A_566], %parallel_loop3A_560 {strides = array<i32>} : memref<2x8x8x512xf32, #tpu.memory_space<vmem>>, vector<16xf32>,
        %parallel_loop3A_568 = arith.constant 64 : i32
        %parallel_loop3A_569 = vector.broadcast %parallel_loop3A_568 : i32 to vector<16xi32>
        %parallel_loop3A_570 = arith.addi %parallel_loop3A_545, %parallel_loop3A_569 : vector<16xi32>
        %parallel_loop3A_571 = tpu.vector_load_idx %arg5[%parallel_loop3A_570] : memref<512xf32, #tpu.memory_space<vmem>>[vector<16xi32>], vector<16xf32>,
        %parallel_loop3A_572 = arith.constant 0 : i32
        %parallel_loop3A_573 = arith.constant 2 : i32
        %parallel_loop3A_574 = arith.index_cast %parallel_loop3A_572 : i32 to index
        %parallel_loop3A_575 = arith.index_cast %parallel_loop3A_573 : i32 to index
        %parallel_loop3A_576 = arith.index_cast %parallel_loop3A_522 : i32 to index
        %parallel_loop3A_577 = arith.index_cast %parallel_loop3A_540 : i32 to index
        %parallel_loop3A_578 = tpu.vector_load %arg8[%parallel_loop3A_574, %parallel_loop3A_575, %parallel_loop3A_576, %parallel_loop3A_577] {strides = array<i32>} : memref<2x8x8x512xf32, #tpu.memory_space<vmem>>, vector<16xf32>,
        tpu.vector_store %arg8[%parallel_loop3A_574, %parallel_loop3A_575, %parallel_loop3A_576, %parallel_loop3A_577], %parallel_loop3A_571 {strides = array<i32>} : memref<2x8x8x512xf32, #tpu.memory_space<vmem>>, vector<16xf32>,
        %parallel_loop3A_579 = arith.constant 96 : i32
        %parallel_loop3A_580 = vector.broadcast %parallel_loop3A_579 : i32 to vector<16xi32>
        %parallel_loop3A_581 = arith.addi %parallel_loop3A_545, %parallel_loop3A_580 : vector<16xi32>
        %parallel_loop3A_582 = tpu.vector_load_idx %arg5[%parallel_loop3A_581] : memref<512xf32, #tpu.memory_space<vmem>>[vector<16xi32>], vector<16xf32>,
        %parallel_loop3A_583 = arith.constant 0 : i32
        %parallel_loop3A_584 = arith.constant 3 : i32
        %parallel_loop3A_585 = arith.index_cast %parallel_loop3A_583 : i32 to index
        %parallel_loop3A_586 = arith.index_cast %parallel_loop3A_584 : i32 to index
        %parallel_loop3A_587 = arith.index_cast %parallel_loop3A_522 : i32 to index
        %parallel_loop3A_588 = arith.index_cast %parallel_loop3A_540 : i32 to index
        %parallel_loop3A_589 = tpu.vector_load %arg8[%parallel_loop3A_585, %parallel_loop3A_586, %parallel_loop3A_587, %parallel_loop3A_588] {strides = array<i32>} : memref<2x8x8x512xf32, #tpu.memory_space<vmem>>, vector<16xf32>,
        tpu.vector_store %arg8[%parallel_loop3A_585, %parallel_loop3A_586, %parallel_loop3A_587, %parallel_loop3A_588], %parallel_loop3A_582 {strides = array<i32>} : memref<2x8x8x512xf32, #tpu.memory_space<vmem>>, vector<16xf32>,
        %parallel_loop3A_590 = arith.constant 128 : i32
        %parallel_loop3A_591 = vector.broadcast %parallel_loop3A_590 : i32 to vector<16xi32>
        %parallel_loop3A_592 = arith.addi %parallel_loop3A_545, %parallel_loop3A_591 : vector<16xi32>
        %parallel_loop3A_593 = tpu.vector_load_idx %arg5[%parallel_loop3A_592] : memref<512xf32, #tpu.memory_space<vmem>>[vector<16xi32>], vector<16xf32>,
        %parallel_loop3A_594 = arith.constant 0 : i32
        %parallel_loop3A_595 = arith.constant 4 : i32
        %parallel_loop3A_596 = arith.index_cast %parallel_loop3A_594 : i32 to index
        %parallel_loop3A_597 = arith.index_cast %parallel_loop3A_595 : i32 to index
        %parallel_loop3A_598 = arith.index_cast %parallel_loop3A_522 : i32 to index
        %parallel_loop3A_599 = arith.index_cast %parallel_loop3A_540 : i32 to index
        %parallel_loop3A_600 = tpu.vector_load %arg8[%parallel_loop3A_596, %parallel_loop3A_597, %parallel_loop3A_598, %parallel_loop3A_599] {strides = array<i32>} : memref<2x8x8x512xf32, #tpu.memory_space<vmem>>, vector<16xf32>,
        tpu.vector_store %arg8[%parallel_loop3A_596, %parallel_loop3A_597, %parallel_loop3A_598, %parallel_loop3A_599], %parallel_loop3A_593 {strides = array<i32>} : memref<2x8x8x512xf32, #tpu.memory_space<vmem>>, vector<16xf32>,
        %parallel_loop3A_601 = arith.constant 160 : i32
        %parallel_loop3A_602 = vector.broadcast %parallel_loop3A_601 : i32 to vector<16xi32>
        %parallel_loop3A_603 = arith.addi %parallel_loop3A_545, %parallel_loop3A_602 : vector<16xi32>
        %parallel_loop3A_604 = tpu.vector_load_idx %arg5[%parallel_loop3A_603] : memref<512xf32, #tpu.memory_space<vmem>>[vector<16xi32>], vector<16xf32>,
        %parallel_loop3A_605 = arith.constant 0 : i32
        %parallel_loop3A_606 = arith.constant 5 : i32
        %parallel_loop3A_607 = arith.index_cast %parallel_loop3A_605 : i32 to index
        %parallel_loop3A_608 = arith.index_cast %parallel_loop3A_606 : i32 to index
        %parallel_loop3A_609 = arith.index_cast %parallel_loop3A_522 : i32 to index
        %parallel_loop3A_610 = arith.index_cast %parallel_loop3A_540 : i32 to index
        %parallel_loop3A_611 = tpu.vector_load %arg8[%parallel_loop3A_607, %parallel_loop3A_608, %parallel_loop3A_609, %parallel_loop3A_610] {strides = array<i32>} : memref<2x8x8x512xf32, #tpu.memory_space<vmem>>, vector<16xf32>,
        tpu.vector_store %arg8[%parallel_loop3A_607, %parallel_loop3A_608, %parallel_loop3A_609, %parallel_loop3A_610], %parallel_loop3A_604 {strides = array<i32>} : memref<2x8x8x512xf32, #tpu.memory_space<vmem>>, vector<16xf32>,
        %parallel_loop3A_612 = arith.constant 192 : i32
        %parallel_loop3A_613 = vector.broadcast %parallel_loop3A_612 : i32 to vector<16xi32>
        %parallel_loop3A_614 = arith.addi %parallel_loop3A_545, %parallel_loop3A_613 : vector<16xi32>
        %parallel_loop3A_615 = tpu.vector_load_idx %arg5[%parallel_loop3A_614] : memref<512xf32, #tpu.memory_space<vmem>>[vector<16xi32>], vector<16xf32>,
        %parallel_loop3A_616 = arith.constant 0 : i32
        %parallel_loop3A_617 = arith.constant 6 : i32
        %parallel_loop3A_618 = arith.index_cast %parallel_loop3A_616 : i32 to index
        %parallel_loop3A_619 = arith.index_cast %parallel_loop3A_617 : i32 to index
        %parallel_loop3A_620 = arith.index_cast %parallel_loop3A_522 : i32 to index
        %parallel_loop3A_621 = arith.index_cast %parallel_loop3A_540 : i32 to index
        %parallel_loop3A_622 = tpu.vector_load %arg8[%parallel_loop3A_618, %parallel_loop3A_619, %parallel_loop3A_620, %parallel_loop3A_621] {strides = array<i32>} : memref<2x8x8x512xf32, #tpu.memory_space<vmem>>, vector<16xf32>,
        tpu.vector_store %arg8[%parallel_loop3A_618, %parallel_loop3A_619, %parallel_loop3A_620, %parallel_loop3A_621], %parallel_loop3A_615 {strides = array<i32>} : memref<2x8x8x512xf32, #tpu.memory_space<vmem>>, vector<16xf32>,
        %parallel_loop3A_623 = arith.constant 224 : i32
        %parallel_loop3A_624 = vector.broadcast %parallel_loop3A_623 : i32 to vector<16xi32>
        %parallel_loop3A_625 = arith.addi %parallel_loop3A_545, %parallel_loop3A_624 : vector<16xi32>
        %parallel_loop3A_626 = tpu.vector_load_idx %arg5[%parallel_loop3A_625] : memref<512xf32, #tpu.memory_space<vmem>>[vector<16xi32>], vector<16xf32>,
        %parallel_loop3A_627 = arith.constant 0 : i32
        %parallel_loop3A_628 = arith.constant 7 : i32
        %parallel_loop3A_629 = arith.index_cast %parallel_loop3A_627 : i32 to index
        %parallel_loop3A_630 = arith.index_cast %parallel_loop3A_628 : i32 to index
        %parallel_loop3A_631 = arith.index_cast %parallel_loop3A_522 : i32 to index
        %parallel_loop3A_632 = arith.index_cast %parallel_loop3A_540 : i32 to index
        %parallel_loop3A_633 = tpu.vector_load %arg8[%parallel_loop3A_629, %parallel_loop3A_630, %parallel_loop3A_631, %parallel_loop3A_632] {strides = array<i32>} : memref<2x8x8x512xf32, #tpu.memory_space<vmem>>, vector<16xf32>,
        tpu.vector_store %arg8[%parallel_loop3A_629, %parallel_loop3A_630, %parallel_loop3A_631, %parallel_loop3A_632], %parallel_loop3A_626 {strides = array<i32>} : memref<2x8x8x512xf32, #tpu.memory_space<vmem>>, vector<16xf32>,
      } {sc.loop_unroll_factor = 4 : i64, sc.parallel_access}
      %dma_start3A_347 = arith.constant 0 : i32
      %dma_start3A_348 = arith.constant 0 : i32
      %dma_start3A_349 = arith.constant 0 : i32
      %dma_start3A_350 = arith.constant 0 : i32
      %dma_start3A_351 = tpu.memref_slice %arg8[%dma_start3A_347, %dma_start3A_348, %dma_start3A_349, %dma_start3A_350] : memref<2x8x8x512xf32, #tpu.memory_space<vmem>> -> memref<1x8x8x512xf32, #tpu.memory_space<vmem>>
      %dma_start3A_352 = tpu.memref_squeeze %dma_start3A_351 : memref<1x8x8x512xf32, #tpu.memory_space<vmem>> -> memref<8x8x512xf32, #tpu.memory_space<vmem>>
      %dma_start3A_353 = arith.constant 0 : i32
      %dma_start3A_354 = tpu.memref_slice %arg4[%dma_start3A_353, %add3A_308, %mul3A_324] : memref<16x2048x2048xf32, #tpu.memory_space<hbm>> -> memref<8x8x512xf32, #tpu.memory_space<hbm>>
      %dma_start3A_355 = arith.constant 0 : i32
      %dma_start3A_356 = tpu.memref_slice %arg4[%dma_start3A_355, %add3A_308, %mul3A_324] : memref<16x2048x2048xf32, #tpu.memory_space<hbm>> -> memref<8x8x512xf32, #tpu.memory_space<hbm>>
      %dma_start3A_357 = arith.constant 0 : i32
      %dma_start3A_358 = arith.constant 0 : i32
      %dma_start3A_359 = arith.constant 0 : i32
      %dma_start3A_360 = tpu.memref_slice %arg8[%dma_start3A_347, %dma_start3A_357, %dma_start3A_358, %dma_start3A_359] : memref<2x8x8x512xf32, #tpu.memory_space<vmem>> -> memref<1x8x8x512xf32, #tpu.memory_space<vmem>>
      %dma_start3A_361 = tpu.memref_squeeze %dma_start3A_360 : memref<1x8x8x512xf32, #tpu.memory_space<vmem>> -> memref<8x8x512xf32, #tpu.memory_space<vmem>>
      tpu.enqueue_dma source(%dma_start3A_361 : memref<8x8x512xf32, #tpu.memory_space<vmem>>) target(%dma_start3A_356 : memref<8x8x512xf32, #tpu.memory_space<hbm>>) target_semaphore(%arg10 : memref<!tpu.dma_semaphore, #tpu.memory_space<semaphore_mem>>)
      %ge3A_362 = arith.constant 1 : i32
      %ge3A_363 = arith.cmpi sge, %add3A_289, %ge3A_362 : i32
      %convert_element_type3A_364 = arith.extui %ge3A_363 : i1 to i32
      %cond3A_365 = arith.constant 0 : i32
      %cond3A_366 = arith.cmpi ne, %convert_element_type3A_364, %cond3A_365 : i32
      scf.if %cond3A_366 {
        %sub3A_498 = arith.constant 1 : i32
        %sub3A_499 = arith.subi %add3A_289, %sub3A_498 : i32
        %jit3A_500 = arith.constant 4 : i32
        %div3A_501 = arith.divsi %sub3A_499, %jit3A_500 : i32
        %sign3A_502 = arith.constant 0 : i32
        %sign3A_503 = arith.cmpi sgt, %sub3A_499, %sign3A_502 : i32
        %sign3A_504 = arith.extui %sign3A_503 : i1 to i32
        %sign3A_505 = arith.constant 0 : i32
        %sign3A_506 = arith.cmpi slt, %sub3A_499, %sign3A_505 : i32
        %sign3A_507 = arith.extui %sign3A_506 : i1 to i32
        %sign3A_508 = arith.subi %sign3A_504, %sign3A_507 : i32
        %sign3A_509 = arith.constant 0 : i32
        %sign3A_510 = arith.cmpi sgt, %jit3A_500, %sign3A_509 : i32
        %sign3A_511 = arith.extui %sign3A_510 : i1 to i32
        %sign3A_512 = arith.constant 0 : i32
        %sign3A_513 = arith.cmpi slt, %jit3A_500, %sign3A_512 : i32
        %sign3A_514 = arith.extui %sign3A_513 : i1 to i32
        %sign3A_515 = arith.subi %sign3A_511, %sign3A_514 : i32
        %ne3A_516 = arith.cmpi ne, %sign3A_508, %sign3A_515 : i32
        %rem3A_517 = arith.remsi %sub3A_499, %jit3A_500 : i32
        %ne3A_518 = arith.constant 0 : i32
        %ne3A_519 = arith.cmpi ne, %rem3A_517, %ne3A_518 : i32
        %and3A_520 = arith.andi %ne3A_516, %ne3A_519 : i1
        %sub3A_521 = arith.constant 1 : i32
        %sub3A_522 = arith.subi %div3A_501, %sub3A_521 : i32
        %select_n3A_523 = arith.select %and3A_520, %sub3A_522, %div3A_501 : i32
        %mul3A_524 = arith.constant 8 : i32
        %mul3A_525 = arith.muli %select_n3A_523, %mul3A_524 : i32
        %add3A_526 = arith.addi %mul3A_4, %mul3A_525 : i32
        %jit3A_527 = arith.constant 4 : i32
        %eq3A_528 = arith.constant 0 : i32
        %eq3A_529 = arith.cmpi eq, %jit3A_527, %eq3A_528 : i32
        %jit3A_530 = arith.constant 1 : i32
        %select_n3A_531 = arith.select %eq3A_529, %jit3A_530, %jit3A_527 : i32
        %rem3A_532 = arith.remsi %sub3A_499, %select_n3A_531 : i32
        %ne3A_533 = arith.constant 0 : i32
        %ne3A_534 = arith.cmpi ne, %rem3A_532, %ne3A_533 : i32
        %lt3A_535 = arith.constant 0 : i32
        %lt3A_536 = arith.cmpi slt, %rem3A_532, %lt3A_535 : i32
        %lt3A_537 = arith.constant 0 : i32
        %lt3A_538 = arith.cmpi slt, %select_n3A_531, %lt3A_537 : i32
        %ne3A_539 = arith.xori %lt3A_536, %lt3A_538 : i1
        %and3A_540 = arith.andi %ne3A_539, %ne3A_534 : i1
        %add3A_541 = arith.addi %rem3A_532, %select_n3A_531 : i32
        %select_n3A_542 = arith.select %and3A_540, %add3A_541, %rem3A_532 : i32
        %mul3A_543 = arith.constant 512 : i32
        %mul3A_544 = arith.muli %select_n3A_542, %mul3A_543 : i32
        %dma_wait3A_545 = arith.constant 1 : i32
        %dma_wait3A_546 = arith.constant 0 : i32
        %dma_wait3A_547 = arith.constant 0 : i32
        %dma_wait3A_548 = arith.constant 0 : i32
        %dma_wait3A_549 = tpu.memref_slice %arg8[%dma_wait3A_545, %dma_wait3A_546, %dma_wait3A_547, %dma_wait3A_548] : memref<2x8x8x512xf32, #tpu.memory_space<vmem>> -> memref<1x8x8x512xf32, #tpu.memory_space<vmem>>
        %dma_wait3A_550 = tpu.memref_squeeze %dma_wait3A_549 : memref<1x8x8x512xf32, #tpu.memory_space<vmem>> -> memref<8x8x512xf32, #tpu.memory_space<vmem>>
        %dma_wait3A_551 = arith.constant 8 : i32
        %dma_wait3A_552 = tpu.memref_slice %arg4[%dma_wait3A_551, %add3A_526, %mul3A_544] : memref<16x2048x2048xf32, #tpu.memory_space<hbm>> -> memref<8x8x512xf32, #tpu.memory_space<hbm>>
        %dma_wait3A_553 = arith.constant 8 : i32
        %dma_wait3A_554 = tpu.memref_slice %arg4[%dma_wait3A_553, %add3A_526, %mul3A_544] : memref<16x2048x2048xf32, #tpu.memory_space<hbm>> -> memref<8x8x512xf32, #tpu.memory_space<hbm>>
        %dma_wait3A_555 = arith.constant 0 : i32
        %dma_wait3A_556 = arith.constant 0 : i32
        %dma_wait3A_557 = arith.constant 0 : i32
        %dma_wait3A_558 = tpu.memref_slice %arg8[%dma_wait3A_545, %dma_wait3A_555, %dma_wait3A_556, %dma_wait3A_557] : memref<2x8x8x512xf32, #tpu.memory_space<vmem>> -> memref<1x8x8x512xf32, #tpu.memory_space<vmem>>
        %dma_wait3A_559 = tpu.memref_squeeze %dma_wait3A_558 : memref<1x8x8x512xf32, #tpu.memory_space<vmem>> -> memref<8x8x512xf32, #tpu.memory_space<vmem>>
        tpu.wait_dma2 semaphore(%arg10 : memref<!tpu.dma_semaphore, #tpu.memory_space<semaphore_mem>>) src(%dma_wait3A_559 : memref<8x8x512xf32, #tpu.memory_space<vmem>>) dst(%dma_wait3A_554 : memref<8x8x512xf32, #tpu.memory_space<hbm>>)
      } else {
      }
      %parallel_loop3A_367 = arith.constant 0 : i32
      %parallel_loop3A_368 = arith.constant 256 : i32
      %parallel_loop3A_369 = arith.constant 1 : i32
      scf.for %parallel_loop3A_498 = %parallel_loop3A_367 to %parallel_loop3A_368 step %parallel_loop3A_369  : i32 {
        %parallel_loop3A_499 = arith.constant 32 : i32
        %parallel_loop3A_500 = arith.divsi %parallel_loop3A_498, %parallel_loop3A_499 : i32
        %parallel_loop3A_501 = arith.constant 0 : i32
        %parallel_loop3A_502 = arith.cmpi sgt, %parallel_loop3A_498, %parallel_loop3A_501 : i32
        %parallel_loop3A_503 = arith.extui %parallel_loop3A_502 : i1 to i32
        %parallel_loop3A_504 = arith.constant 0 : i32
        %parallel_loop3A_505 = arith.cmpi slt, %parallel_loop3A_498, %parallel_loop3A_504 : i32
        %parallel_loop3A_506 = arith.extui %parallel_loop3A_505 : i1 to i32
        %parallel_loop3A_507 = arith.subi %parallel_loop3A_503, %parallel_loop3A_506 : i32
        %parallel_loop3A_508 = arith.constant 0 : i32
        %parallel_loop3A_509 = arith.cmpi sgt, %parallel_loop3A_499, %parallel_loop3A_508 : i32
        %parallel_loop3A_510 = arith.extui %parallel_loop3A_509 : i1 to i32
        %parallel_loop3A_511 = arith.constant 0 : i32
        %parallel_loop3A_512 = arith.cmpi slt, %parallel_loop3A_499, %parallel_loop3A_511 : i32
        %parallel_loop3A_513 = arith.extui %parallel_loop3A_512 : i1 to i32
        %parallel_loop3A_514 = arith.subi %parallel_loop3A_510, %parallel_loop3A_513 : i32
        %parallel_loop3A_515 = arith.cmpi ne, %parallel_loop3A_507, %parallel_loop3A_514 : i32
        %parallel_loop3A_516 = arith.remsi %parallel_loop3A_498, %parallel_loop3A_499 : i32
        %parallel_loop3A_517 = arith.constant 0 : i32
        %parallel_loop3A_518 = arith.cmpi ne, %parallel_loop3A_516, %parallel_loop3A_517 : i32
        %parallel_loop3A_519 = arith.andi %parallel_loop3A_515, %parallel_loop3A_518 : i1
        %parallel_loop3A_520 = arith.constant 1 : i32
        %parallel_loop3A_521 = arith.subi %parallel_loop3A_500, %parallel_loop3A_520 : i32
        %parallel_loop3A_522 = arith.select %parallel_loop3A_519, %parallel_loop3A_521, %parallel_loop3A_500 : i32
        %parallel_loop3A_523 = arith.constant 32 : i32
        %parallel_loop3A_524 = arith.constant 0 : i32
        %parallel_loop3A_525 = arith.cmpi eq, %parallel_loop3A_523, %parallel_loop3A_524 : i32
        %parallel_loop3A_526 = arith.constant 1 : i32
        %parallel_loop3A_527 = arith.select %parallel_loop3A_525, %parallel_loop3A_526, %parallel_loop3A_523 : i32
        %parallel_loop3A_528 = arith.remsi %parallel_loop3A_498, %parallel_loop3A_527 : i32
        %parallel_loop3A_529 = arith.constant 0 : i32
        %parallel_loop3A_530 = arith.cmpi ne, %parallel_loop3A_528, %parallel_loop3A_529 : i32
        %parallel_loop3A_531 = arith.constant 0 : i32
        %parallel_loop3A_532 = arith.cmpi slt, %parallel_loop3A_528, %parallel_loop3A_531 : i32
        %parallel_loop3A_533 = arith.constant 0 : i32
        %parallel_loop3A_534 = arith.cmpi slt, %parallel_loop3A_527, %parallel_loop3A_533 : i32
        %parallel_loop3A_535 = arith.xori %parallel_loop3A_532, %parallel_loop3A_534 : i1
        %parallel_loop3A_536 = arith.andi %parallel_loop3A_535, %parallel_loop3A_530 : i1
        %parallel_loop3A_537 = arith.addi %parallel_loop3A_528, %parallel_loop3A_527 : i32
        %parallel_loop3A_538 = arith.select %parallel_loop3A_536, %parallel_loop3A_537, %parallel_loop3A_528 : i32
        %parallel_loop3A_539 = arith.constant 16 : i32
        %parallel_loop3A_540 = arith.muli %parallel_loop3A_538, %parallel_loop3A_539 : i32
        %parallel_loop3A_541 = arith.constant 0 : i32
        %parallel_loop3A_542 = arith.index_cast %parallel_loop3A_541 : i32 to index
        %parallel_loop3A_543 = arith.index_cast %parallel_loop3A_522 : i32 to index
        %parallel_loop3A_544 = arith.index_cast %parallel_loop3A_540 : i32 to index
        %parallel_loop3A_545 = tpu.vector_load %arg7[%parallel_loop3A_542, %parallel_loop3A_543, %parallel_loop3A_544] {strides = array<i32>} : memref<2x8x512xi32, #tpu.memory_space<vmem>>, vector<16xi32>,
        %parallel_loop3A_546 = arith.constant 256 : i32
        %parallel_loop3A_547 = vector.broadcast %parallel_loop3A_546 : i32 to vector<16xi32>
        %parallel_loop3A_548 = arith.addi %parallel_loop3A_545, %parallel_loop3A_547 : vector<16xi32>
        %parallel_loop3A_549 = tpu.vector_load_idx %arg5[%parallel_loop3A_548] : memref<512xf32, #tpu.memory_space<vmem>>[vector<16xi32>], vector<16xf32>,
        %parallel_loop3A_550 = arith.constant 1 : i32
        %parallel_loop3A_551 = arith.constant 0 : i32
        %parallel_loop3A_552 = arith.index_cast %parallel_loop3A_550 : i32 to index
        %parallel_loop3A_553 = arith.index_cast %parallel_loop3A_551 : i32 to index
        %parallel_loop3A_554 = arith.index_cast %parallel_loop3A_522 : i32 to index
        %parallel_loop3A_555 = arith.index_cast %parallel_loop3A_540 : i32 to index
        %parallel_loop3A_556 = tpu.vector_load %arg8[%parallel_loop3A_552, %parallel_loop3A_553, %parallel_loop3A_554, %parallel_loop3A_555] {strides = array<i32>} : memref<2x8x8x512xf32, #tpu.memory_space<vmem>>, vector<16xf32>,
        tpu.vector_store %arg8[%parallel_loop3A_552, %parallel_loop3A_553, %parallel_loop3A_554, %parallel_loop3A_555], %parallel_loop3A_549 {strides = array<i32>} : memref<2x8x8x512xf32, #tpu.memory_space<vmem>>, vector<16xf32>,
        %parallel_loop3A_557 = arith.constant 288 : i32
        %parallel_loop3A_558 = vector.broadcast %parallel_loop3A_557 : i32 to vector<16xi32>
        %parallel_loop3A_559 = arith.addi %parallel_loop3A_545, %parallel_loop3A_558 : vector<16xi32>
        %parallel_loop3A_560 = tpu.vector_load_idx %arg5[%parallel_loop3A_559] : memref<512xf32, #tpu.memory_space<vmem>>[vector<16xi32>], vector<16xf32>,
        %parallel_loop3A_561 = arith.constant 1 : i32
        %parallel_loop3A_562 = arith.constant 1 : i32
        %parallel_loop3A_563 = arith.index_cast %parallel_loop3A_561 : i32 to index
        %parallel_loop3A_564 = arith.index_cast %parallel_loop3A_562 : i32 to index
        %parallel_loop3A_565 = arith.index_cast %parallel_loop3A_522 : i32 to index
        %parallel_loop3A_566 = arith.index_cast %parallel_loop3A_540 : i32 to index
        %parallel_loop3A_567 = tpu.vector_load %arg8[%parallel_loop3A_563, %parallel_loop3A_564, %parallel_loop3A_565, %parallel_loop3A_566] {strides = array<i32>} : memref<2x8x8x512xf32, #tpu.memory_space<vmem>>, vector<16xf32>,
        tpu.vector_store %arg8[%parallel_loop3A_563, %parallel_loop3A_564, %parallel_loop3A_565, %parallel_loop3A_566], %parallel_loop3A_560 {strides = array<i32>} : memref<2x8x8x512xf32, #tpu.memory_space<vmem>>, vector<16xf32>,
        %parallel_loop3A_568 = arith.constant 320 : i32
        %parallel_loop3A_569 = vector.broadcast %parallel_loop3A_568 : i32 to vector<16xi32>
        %parallel_loop3A_570 = arith.addi %parallel_loop3A_545, %parallel_loop3A_569 : vector<16xi32>
        %parallel_loop3A_571 = tpu.vector_load_idx %arg5[%parallel_loop3A_570] : memref<512xf32, #tpu.memory_space<vmem>>[vector<16xi32>], vector<16xf32>,
        %parallel_loop3A_572 = arith.constant 1 : i32
        %parallel_loop3A_573 = arith.constant 2 : i32
        %parallel_loop3A_574 = arith.index_cast %parallel_loop3A_572 : i32 to index
        %parallel_loop3A_575 = arith.index_cast %parallel_loop3A_573 : i32 to index
        %parallel_loop3A_576 = arith.index_cast %parallel_loop3A_522 : i32 to index
        %parallel_loop3A_577 = arith.index_cast %parallel_loop3A_540 : i32 to index
        %parallel_loop3A_578 = tpu.vector_load %arg8[%parallel_loop3A_574, %parallel_loop3A_575, %parallel_loop3A_576, %parallel_loop3A_577] {strides = array<i32>} : memref<2x8x8x512xf32, #tpu.memory_space<vmem>>, vector<16xf32>,
        tpu.vector_store %arg8[%parallel_loop3A_574, %parallel_loop3A_575, %parallel_loop3A_576, %parallel_loop3A_577], %parallel_loop3A_571 {strides = array<i32>} : memref<2x8x8x512xf32, #tpu.memory_space<vmem>>, vector<16xf32>,
        %parallel_loop3A_579 = arith.constant 352 : i32
        %parallel_loop3A_580 = vector.broadcast %parallel_loop3A_579 : i32 to vector<16xi32>
        %parallel_loop3A_581 = arith.addi %parallel_loop3A_545, %parallel_loop3A_580 : vector<16xi32>
        %parallel_loop3A_582 = tpu.vector_load_idx %arg5[%parallel_loop3A_581] : memref<512xf32, #tpu.memory_space<vmem>>[vector<16xi32>], vector<16xf32>,
        %parallel_loop3A_583 = arith.constant 1 : i32
        %parallel_loop3A_584 = arith.constant 3 : i32
        %parallel_loop3A_585 = arith.index_cast %parallel_loop3A_583 : i32 to index
        %parallel_loop3A_586 = arith.index_cast %parallel_loop3A_584 : i32 to index
        %parallel_loop3A_587 = arith.index_cast %parallel_loop3A_522 : i32 to index
        %parallel_loop3A_588 = arith.index_cast %parallel_loop3A_540 : i32 to index
        %parallel_loop3A_589 = tpu.vector_load %arg8[%parallel_loop3A_585, %parallel_loop3A_586, %parallel_loop3A_587, %parallel_loop3A_588] {strides = array<i32>} : memref<2x8x8x512xf32, #tpu.memory_space<vmem>>, vector<16xf32>,
        tpu.vector_store %arg8[%parallel_loop3A_585, %parallel_loop3A_586, %parallel_loop3A_587, %parallel_loop3A_588], %parallel_loop3A_582 {strides = array<i32>} : memref<2x8x8x512xf32, #tpu.memory_space<vmem>>, vector<16xf32>,
        %parallel_loop3A_590 = arith.constant 384 : i32
        %parallel_loop3A_591 = vector.broadcast %parallel_loop3A_590 : i32 to vector<16xi32>
        %parallel_loop3A_592 = arith.addi %parallel_loop3A_545, %parallel_loop3A_591 : vector<16xi32>
        %parallel_loop3A_593 = tpu.vector_load_idx %arg5[%parallel_loop3A_592] : memref<512xf32, #tpu.memory_space<vmem>>[vector<16xi32>], vector<16xf32>,
        %parallel_loop3A_594 = arith.constant 1 : i32
        %parallel_loop3A_595 = arith.constant 4 : i32
        %parallel_loop3A_596 = arith.index_cast %parallel_loop3A_594 : i32 to index
        %parallel_loop3A_597 = arith.index_cast %parallel_loop3A_595 : i32 to index
        %parallel_loop3A_598 = arith.index_cast %parallel_loop3A_522 : i32 to index
        %parallel_loop3A_599 = arith.index_cast %parallel_loop3A_540 : i32 to index
        %parallel_loop3A_600 = tpu.vector_load %arg8[%parallel_loop3A_596, %parallel_loop3A_597, %parallel_loop3A_598, %parallel_loop3A_599] {strides = array<i32>} : memref<2x8x8x512xf32, #tpu.memory_space<vmem>>, vector<16xf32>,
        tpu.vector_store %arg8[%parallel_loop3A_596, %parallel_loop3A_597, %parallel_loop3A_598, %parallel_loop3A_599], %parallel_loop3A_593 {strides = array<i32>} : memref<2x8x8x512xf32, #tpu.memory_space<vmem>>, vector<16xf32>,
        %parallel_loop3A_601 = arith.constant 416 : i32
        %parallel_loop3A_602 = vector.broadcast %parallel_loop3A_601 : i32 to vector<16xi32>
        %parallel_loop3A_603 = arith.addi %parallel_loop3A_545, %parallel_loop3A_602 : vector<16xi32>
        %parallel_loop3A_604 = tpu.vector_load_idx %arg5[%parallel_loop3A_603] : memref<512xf32, #tpu.memory_space<vmem>>[vector<16xi32>], vector<16xf32>,
        %parallel_loop3A_605 = arith.constant 1 : i32
        %parallel_loop3A_606 = arith.constant 5 : i32
        %parallel_loop3A_607 = arith.index_cast %parallel_loop3A_605 : i32 to index
        %parallel_loop3A_608 = arith.index_cast %parallel_loop3A_606 : i32 to index
        %parallel_loop3A_609 = arith.index_cast %parallel_loop3A_522 : i32 to index
        %parallel_loop3A_610 = arith.index_cast %parallel_loop3A_540 : i32 to index
        %parallel_loop3A_611 = tpu.vector_load %arg8[%parallel_loop3A_607, %parallel_loop3A_608, %parallel_loop3A_609, %parallel_loop3A_610] {strides = array<i32>} : memref<2x8x8x512xf32, #tpu.memory_space<vmem>>, vector<16xf32>,
        tpu.vector_store %arg8[%parallel_loop3A_607, %parallel_loop3A_608, %parallel_loop3A_609, %parallel_loop3A_610], %parallel_loop3A_604 {strides = array<i32>} : memref<2x8x8x512xf32, #tpu.memory_space<vmem>>, vector<16xf32>,
        %parallel_loop3A_612 = arith.constant 448 : i32
        %parallel_loop3A_613 = vector.broadcast %parallel_loop3A_612 : i32 to vector<16xi32>
        %parallel_loop3A_614 = arith.addi %parallel_loop3A_545, %parallel_loop3A_613 : vector<16xi32>
        %parallel_loop3A_615 = tpu.vector_load_idx %arg5[%parallel_loop3A_614] : memref<512xf32, #tpu.memory_space<vmem>>[vector<16xi32>], vector<16xf32>,
        %parallel_loop3A_616 = arith.constant 1 : i32
        %parallel_loop3A_617 = arith.constant 6 : i32
        %parallel_loop3A_618 = arith.index_cast %parallel_loop3A_616 : i32 to index
        %parallel_loop3A_619 = arith.index_cast %parallel_loop3A_617 : i32 to index
        %parallel_loop3A_620 = arith.index_cast %parallel_loop3A_522 : i32 to index
        %parallel_loop3A_621 = arith.index_cast %parallel_loop3A_540 : i32 to index
        %parallel_loop3A_622 = tpu.vector_load %arg8[%parallel_loop3A_618, %parallel_loop3A_619, %parallel_loop3A_620, %parallel_loop3A_621] {strides = array<i32>} : memref<2x8x8x512xf32, #tpu.memory_space<vmem>>, vector<16xf32>,
        tpu.vector_store %arg8[%parallel_loop3A_618, %parallel_loop3A_619, %parallel_loop3A_620, %parallel_loop3A_621], %parallel_loop3A_615 {strides = array<i32>} : memref<2x8x8x512xf32, #tpu.memory_space<vmem>>, vector<16xf32>,
        %parallel_loop3A_623 = arith.constant 480 : i32
        %parallel_loop3A_624 = vector.broadcast %parallel_loop3A_623 : i32 to vector<16xi32>
        %parallel_loop3A_625 = arith.addi %parallel_loop3A_545, %parallel_loop3A_624 : vector<16xi32>
        %parallel_loop3A_626 = tpu.vector_load_idx %arg5[%parallel_loop3A_625] : memref<512xf32, #tpu.memory_space<vmem>>[vector<16xi32>], vector<16xf32>,
        %parallel_loop3A_627 = arith.constant 1 : i32
        %parallel_loop3A_628 = arith.constant 7 : i32
        %parallel_loop3A_629 = arith.index_cast %parallel_loop3A_627 : i32 to index
        %parallel_loop3A_630 = arith.index_cast %parallel_loop3A_628 : i32 to index
        %parallel_loop3A_631 = arith.index_cast %parallel_loop3A_522 : i32 to index
        %parallel_loop3A_632 = arith.index_cast %parallel_loop3A_540 : i32 to index
        %parallel_loop3A_633 = tpu.vector_load %arg8[%parallel_loop3A_629, %parallel_loop3A_630, %parallel_loop3A_631, %parallel_loop3A_632] {strides = array<i32>} : memref<2x8x8x512xf32, #tpu.memory_space<vmem>>, vector<16xf32>,
        tpu.vector_store %arg8[%parallel_loop3A_629, %parallel_loop3A_630, %parallel_loop3A_631, %parallel_loop3A_632], %parallel_loop3A_626 {strides = array<i32>} : memref<2x8x8x512xf32, #tpu.memory_space<vmem>>, vector<16xf32>,
      } {sc.loop_unroll_factor = 4 : i64, sc.parallel_access}
      %dma_start3A_370 = arith.constant 1 : i32
      %dma_start3A_371 = arith.constant 0 : i32
      %dma_start3A_372 = arith.constant 0 : i32
      %dma_start3A_373 = arith.constant 0 : i32
      %dma_start3A_374 = tpu.memref_slice %arg8[%dma_start3A_370, %dma_start3A_371, %dma_start3A_372, %dma_start3A_373] : memref<2x8x8x512xf32, #tpu.memory_space<vmem>> -> memref<1x8x8x512xf32, #tpu.memory_space<vmem>>
      %dma_start3A_375 = tpu.memref_squeeze %dma_start3A_374 : memref<1x8x8x512xf32, #tpu.memory_space<vmem>> -> memref<8x8x512xf32, #tpu.memory_space<vmem>>
      %dma_start3A_376 = arith.constant 8 : i32
      %dma_start3A_377 = tpu.memref_slice %arg4[%dma_start3A_376, %add3A_308, %mul3A_324] : memref<16x2048x2048xf32, #tpu.memory_space<hbm>> -> memref<8x8x512xf32, #tpu.memory_space<hbm>>
      %dma_start3A_378 = arith.constant 8 : i32
      %dma_start3A_379 = tpu.memref_slice %arg4[%dma_start3A_378, %add3A_308, %mul3A_324] : memref<16x2048x2048xf32, #tpu.memory_space<hbm>> -> memref<8x8x512xf32, #tpu.memory_space<hbm>>
      %dma_start3A_380 = arith.constant 0 : i32
      %dma_start3A_381 = arith.constant 0 : i32
      %dma_start3A_382 = arith.constant 0 : i32
      %dma_start3A_383 = tpu.memref_slice %arg8[%dma_start3A_370, %dma_start3A_380, %dma_start3A_381, %dma_start3A_382] : memref<2x8x8x512xf32, #tpu.memory_space<vmem>> -> memref<1x8x8x512xf32, #tpu.memory_space<vmem>>
      %dma_start3A_384 = tpu.memref_squeeze %dma_start3A_383 : memref<1x8x8x512xf32, #tpu.memory_space<vmem>> -> memref<8x8x512xf32, #tpu.memory_space<vmem>>
      tpu.enqueue_dma source(%dma_start3A_384 : memref<8x8x512xf32, #tpu.memory_space<vmem>>) target(%dma_start3A_379 : memref<8x8x512xf32, #tpu.memory_space<hbm>>) target_semaphore(%arg10 : memref<!tpu.dma_semaphore, #tpu.memory_space<semaphore_mem>>)
      %mul3A_385 = arith.constant 2 : i32
      %mul3A_386 = arith.muli %scan3A_285, %mul3A_385 : i32
      %add3A_387 = arith.constant 1 : i32
      %add3A_388 = arith.addi %mul3A_386, %add3A_387 : i32
      %jit3A_389 = arith.constant 4 : i32
      %div3A_390 = arith.divsi %add3A_388, %jit3A_389 : i32
      %sign3A_391 = arith.constant 0 : i32
      %sign3A_392 = arith.cmpi sgt, %add3A_388, %sign3A_391 : i32
      %sign3A_393 = arith.extui %sign3A_392 : i1 to i32
      %sign3A_394 = arith.constant 0 : i32
      %sign3A_395 = arith.cmpi slt, %add3A_388, %sign3A_394 : i32
      %sign3A_396 = arith.extui %sign3A_395 : i1 to i32
      %sign3A_397 = arith.subi %sign3A_393, %sign3A_396 : i32
      %sign3A_398 = arith.constant 0 : i32
      %sign3A_399 = arith.cmpi sgt, %jit3A_389, %sign3A_398 : i32
      %sign3A_400 = arith.extui %sign3A_399 : i1 to i32
      %sign3A_401 = arith.constant 0 : i32
      %sign3A_402 = arith.cmpi slt, %jit3A_389, %sign3A_401 : i32
      %sign3A_403 = arith.extui %sign3A_402 : i1 to i32
      %sign3A_404 = arith.subi %sign3A_400, %sign3A_403 : i32
      %ne3A_405 = arith.cmpi ne, %sign3A_397, %sign3A_404 : i32
      %rem3A_406 = arith.remsi %add3A_388, %jit3A_389 : i32
      %ne3A_407 = arith.constant 0 : i32
      %ne3A_408 = arith.cmpi ne, %rem3A_406, %ne3A_407 : i32
      %and3A_409 = arith.andi %ne3A_405, %ne3A_408 : i1
      %sub3A_410 = arith.constant 1 : i32
      %sub3A_411 = arith.subi %div3A_390, %sub3A_410 : i32
      %select_n3A_412 = arith.select %and3A_409, %sub3A_411, %div3A_390 : i32
      %mul3A_413 = arith.constant 8 : i32
      %mul3A_414 = arith.muli %select_n3A_412, %mul3A_413 : i32
      %add3A_415 = arith.addi %mul3A_4, %mul3A_414 : i32
      %jit3A_416 = arith.constant 4 : i32
      %eq3A_417 = arith.constant 0 : i32
      %eq3A_418 = arith.cmpi eq, %jit3A_416, %eq3A_417 : i32
      %jit3A_419 = arith.constant 1 : i32
      %select_n3A_420 = arith.select %eq3A_418, %jit3A_419, %jit3A_416 : i32
      %rem3A_421 = arith.remsi %add3A_388, %select_n3A_420 : i32
      %ne3A_422 = arith.constant 0 : i32
      %ne3A_423 = arith.cmpi ne, %rem3A_421, %ne3A_422 : i32
      %lt3A_424 = arith.constant 0 : i32
      %lt3A_425 = arith.cmpi slt, %rem3A_421, %lt3A_424 : i32
      %lt3A_426 = arith.constant 0 : i32
      %lt3A_427 = arith.cmpi slt, %select_n3A_420, %lt3A_426 : i32
      %ne3A_428 = arith.xori %lt3A_425, %lt3A_427 : i1
      %and3A_429 = arith.andi %ne3A_428, %ne3A_423 : i1
      %add3A_430 = arith.addi %rem3A_421, %select_n3A_420 : i32
      %select_n3A_431 = arith.select %and3A_429, %add3A_430, %rem3A_421 : i32
      %mul3A_432 = arith.constant 512 : i32
      %mul3A_433 = arith.muli %select_n3A_431, %mul3A_432 : i32
      %add3A_434 = arith.constant 1 : i32
      %add3A_435 = arith.addi %add3A_388, %add3A_434 : i32
      %lt3A_436 = arith.constant 32 : i32
      %lt3A_437 = arith.cmpi slt, %add3A_435, %lt3A_436 : i32
      %convert_element_type3A_438 = arith.extui %lt3A_437 : i1 to i32
      %cond3A_439 = arith.constant 0 : i32
      %cond3A_440 = arith.cmpi ne, %convert_element_type3A_438, %cond3A_439 : i32
      scf.if %cond3A_440 {
        %add3A_498 = arith.constant 1 : i32
        %add3A_499 = arith.addi %add3A_388, %add3A_498 : i32
        %jit3A_500 = arith.constant 4 : i32
        %div3A_501 = arith.divsi %add3A_499, %jit3A_500 : i32
        %sign3A_502 = arith.constant 0 : i32
        %sign3A_503 = arith.cmpi sgt, %add3A_499, %sign3A_502 : i32
        %sign3A_504 = arith.extui %sign3A_503 : i1 to i32
        %sign3A_505 = arith.constant 0 : i32
        %sign3A_506 = arith.cmpi slt, %add3A_499, %sign3A_505 : i32
        %sign3A_507 = arith.extui %sign3A_506 : i1 to i32
        %sign3A_508 = arith.subi %sign3A_504, %sign3A_507 : i32
        %sign3A_509 = arith.constant 0 : i32
        %sign3A_510 = arith.cmpi sgt, %jit3A_500, %sign3A_509 : i32
        %sign3A_511 = arith.extui %sign3A_510 : i1 to i32
        %sign3A_512 = arith.constant 0 : i32
        %sign3A_513 = arith.cmpi slt, %jit3A_500, %sign3A_512 : i32
        %sign3A_514 = arith.extui %sign3A_513 : i1 to i32
        %sign3A_515 = arith.subi %sign3A_511, %sign3A_514 : i32
        %ne3A_516 = arith.cmpi ne, %sign3A_508, %sign3A_515 : i32
        %rem3A_517 = arith.remsi %add3A_499, %jit3A_500 : i32
        %ne3A_518 = arith.constant 0 : i32
        %ne3A_519 = arith.cmpi ne, %rem3A_517, %ne3A_518 : i32
        %and3A_520 = arith.andi %ne3A_516, %ne3A_519 : i1
        %sub3A_521 = arith.constant 1 : i32
        %sub3A_522 = arith.subi %div3A_501, %sub3A_521 : i32
        %select_n3A_523 = arith.select %and3A_520, %sub3A_522, %div3A_501 : i32
        %mul3A_524 = arith.constant 8 : i32
        %mul3A_525 = arith.muli %select_n3A_523, %mul3A_524 : i32
        %add3A_526 = arith.addi %mul3A_4, %mul3A_525 : i32
        %jit3A_527 = arith.constant 4 : i32
        %eq3A_528 = arith.constant 0 : i32
        %eq3A_529 = arith.cmpi eq, %jit3A_527, %eq3A_528 : i32
        %jit3A_530 = arith.constant 1 : i32
        %select_n3A_531 = arith.select %eq3A_529, %jit3A_530, %jit3A_527 : i32
        %rem3A_532 = arith.remsi %add3A_499, %select_n3A_531 : i32
        %ne3A_533 = arith.constant 0 : i32
        %ne3A_534 = arith.cmpi ne, %rem3A_532, %ne3A_533 : i32
        %lt3A_535 = arith.constant 0 : i32
        %lt3A_536 = arith.cmpi slt, %rem3A_532, %lt3A_535 : i32
        %lt3A_537 = arith.constant 0 : i32
        %lt3A_538 = arith.cmpi slt, %select_n3A_531, %lt3A_537 : i32
        %ne3A_539 = arith.xori %lt3A_536, %lt3A_538 : i1
        %and3A_540 = arith.andi %ne3A_539, %ne3A_534 : i1
        %add3A_541 = arith.addi %rem3A_532, %select_n3A_531 : i32
        %select_n3A_542 = arith.select %and3A_540, %add3A_541, %rem3A_532 : i32
        %mul3A_543 = arith.constant 512 : i32
        %mul3A_544 = arith.muli %select_n3A_542, %mul3A_543 : i32
        %dma_start3A_545 = arith.constant 0 : i32
        %dma_start3A_546 = arith.constant 0 : i32
        %dma_start3A_547 = arith.constant 0 : i32
        %dma_start3A_548 = tpu.memref_slice %arg7[%dma_start3A_545, %dma_start3A_546, %dma_start3A_547] : memref<2x8x512xi32, #tpu.memory_space<vmem>> -> memref<1x8x512xi32, #tpu.memory_space<vmem>>
        %dma_start3A_549 = tpu.memref_squeeze %dma_start3A_548 : memref<1x8x512xi32, #tpu.memory_space<vmem>> -> memref<8x512xi32, #tpu.memory_space<vmem>>
        %dma_start3A_550 = tpu.memref_slice %arg2[%add3A_526, %mul3A_544] : memref<2048x2048xi32, #tpu.memory_space<hbm>> -> memref<8x512xi32, #tpu.memory_space<hbm>>
        %dma_start3A_551 = arith.constant 0 : i32
        %dma_start3A_552 = arith.constant 0 : i32
        %dma_start3A_553 = tpu.memref_slice %arg7[%dma_start3A_545, %dma_start3A_551, %dma_start3A_552] : memref<2x8x512xi32, #tpu.memory_space<vmem>> -> memref<1x8x512xi32, #tpu.memory_space<vmem>>
        %dma_start3A_554 = tpu.memref_squeeze %dma_start3A_553 : memref<1x8x512xi32, #tpu.memory_space<vmem>> -> memref<8x512xi32, #tpu.memory_space<vmem>>
        %dma_start3A_555 = tpu.memref_slice %arg2[%add3A_526, %mul3A_544] : memref<2048x2048xi32, #tpu.memory_space<hbm>> -> memref<8x512xi32, #tpu.memory_space<hbm>>
        tpu.enqueue_dma source(%dma_start3A_555 : memref<8x512xi32, #tpu.memory_space<hbm>>) target(%dma_start3A_554 : memref<8x512xi32, #tpu.memory_space<vmem>>) target_semaphore(%arg9 : memref<!tpu.dma_semaphore, #tpu.memory_space<semaphore_mem>>)
      } else {
      }
      %dma_wait3A_441 = arith.constant 1 : i32
      %dma_wait3A_442 = arith.constant 0 : i32
      %dma_wait3A_443 = arith.constant 0 : i32
      %dma_wait3A_444 = tpu.memref_slice %arg7[%dma_wait3A_441, %dma_wait3A_442, %dma_wait3A_443] : memref<2x8x512xi32, #tpu.memory_space<vmem>> -> memref<1x8x512xi32, #tpu.memory_space<vmem>>
      %dma_wait3A_445 = tpu.memref_squeeze %dma_wait3A_444 : memref<1x8x512xi32, #tpu.memory_space<vmem>> -> memref<8x512xi32, #tpu.memory_space<vmem>>
      %dma_wait3A_446 = tpu.memref_slice %arg2[%add3A_415, %mul3A_433] : memref<2048x2048xi32, #tpu.memory_space<hbm>> -> memref<8x512xi32, #tpu.memory_space<hbm>>
      %dma_wait3A_447 = arith.constant 0 : i32
      %dma_wait3A_448 = arith.constant 0 : i32
      %dma_wait3A_449 = tpu.memref_slice %arg7[%dma_wait3A_441, %dma_wait3A_447, %dma_wait3A_448] : memref<2x8x512xi32, #tpu.memory_space<vmem>> -> memref<1x8x512xi32, #tpu.memory_space<vmem>>
      %dma_wait3A_450 = tpu.memref_squeeze %dma_wait3A_449 : memref<1x8x512xi32, #tpu.memory_space<vmem>> -> memref<8x512xi32, #tpu.memory_space<vmem>>
      %dma_wait3A_451 = tpu.memref_slice %arg2[%add3A_415, %mul3A_433] : memref<2048x2048xi32, #tpu.memory_space<hbm>> -> memref<8x512xi32, #tpu.memory_space<hbm>>
      tpu.wait_dma2 semaphore(%arg9 : memref<!tpu.dma_semaphore, #tpu.memory_space<semaphore_mem>>) src(%dma_wait3A_451 : memref<8x512xi32, #tpu.memory_space<hbm>>) dst(%dma_wait3A_450 : memref<8x512xi32, #tpu.memory_space<vmem>>)
      %ge3A_452 = arith.constant 1 : i32
      %ge3A_453 = arith.cmpi sge, %add3A_388, %ge3A_452 : i32
      %convert_element_type3A_454 = arith.extui %ge3A_453 : i1 to i32
      %cond3A_455 = arith.constant 0 : i32
      %cond3A_456 = arith.cmpi ne, %convert_element_type3A_454, %cond3A_455 : i32
      scf.if %cond3A_456 {
        %sub3A_498 = arith.constant 1 : i32
        %sub3A_499 = arith.subi %add3A_388, %sub3A_498 : i32
        %jit3A_500 = arith.constant 4 : i32
        %div3A_501 = arith.divsi %sub3A_499, %jit3A_500 : i32
        %sign3A_502 = arith.constant 0 : i32
        %sign3A_503 = arith.cmpi sgt, %sub3A_499, %sign3A_502 : i32
        %sign3A_504 = arith.extui %sign3A_503 : i1 to i32
        %sign3A_505 = arith.constant 0 : i32
        %sign3A_506 = arith.cmpi slt, %sub3A_499, %sign3A_505 : i32
        %sign3A_507 = arith.extui %sign3A_506 : i1 to i32
        %sign3A_508 = arith.subi %sign3A_504, %sign3A_507 : i32
        %sign3A_509 = arith.constant 0 : i32
        %sign3A_510 = arith.cmpi sgt, %jit3A_500, %sign3A_509 : i32
        %sign3A_511 = arith.extui %sign3A_510 : i1 to i32
        %sign3A_512 = arith.constant 0 : i32
        %sign3A_513 = arith.cmpi slt, %jit3A_500, %sign3A_512 : i32
        %sign3A_514 = arith.extui %sign3A_513 : i1 to i32
        %sign3A_515 = arith.subi %sign3A_511, %sign3A_514 : i32
        %ne3A_516 = arith.cmpi ne, %sign3A_508, %sign3A_515 : i32
        %rem3A_517 = arith.remsi %sub3A_499, %jit3A_500 : i32
        %ne3A_518 = arith.constant 0 : i32
        %ne3A_519 = arith.cmpi ne, %rem3A_517, %ne3A_518 : i32
        %and3A_520 = arith.andi %ne3A_516, %ne3A_519 : i1
        %sub3A_521 = arith.constant 1 : i32
        %sub3A_522 = arith.subi %div3A_501, %sub3A_521 : i32
        %select_n3A_523 = arith.select %and3A_520, %sub3A_522, %div3A_501 : i32
        %mul3A_524 = arith.constant 8 : i32
        %mul3A_525 = arith.muli %select_n3A_523, %mul3A_524 : i32
        %add3A_526 = arith.addi %mul3A_4, %mul3A_525 : i32
        %jit3A_527 = arith.constant 4 : i32
        %eq3A_528 = arith.constant 0 : i32
        %eq3A_529 = arith.cmpi eq, %jit3A_527, %eq3A_528 : i32
        %jit3A_530 = arith.constant 1 : i32
        %select_n3A_531 = arith.select %eq3A_529, %jit3A_530, %jit3A_527 : i32
        %rem3A_532 = arith.remsi %sub3A_499, %select_n3A_531 : i32
        %ne3A_533 = arith.constant 0 : i32
        %ne3A_534 = arith.cmpi ne, %rem3A_532, %ne3A_533 : i32
        %lt3A_535 = arith.constant 0 : i32
        %lt3A_536 = arith.cmpi slt, %rem3A_532, %lt3A_535 : i32
        %lt3A_537 = arith.constant 0 : i32
        %lt3A_538 = arith.cmpi slt, %select_n3A_531, %lt3A_537 : i32
        %ne3A_539 = arith.xori %lt3A_536, %lt3A_538 : i1
        %and3A_540 = arith.andi %ne3A_539, %ne3A_534 : i1
        %add3A_541 = arith.addi %rem3A_532, %select_n3A_531 : i32
        %select_n3A_542 = arith.select %and3A_540, %add3A_541, %rem3A_532 : i32
        %mul3A_543 = arith.constant 512 : i32
        %mul3A_544 = arith.muli %select_n3A_542, %mul3A_543 : i32
        %dma_wait3A_545 = arith.constant 0 : i32
        %dma_wait3A_546 = arith.constant 0 : i32
        %dma_wait3A_547 = arith.constant 0 : i32
        %dma_wait3A_548 = arith.constant 0 : i32
        %dma_wait3A_549 = tpu.memref_slice %arg8[%dma_wait3A_545, %dma_wait3A_546, %dma_wait3A_547, %dma_wait3A_548] : memref<2x8x8x512xf32, #tpu.memory_space<vmem>> -> memref<1x8x8x512xf32, #tpu.memory_space<vmem>>
        %dma_wait3A_550 = tpu.memref_squeeze %dma_wait3A_549 : memref<1x8x8x512xf32, #tpu.memory_space<vmem>> -> memref<8x8x512xf32, #tpu.memory_space<vmem>>
        %dma_wait3A_551 = arith.constant 0 : i32
        %dma_wait3A_552 = tpu.memref_slice %arg4[%dma_wait3A_551, %add3A_526, %mul3A_544] : memref<16x2048x2048xf32, #tpu.memory_space<hbm>> -> memref<8x8x512xf32, #tpu.memory_space<hbm>>
        %dma_wait3A_553 = arith.constant 0 : i32
        %dma_wait3A_554 = tpu.memref_slice %arg4[%dma_wait3A_553, %add3A_526, %mul3A_544] : memref<16x2048x2048xf32, #tpu.memory_space<hbm>> -> memref<8x8x512xf32, #tpu.memory_space<hbm>>
        %dma_wait3A_555 = arith.constant 0 : i32
        %dma_wait3A_556 = arith.constant 0 : i32
        %dma_wait3A_557 = arith.constant 0 : i32
        %dma_wait3A_558 = tpu.memref_slice %arg8[%dma_wait3A_545, %dma_wait3A_555, %dma_wait3A_556, %dma_wait3A_557] : memref<2x8x8x512xf32, #tpu.memory_space<vmem>> -> memref<1x8x8x512xf32, #tpu.memory_space<vmem>>
        %dma_wait3A_559 = tpu.memref_squeeze %dma_wait3A_558 : memref<1x8x8x512xf32, #tpu.memory_space<vmem>> -> memref<8x8x512xf32, #tpu.memory_space<vmem>>
        tpu.wait_dma2 semaphore(%arg10 : memref<!tpu.dma_semaphore, #tpu.memory_space<semaphore_mem>>) src(%dma_wait3A_559 : memref<8x8x512xf32, #tpu.memory_space<vmem>>) dst(%dma_wait3A_554 : memref<8x8x512xf32, #tpu.memory_space<hbm>>)
      } else {
      }
      %parallel_loop3A_457 = arith.constant 0 : i32
      %parallel_loop3A_458 = arith.constant 256 : i32
      %parallel_loop3A_459 = arith.constant 1 : i32
      scf.for %parallel_loop3A_498 = %parallel_loop3A_457 to %parallel_loop3A_458 step %parallel_loop3A_459  : i32 {
        %parallel_loop3A_499 = arith.constant 32 : i32
        %parallel_loop3A_500 = arith.divsi %parallel_loop3A_498, %parallel_loop3A_499 : i32
        %parallel_loop3A_501 = arith.constant 0 : i32
        %parallel_loop3A_502 = arith.cmpi sgt, %parallel_loop3A_498, %parallel_loop3A_501 : i32
        %parallel_loop3A_503 = arith.extui %parallel_loop3A_502 : i1 to i32
        %parallel_loop3A_504 = arith.constant 0 : i32
        %parallel_loop3A_505 = arith.cmpi slt, %parallel_loop3A_498, %parallel_loop3A_504 : i32
        %parallel_loop3A_506 = arith.extui %parallel_loop3A_505 : i1 to i32
        %parallel_loop3A_507 = arith.subi %parallel_loop3A_503, %parallel_loop3A_506 : i32
        %parallel_loop3A_508 = arith.constant 0 : i32
        %parallel_loop3A_509 = arith.cmpi sgt, %parallel_loop3A_499, %parallel_loop3A_508 : i32
        %parallel_loop3A_510 = arith.extui %parallel_loop3A_509 : i1 to i32
        %parallel_loop3A_511 = arith.constant 0 : i32
        %parallel_loop3A_512 = arith.cmpi slt, %parallel_loop3A_499, %parallel_loop3A_511 : i32
        %parallel_loop3A_513 = arith.extui %parallel_loop3A_512 : i1 to i32
        %parallel_loop3A_514 = arith.subi %parallel_loop3A_510, %parallel_loop3A_513 : i32
        %parallel_loop3A_515 = arith.cmpi ne, %parallel_loop3A_507, %parallel_loop3A_514 : i32
        %parallel_loop3A_516 = arith.remsi %parallel_loop3A_498, %parallel_loop3A_499 : i32
        %parallel_loop3A_517 = arith.constant 0 : i32
        %parallel_loop3A_518 = arith.cmpi ne, %parallel_loop3A_516, %parallel_loop3A_517 : i32
        %parallel_loop3A_519 = arith.andi %parallel_loop3A_515, %parallel_loop3A_518 : i1
        %parallel_loop3A_520 = arith.constant 1 : i32
        %parallel_loop3A_521 = arith.subi %parallel_loop3A_500, %parallel_loop3A_520 : i32
        %parallel_loop3A_522 = arith.select %parallel_loop3A_519, %parallel_loop3A_521, %parallel_loop3A_500 : i32
        %parallel_loop3A_523 = arith.constant 32 : i32
        %parallel_loop3A_524 = arith.constant 0 : i32
        %parallel_loop3A_525 = arith.cmpi eq, %parallel_loop3A_523, %parallel_loop3A_524 : i32
        %parallel_loop3A_526 = arith.constant 1 : i32
        %parallel_loop3A_527 = arith.select %parallel_loop3A_525, %parallel_loop3A_526, %parallel_loop3A_523 : i32
        %parallel_loop3A_528 = arith.remsi %parallel_loop3A_498, %parallel_loop3A_527 : i32
        %parallel_loop3A_529 = arith.constant 0 : i32
        %parallel_loop3A_530 = arith.cmpi ne, %parallel_loop3A_528, %parallel_loop3A_529 : i32
        %parallel_loop3A_531 = arith.constant 0 : i32
        %parallel_loop3A_532 = arith.cmpi slt, %parallel_loop3A_528, %parallel_loop3A_531 : i32
        %parallel_loop3A_533 = arith.constant 0 : i32
        %parallel_loop3A_534 = arith.cmpi slt, %parallel_loop3A_527, %parallel_loop3A_533 : i32
        %parallel_loop3A_535 = arith.xori %parallel_loop3A_532, %parallel_loop3A_534 : i1
        %parallel_loop3A_536 = arith.andi %parallel_loop3A_535, %parallel_loop3A_530 : i1
        %parallel_loop3A_537 = arith.addi %parallel_loop3A_528, %parallel_loop3A_527 : i32
        %parallel_loop3A_538 = arith.select %parallel_loop3A_536, %parallel_loop3A_537, %parallel_loop3A_528 : i32
        %parallel_loop3A_539 = arith.constant 16 : i32
        %parallel_loop3A_540 = arith.muli %parallel_loop3A_538, %parallel_loop3A_539 : i32
        %parallel_loop3A_541 = arith.constant 1 : i32
        %parallel_loop3A_542 = arith.index_cast %parallel_loop3A_541 : i32 to index
        %parallel_loop3A_543 = arith.index_cast %parallel_loop3A_522 : i32 to index
        %parallel_loop3A_544 = arith.index_cast %parallel_loop3A_540 : i32 to index
        %parallel_loop3A_545 = tpu.vector_load %arg7[%parallel_loop3A_542, %parallel_loop3A_543, %parallel_loop3A_544] {strides = array<i32>} : memref<2x8x512xi32, #tpu.memory_space<vmem>>, vector<16xi32>,
        %parallel_loop3A_546 = arith.constant 0 : i32
        %parallel_loop3A_547 = vector.broadcast %parallel_loop3A_546 : i32 to vector<16xi32>
        %parallel_loop3A_548 = arith.addi %parallel_loop3A_545, %parallel_loop3A_547 : vector<16xi32>
        %parallel_loop3A_549 = tpu.vector_load_idx %arg5[%parallel_loop3A_548] : memref<512xf32, #tpu.memory_space<vmem>>[vector<16xi32>], vector<16xf32>,
        %parallel_loop3A_550 = arith.constant 0 : i32
        %parallel_loop3A_551 = arith.constant 0 : i32
        %parallel_loop3A_552 = arith.index_cast %parallel_loop3A_550 : i32 to index
        %parallel_loop3A_553 = arith.index_cast %parallel_loop3A_551 : i32 to index
        %parallel_loop3A_554 = arith.index_cast %parallel_loop3A_522 : i32 to index
        %parallel_loop3A_555 = arith.index_cast %parallel_loop3A_540 : i32 to index
        %parallel_loop3A_556 = tpu.vector_load %arg8[%parallel_loop3A_552, %parallel_loop3A_553, %parallel_loop3A_554, %parallel_loop3A_555] {strides = array<i32>} : memref<2x8x8x512xf32, #tpu.memory_space<vmem>>, vector<16xf32>,
        tpu.vector_store %arg8[%parallel_loop3A_552, %parallel_loop3A_553, %parallel_loop3A_554, %parallel_loop3A_555], %parallel_loop3A_549 {strides = array<i32>} : memref<2x8x8x512xf32, #tpu.memory_space<vmem>>, vector<16xf32>,
        %parallel_loop3A_557 = arith.constant 32 : i32
        %parallel_loop3A_558 = vector.broadcast %parallel_loop3A_557 : i32 to vector<16xi32>
        %parallel_loop3A_559 = arith.addi %parallel_loop3A_545, %parallel_loop3A_558 : vector<16xi32>
        %parallel_loop3A_560 = tpu.vector_load_idx %arg5[%parallel_loop3A_559] : memref<512xf32, #tpu.memory_space<vmem>>[vector<16xi32>], vector<16xf32>,
        %parallel_loop3A_561 = arith.constant 0 : i32
        %parallel_loop3A_562 = arith.constant 1 : i32
        %parallel_loop3A_563 = arith.index_cast %parallel_loop3A_561 : i32 to index
        %parallel_loop3A_564 = arith.index_cast %parallel_loop3A_562 : i32 to index
        %parallel_loop3A_565 = arith.index_cast %parallel_loop3A_522 : i32 to index
        %parallel_loop3A_566 = arith.index_cast %parallel_loop3A_540 : i32 to index
        %parallel_loop3A_567 = tpu.vector_load %arg8[%parallel_loop3A_563, %parallel_loop3A_564, %parallel_loop3A_565, %parallel_loop3A_566] {strides = array<i32>} : memref<2x8x8x512xf32, #tpu.memory_space<vmem>>, vector<16xf32>,
        tpu.vector_store %arg8[%parallel_loop3A_563, %parallel_loop3A_564, %parallel_loop3A_565, %parallel_loop3A_566], %parallel_loop3A_560 {strides = array<i32>} : memref<2x8x8x512xf32, #tpu.memory_space<vmem>>, vector<16xf32>,
        %parallel_loop3A_568 = arith.constant 64 : i32
        %parallel_loop3A_569 = vector.broadcast %parallel_loop3A_568 : i32 to vector<16xi32>
        %parallel_loop3A_570 = arith.addi %parallel_loop3A_545, %parallel_loop3A_569 : vector<16xi32>
        %parallel_loop3A_571 = tpu.vector_load_idx %arg5[%parallel_loop3A_570] : memref<512xf32, #tpu.memory_space<vmem>>[vector<16xi32>], vector<16xf32>,
        %parallel_loop3A_572 = arith.constant 0 : i32
        %parallel_loop3A_573 = arith.constant 2 : i32
        %parallel_loop3A_574 = arith.index_cast %parallel_loop3A_572 : i32 to index
        %parallel_loop3A_575 = arith.index_cast %parallel_loop3A_573 : i32 to index
        %parallel_loop3A_576 = arith.index_cast %parallel_loop3A_522 : i32 to index
        %parallel_loop3A_577 = arith.index_cast %parallel_loop3A_540 : i32 to index
        %parallel_loop3A_578 = tpu.vector_load %arg8[%parallel_loop3A_574, %parallel_loop3A_575, %parallel_loop3A_576, %parallel_loop3A_577] {strides = array<i32>} : memref<2x8x8x512xf32, #tpu.memory_space<vmem>>, vector<16xf32>,
        tpu.vector_store %arg8[%parallel_loop3A_574, %parallel_loop3A_575, %parallel_loop3A_576, %parallel_loop3A_577], %parallel_loop3A_571 {strides = array<i32>} : memref<2x8x8x512xf32, #tpu.memory_space<vmem>>, vector<16xf32>,
        %parallel_loop3A_579 = arith.constant 96 : i32
        %parallel_loop3A_580 = vector.broadcast %parallel_loop3A_579 : i32 to vector<16xi32>
        %parallel_loop3A_581 = arith.addi %parallel_loop3A_545, %parallel_loop3A_580 : vector<16xi32>
        %parallel_loop3A_582 = tpu.vector_load_idx %arg5[%parallel_loop3A_581] : memref<512xf32, #tpu.memory_space<vmem>>[vector<16xi32>], vector<16xf32>,
        %parallel_loop3A_583 = arith.constant 0 : i32
        %parallel_loop3A_584 = arith.constant 3 : i32
        %parallel_loop3A_585 = arith.index_cast %parallel_loop3A_583 : i32 to index
        %parallel_loop3A_586 = arith.index_cast %parallel_loop3A_584 : i32 to index
        %parallel_loop3A_587 = arith.index_cast %parallel_loop3A_522 : i32 to index
        %parallel_loop3A_588 = arith.index_cast %parallel_loop3A_540 : i32 to index
        %parallel_loop3A_589 = tpu.vector_load %arg8[%parallel_loop3A_585, %parallel_loop3A_586, %parallel_loop3A_587, %parallel_loop3A_588] {strides = array<i32>} : memref<2x8x8x512xf32, #tpu.memory_space<vmem>>, vector<16xf32>,
        tpu.vector_store %arg8[%parallel_loop3A_585, %parallel_loop3A_586, %parallel_loop3A_587, %parallel_loop3A_588], %parallel_loop3A_582 {strides = array<i32>} : memref<2x8x8x512xf32, #tpu.memory_space<vmem>>, vector<16xf32>,
        %parallel_loop3A_590 = arith.constant 128 : i32
        %parallel_loop3A_591 = vector.broadcast %parallel_loop3A_590 : i32 to vector<16xi32>
        %parallel_loop3A_592 = arith.addi %parallel_loop3A_545, %parallel_loop3A_591 : vector<16xi32>
        %parallel_loop3A_593 = tpu.vector_load_idx %arg5[%parallel_loop3A_592] : memref<512xf32, #tpu.memory_space<vmem>>[vector<16xi32>], vector<16xf32>,
        %parallel_loop3A_594 = arith.constant 0 : i32
        %parallel_loop3A_595 = arith.constant 4 : i32
        %parallel_loop3A_596 = arith.index_cast %parallel_loop3A_594 : i32 to index
        %parallel_loop3A_597 = arith.index_cast %parallel_loop3A_595 : i32 to index
        %parallel_loop3A_598 = arith.index_cast %parallel_loop3A_522 : i32 to index
        %parallel_loop3A_599 = arith.index_cast %parallel_loop3A_540 : i32 to index
        %parallel_loop3A_600 = tpu.vector_load %arg8[%parallel_loop3A_596, %parallel_loop3A_597, %parallel_loop3A_598, %parallel_loop3A_599] {strides = array<i32>} : memref<2x8x8x512xf32, #tpu.memory_space<vmem>>, vector<16xf32>,
        tpu.vector_store %arg8[%parallel_loop3A_596, %parallel_loop3A_597, %parallel_loop3A_598, %parallel_loop3A_599], %parallel_loop3A_593 {strides = array<i32>} : memref<2x8x8x512xf32, #tpu.memory_space<vmem>>, vector<16xf32>,
        %parallel_loop3A_601 = arith.constant 160 : i32
        %parallel_loop3A_602 = vector.broadcast %parallel_loop3A_601 : i32 to vector<16xi32>
        %parallel_loop3A_603 = arith.addi %parallel_loop3A_545, %parallel_loop3A_602 : vector<16xi32>
        %parallel_loop3A_604 = tpu.vector_load_idx %arg5[%parallel_loop3A_603] : memref<512xf32, #tpu.memory_space<vmem>>[vector<16xi32>], vector<16xf32>,
        %parallel_loop3A_605 = arith.constant 0 : i32
        %parallel_loop3A_606 = arith.constant 5 : i32
        %parallel_loop3A_607 = arith.index_cast %parallel_loop3A_605 : i32 to index
        %parallel_loop3A_608 = arith.index_cast %parallel_loop3A_606 : i32 to index
        %parallel_loop3A_609 = arith.index_cast %parallel_loop3A_522 : i32 to index
        %parallel_loop3A_610 = arith.index_cast %parallel_loop3A_540 : i32 to index
        %parallel_loop3A_611 = tpu.vector_load %arg8[%parallel_loop3A_607, %parallel_loop3A_608, %parallel_loop3A_609, %parallel_loop3A_610] {strides = array<i32>} : memref<2x8x8x512xf32, #tpu.memory_space<vmem>>, vector<16xf32>,
        tpu.vector_store %arg8[%parallel_loop3A_607, %parallel_loop3A_608, %parallel_loop3A_609, %parallel_loop3A_610], %parallel_loop3A_604 {strides = array<i32>} : memref<2x8x8x512xf32, #tpu.memory_space<vmem>>, vector<16xf32>,
        %parallel_loop3A_612 = arith.constant 192 : i32
        %parallel_loop3A_613 = vector.broadcast %parallel_loop3A_612 : i32 to vector<16xi32>
        %parallel_loop3A_614 = arith.addi %parallel_loop3A_545, %parallel_loop3A_613 : vector<16xi32>
        %parallel_loop3A_615 = tpu.vector_load_idx %arg5[%parallel_loop3A_614] : memref<512xf32, #tpu.memory_space<vmem>>[vector<16xi32>], vector<16xf32>,
        %parallel_loop3A_616 = arith.constant 0 : i32
        %parallel_loop3A_617 = arith.constant 6 : i32
        %parallel_loop3A_618 = arith.index_cast %parallel_loop3A_616 : i32 to index
        %parallel_loop3A_619 = arith.index_cast %parallel_loop3A_617 : i32 to index
        %parallel_loop3A_620 = arith.index_cast %parallel_loop3A_522 : i32 to index
        %parallel_loop3A_621 = arith.index_cast %parallel_loop3A_540 : i32 to index
        %parallel_loop3A_622 = tpu.vector_load %arg8[%parallel_loop3A_618, %parallel_loop3A_619, %parallel_loop3A_620, %parallel_loop3A_621] {strides = array<i32>} : memref<2x8x8x512xf32, #tpu.memory_space<vmem>>, vector<16xf32>,
        tpu.vector_store %arg8[%parallel_loop3A_618, %parallel_loop3A_619, %parallel_loop3A_620, %parallel_loop3A_621], %parallel_loop3A_615 {strides = array<i32>} : memref<2x8x8x512xf32, #tpu.memory_space<vmem>>, vector<16xf32>,
        %parallel_loop3A_623 = arith.constant 224 : i32
        %parallel_loop3A_624 = vector.broadcast %parallel_loop3A_623 : i32 to vector<16xi32>
        %parallel_loop3A_625 = arith.addi %parallel_loop3A_545, %parallel_loop3A_624 : vector<16xi32>
        %parallel_loop3A_626 = tpu.vector_load_idx %arg5[%parallel_loop3A_625] : memref<512xf32, #tpu.memory_space<vmem>>[vector<16xi32>], vector<16xf32>,
        %parallel_loop3A_627 = arith.constant 0 : i32
        %parallel_loop3A_628 = arith.constant 7 : i32
        %parallel_loop3A_629 = arith.index_cast %parallel_loop3A_627 : i32 to index
        %parallel_loop3A_630 = arith.index_cast %parallel_loop3A_628 : i32 to index
        %parallel_loop3A_631 = arith.index_cast %parallel_loop3A_522 : i32 to index
        %parallel_loop3A_632 = arith.index_cast %parallel_loop3A_540 : i32 to index
        %parallel_loop3A_633 = tpu.vector_load %arg8[%parallel_loop3A_629, %parallel_loop3A_630, %parallel_loop3A_631, %parallel_loop3A_632] {strides = array<i32>} : memref<2x8x8x512xf32, #tpu.memory_space<vmem>>, vector<16xf32>,
        tpu.vector_store %arg8[%parallel_loop3A_629, %parallel_loop3A_630, %parallel_loop3A_631, %parallel_loop3A_632], %parallel_loop3A_626 {strides = array<i32>} : memref<2x8x8x512xf32, #tpu.memory_space<vmem>>, vector<16xf32>,
      } {sc.loop_unroll_factor = 4 : i64, sc.parallel_access}
      %dma_start3A_460 = arith.constant 0 : i32
      %dma_start3A_461 = arith.constant 0 : i32
      %dma_start3A_462 = arith.constant 0 : i32
      %dma_start3A_463 = arith.constant 0 : i32
      %dma_start3A_464 = tpu.memref_slice %arg8[%dma_start3A_460, %dma_start3A_461, %dma_start3A_462, %dma_start3A_463] : memref<2x8x8x512xf32, #tpu.memory_space<vmem>> -> memref<1x8x8x512xf32, #tpu.memory_space<vmem>>
      %dma_start3A_465 = tpu.memref_squeeze %dma_start3A_464 : memref<1x8x8x512xf32, #tpu.memory_space<vmem>> -> memref<8x8x512xf32, #tpu.memory_space<vmem>>
      %dma_start3A_466 = arith.constant 0 : i32
      %dma_start3A_467 = tpu.memref_slice %arg4[%dma_start3A_466, %add3A_415, %mul3A_433] : memref<16x2048x2048xf32, #tpu.memory_space<hbm>> -> memref<8x8x512xf32, #tpu.memory_space<hbm>>
      %dma_start3A_468 = arith.constant 0 : i32
      %dma_start3A_469 = tpu.memref_slice %arg4[%dma_start3A_468, %add3A_415, %mul3A_433] : memref<16x2048x2048xf32, #tpu.memory_space<hbm>> -> memref<8x8x512xf32, #tpu.memory_space<hbm>>
      %dma_start3A_470 = arith.constant 0 : i32
      %dma_start3A_471 = arith.constant 0 : i32
      %dma_start3A_472 = arith.constant 0 : i32
      %dma_start3A_473 = tpu.memref_slice %arg8[%dma_start3A_460, %dma_start3A_470, %dma_start3A_471, %dma_start3A_472] : memref<2x8x8x512xf32, #tpu.memory_space<vmem>> -> memref<1x8x8x512xf32, #tpu.memory_space<vmem>>
      %dma_start3A_474 = tpu.memref_squeeze %dma_start3A_473 : memref<1x8x8x512xf32, #tpu.memory_space<vmem>> -> memref<8x8x512xf32, #tpu.memory_space<vmem>>
      tpu.enqueue_dma source(%dma_start3A_474 : memref<8x8x512xf32, #tpu.memory_space<vmem>>) target(%dma_start3A_469 : memref<8x8x512xf32, #tpu.memory_space<hbm>>) target_semaphore(%arg10 : memref<!tpu.dma_semaphore, #tpu.memory_space<semaphore_mem>>)
      %ge3A_475 = arith.constant 1 : i32
      %ge3A_476 = arith.cmpi sge, %add3A_388, %ge3A_475 : i32
      %convert_element_type3A_477 = arith.extui %ge3A_476 : i1 to i32
      %cond3A_478 = arith.constant 0 : i32
      %cond3A_479 = arith.cmpi ne, %convert_element_type3A_477, %cond3A_478 : i32
      scf.if %cond3A_479 {
        %sub3A_498 = arith.constant 1 : i32
        %sub3A_499 = arith.subi %add3A_388, %sub3A_498 : i32
        %jit3A_500 = arith.constant 4 : i32
        %div3A_501 = arith.divsi %sub3A_499, %jit3A_500 : i32
        %sign3A_502 = arith.constant 0 : i32
        %sign3A_503 = arith.cmpi sgt, %sub3A_499, %sign3A_502 : i32
        %sign3A_504 = arith.extui %sign3A_503 : i1 to i32
        %sign3A_505 = arith.constant 0 : i32
        %sign3A_506 = arith.cmpi slt, %sub3A_499, %sign3A_505 : i32
        %sign3A_507 = arith.extui %sign3A_506 : i1 to i32
        %sign3A_508 = arith.subi %sign3A_504, %sign3A_507 : i32
        %sign3A_509 = arith.constant 0 : i32
        %sign3A_510 = arith.cmpi sgt, %jit3A_500, %sign3A_509 : i32
        %sign3A_511 = arith.extui %sign3A_510 : i1 to i32
        %sign3A_512 = arith.constant 0 : i32
        %sign3A_513 = arith.cmpi slt, %jit3A_500, %sign3A_512 : i32
        %sign3A_514 = arith.extui %sign3A_513 : i1 to i32
        %sign3A_515 = arith.subi %sign3A_511, %sign3A_514 : i32
        %ne3A_516 = arith.cmpi ne, %sign3A_508, %sign3A_515 : i32
        %rem3A_517 = arith.remsi %sub3A_499, %jit3A_500 : i32
        %ne3A_518 = arith.constant 0 : i32
        %ne3A_519 = arith.cmpi ne, %rem3A_517, %ne3A_518 : i32
        %and3A_520 = arith.andi %ne3A_516, %ne3A_519 : i1
        %sub3A_521 = arith.constant 1 : i32
        %sub3A_522 = arith.subi %div3A_501, %sub3A_521 : i32
        %select_n3A_523 = arith.select %and3A_520, %sub3A_522, %div3A_501 : i32
        %mul3A_524 = arith.constant 8 : i32
        %mul3A_525 = arith.muli %select_n3A_523, %mul3A_524 : i32
        %add3A_526 = arith.addi %mul3A_4, %mul3A_525 : i32
        %jit3A_527 = arith.constant 4 : i32
        %eq3A_528 = arith.constant 0 : i32
        %eq3A_529 = arith.cmpi eq, %jit3A_527, %eq3A_528 : i32
        %jit3A_530 = arith.constant 1 : i32
        %select_n3A_531 = arith.select %eq3A_529, %jit3A_530, %jit3A_527 : i32
        %rem3A_532 = arith.remsi %sub3A_499, %select_n3A_531 : i32
        %ne3A_533 = arith.constant 0 : i32
        %ne3A_534 = arith.cmpi ne, %rem3A_532, %ne3A_533 : i32
        %lt3A_535 = arith.constant 0 : i32
        %lt3A_536 = arith.cmpi slt, %rem3A_532, %lt3A_535 : i32
        %lt3A_537 = arith.constant 0 : i32
        %lt3A_538 = arith.cmpi slt, %select_n3A_531, %lt3A_537 : i32
        %ne3A_539 = arith.xori %lt3A_536, %lt3A_538 : i1
        %and3A_540 = arith.andi %ne3A_539, %ne3A_534 : i1
        %add3A_541 = arith.addi %rem3A_532, %select_n3A_531 : i32
        %select_n3A_542 = arith.select %and3A_540, %add3A_541, %rem3A_532 : i32
        %mul3A_543 = arith.constant 512 : i32
        %mul3A_544 = arith.muli %select_n3A_542, %mul3A_543 : i32
        %dma_wait3A_545 = arith.constant 1 : i32
        %dma_wait3A_546 = arith.constant 0 : i32
        %dma_wait3A_547 = arith.constant 0 : i32
        %dma_wait3A_548 = arith.constant 0 : i32
        %dma_wait3A_549 = tpu.memref_slice %arg8[%dma_wait3A_545, %dma_wait3A_546, %dma_wait3A_547, %dma_wait3A_548] : memref<2x8x8x512xf32, #tpu.memory_space<vmem>> -> memref<1x8x8x512xf32, #tpu.memory_space<vmem>>
        %dma_wait3A_550 = tpu.memref_squeeze %dma_wait3A_549 : memref<1x8x8x512xf32, #tpu.memory_space<vmem>> -> memref<8x8x512xf32, #tpu.memory_space<vmem>>
        %dma_wait3A_551 = arith.constant 8 : i32
        %dma_wait3A_552 = tpu.memref_slice %arg4[%dma_wait3A_551, %add3A_526, %mul3A_544] : memref<16x2048x2048xf32, #tpu.memory_space<hbm>> -> memref<8x8x512xf32, #tpu.memory_space<hbm>>
        %dma_wait3A_553 = arith.constant 8 : i32
        %dma_wait3A_554 = tpu.memref_slice %arg4[%dma_wait3A_553, %add3A_526, %mul3A_544] : memref<16x2048x2048xf32, #tpu.memory_space<hbm>> -> memref<8x8x512xf32, #tpu.memory_space<hbm>>
        %dma_wait3A_555 = arith.constant 0 : i32
        %dma_wait3A_556 = arith.constant 0 : i32
        %dma_wait3A_557 = arith.constant 0 : i32
        %dma_wait3A_558 = tpu.memref_slice %arg8[%dma_wait3A_545, %dma_wait3A_555, %dma_wait3A_556, %dma_wait3A_557] : memref<2x8x8x512xf32, #tpu.memory_space<vmem>> -> memref<1x8x8x512xf32, #tpu.memory_space<vmem>>
        %dma_wait3A_559 = tpu.memref_squeeze %dma_wait3A_558 : memref<1x8x8x512xf32, #tpu.memory_space<vmem>> -> memref<8x8x512xf32, #tpu.memory_space<vmem>>
        tpu.wait_dma2 semaphore(%arg10 : memref<!tpu.dma_semaphore, #tpu.memory_space<semaphore_mem>>) src(%dma_wait3A_559 : memref<8x8x512xf32, #tpu.memory_space<vmem>>) dst(%dma_wait3A_554 : memref<8x8x512xf32, #tpu.memory_space<hbm>>)
      } else {
      }
      %parallel_loop3A_480 = arith.constant 0 : i32
      %parallel_loop3A_481 = arith.constant 256 : i32
      %parallel_loop3A_482 = arith.constant 1 : i32
      scf.for %parallel_loop3A_498 = %parallel_loop3A_480 to %parallel_loop3A_481 step %parallel_loop3A_482  : i32 {
        %parallel_loop3A_499 = arith.constant 32 : i32
        %parallel_loop3A_500 = arith.divsi %parallel_loop3A_498, %parallel_loop3A_499 : i32
        %parallel_loop3A_501 = arith.constant 0 : i32
        %parallel_loop3A_502 = arith.cmpi sgt, %parallel_loop3A_498, %parallel_loop3A_501 : i32
        %parallel_loop3A_503 = arith.extui %parallel_loop3A_502 : i1 to i32
        %parallel_loop3A_504 = arith.constant 0 : i32
        %parallel_loop3A_505 = arith.cmpi slt, %parallel_loop3A_498, %parallel_loop3A_504 : i32
        %parallel_loop3A_506 = arith.extui %parallel_loop3A_505 : i1 to i32
        %parallel_loop3A_507 = arith.subi %parallel_loop3A_503, %parallel_loop3A_506 : i32
        %parallel_loop3A_508 = arith.constant 0 : i32
        %parallel_loop3A_509 = arith.cmpi sgt, %parallel_loop3A_499, %parallel_loop3A_508 : i32
        %parallel_loop3A_510 = arith.extui %parallel_loop3A_509 : i1 to i32
        %parallel_loop3A_511 = arith.constant 0 : i32
        %parallel_loop3A_512 = arith.cmpi slt, %parallel_loop3A_499, %parallel_loop3A_511 : i32
        %parallel_loop3A_513 = arith.extui %parallel_loop3A_512 : i1 to i32
        %parallel_loop3A_514 = arith.subi %parallel_loop3A_510, %parallel_loop3A_513 : i32
        %parallel_loop3A_515 = arith.cmpi ne, %parallel_loop3A_507, %parallel_loop3A_514 : i32
        %parallel_loop3A_516 = arith.remsi %parallel_loop3A_498, %parallel_loop3A_499 : i32
        %parallel_loop3A_517 = arith.constant 0 : i32
        %parallel_loop3A_518 = arith.cmpi ne, %parallel_loop3A_516, %parallel_loop3A_517 : i32
        %parallel_loop3A_519 = arith.andi %parallel_loop3A_515, %parallel_loop3A_518 : i1
        %parallel_loop3A_520 = arith.constant 1 : i32
        %parallel_loop3A_521 = arith.subi %parallel_loop3A_500, %parallel_loop3A_520 : i32
        %parallel_loop3A_522 = arith.select %parallel_loop3A_519, %parallel_loop3A_521, %parallel_loop3A_500 : i32
        %parallel_loop3A_523 = arith.constant 32 : i32
        %parallel_loop3A_524 = arith.constant 0 : i32
        %parallel_loop3A_525 = arith.cmpi eq, %parallel_loop3A_523, %parallel_loop3A_524 : i32
        %parallel_loop3A_526 = arith.constant 1 : i32
        %parallel_loop3A_527 = arith.select %parallel_loop3A_525, %parallel_loop3A_526, %parallel_loop3A_523 : i32
        %parallel_loop3A_528 = arith.remsi %parallel_loop3A_498, %parallel_loop3A_527 : i32
        %parallel_loop3A_529 = arith.constant 0 : i32
        %parallel_loop3A_530 = arith.cmpi ne, %parallel_loop3A_528, %parallel_loop3A_529 : i32
        %parallel_loop3A_531 = arith.constant 0 : i32
        %parallel_loop3A_532 = arith.cmpi slt, %parallel_loop3A_528, %parallel_loop3A_531 : i32
        %parallel_loop3A_533 = arith.constant 0 : i32
        %parallel_loop3A_534 = arith.cmpi slt, %parallel_loop3A_527, %parallel_loop3A_533 : i32
        %parallel_loop3A_535 = arith.xori %parallel_loop3A_532, %parallel_loop3A_534 : i1
        %parallel_loop3A_536 = arith.andi %parallel_loop3A_535, %parallel_loop3A_530 : i1
        %parallel_loop3A_537 = arith.addi %parallel_loop3A_528, %parallel_loop3A_527 : i32
        %parallel_loop3A_538 = arith.select %parallel_loop3A_536, %parallel_loop3A_537, %parallel_loop3A_528 : i32
        %parallel_loop3A_539 = arith.constant 16 : i32
        %parallel_loop3A_540 = arith.muli %parallel_loop3A_538, %parallel_loop3A_539 : i32
        %parallel_loop3A_541 = arith.constant 1 : i32
        %parallel_loop3A_542 = arith.index_cast %parallel_loop3A_541 : i32 to index
        %parallel_loop3A_543 = arith.index_cast %parallel_loop3A_522 : i32 to index
        %parallel_loop3A_544 = arith.index_cast %parallel_loop3A_540 : i32 to index
        %parallel_loop3A_545 = tpu.vector_load %arg7[%parallel_loop3A_542, %parallel_loop3A_543, %parallel_loop3A_544] {strides = array<i32>} : memref<2x8x512xi32, #tpu.memory_space<vmem>>, vector<16xi32>,
        %parallel_loop3A_546 = arith.constant 256 : i32
        %parallel_loop3A_547 = vector.broadcast %parallel_loop3A_546 : i32 to vector<16xi32>
        %parallel_loop3A_548 = arith.addi %parallel_loop3A_545, %parallel_loop3A_547 : vector<16xi32>
        %parallel_loop3A_549 = tpu.vector_load_idx %arg5[%parallel_loop3A_548] : memref<512xf32, #tpu.memory_space<vmem>>[vector<16xi32>], vector<16xf32>,
        %parallel_loop3A_550 = arith.constant 1 : i32
        %parallel_loop3A_551 = arith.constant 0 : i32
        %parallel_loop3A_552 = arith.index_cast %parallel_loop3A_550 : i32 to index
        %parallel_loop3A_553 = arith.index_cast %parallel_loop3A_551 : i32 to index
        %parallel_loop3A_554 = arith.index_cast %parallel_loop3A_522 : i32 to index
        %parallel_loop3A_555 = arith.index_cast %parallel_loop3A_540 : i32 to index
        %parallel_loop3A_556 = tpu.vector_load %arg8[%parallel_loop3A_552, %parallel_loop3A_553, %parallel_loop3A_554, %parallel_loop3A_555] {strides = array<i32>} : memref<2x8x8x512xf32, #tpu.memory_space<vmem>>, vector<16xf32>,
        tpu.vector_store %arg8[%parallel_loop3A_552, %parallel_loop3A_553, %parallel_loop3A_554, %parallel_loop3A_555], %parallel_loop3A_549 {strides = array<i32>} : memref<2x8x8x512xf32, #tpu.memory_space<vmem>>, vector<16xf32>,
        %parallel_loop3A_557 = arith.constant 288 : i32
        %parallel_loop3A_558 = vector.broadcast %parallel_loop3A_557 : i32 to vector<16xi32>
        %parallel_loop3A_559 = arith.addi %parallel_loop3A_545, %parallel_loop3A_558 : vector<16xi32>
        %parallel_loop3A_560 = tpu.vector_load_idx %arg5[%parallel_loop3A_559] : memref<512xf32, #tpu.memory_space<vmem>>[vector<16xi32>], vector<16xf32>,
        %parallel_loop3A_561 = arith.constant 1 : i32
        %parallel_loop3A_562 = arith.constant 1 : i32
        %parallel_loop3A_563 = arith.index_cast %parallel_loop3A_561 : i32 to index
        %parallel_loop3A_564 = arith.index_cast %parallel_loop3A_562 : i32 to index
        %parallel_loop3A_565 = arith.index_cast %parallel_loop3A_522 : i32 to index
        %parallel_loop3A_566 = arith.index_cast %parallel_loop3A_540 : i32 to index
        %parallel_loop3A_567 = tpu.vector_load %arg8[%parallel_loop3A_563, %parallel_loop3A_564, %parallel_loop3A_565, %parallel_loop3A_566] {strides = array<i32>} : memref<2x8x8x512xf32, #tpu.memory_space<vmem>>, vector<16xf32>,
        tpu.vector_store %arg8[%parallel_loop3A_563, %parallel_loop3A_564, %parallel_loop3A_565, %parallel_loop3A_566], %parallel_loop3A_560 {strides = array<i32>} : memref<2x8x8x512xf32, #tpu.memory_space<vmem>>, vector<16xf32>,
        %parallel_loop3A_568 = arith.constant 320 : i32
        %parallel_loop3A_569 = vector.broadcast %parallel_loop3A_568 : i32 to vector<16xi32>
        %parallel_loop3A_570 = arith.addi %parallel_loop3A_545, %parallel_loop3A_569 : vector<16xi32>
        %parallel_loop3A_571 = tpu.vector_load_idx %arg5[%parallel_loop3A_570] : memref<512xf32, #tpu.memory_space<vmem>>[vector<16xi32>], vector<16xf32>,
        %parallel_loop3A_572 = arith.constant 1 : i32
        %parallel_loop3A_573 = arith.constant 2 : i32
        %parallel_loop3A_574 = arith.index_cast %parallel_loop3A_572 : i32 to index
        %parallel_loop3A_575 = arith.index_cast %parallel_loop3A_573 : i32 to index
        %parallel_loop3A_576 = arith.index_cast %parallel_loop3A_522 : i32 to index
        %parallel_loop3A_577 = arith.index_cast %parallel_loop3A_540 : i32 to index
        %parallel_loop3A_578 = tpu.vector_load %arg8[%parallel_loop3A_574, %parallel_loop3A_575, %parallel_loop3A_576, %parallel_loop3A_577] {strides = array<i32>} : memref<2x8x8x512xf32, #tpu.memory_space<vmem>>, vector<16xf32>,
        tpu.vector_store %arg8[%parallel_loop3A_574, %parallel_loop3A_575, %parallel_loop3A_576, %parallel_loop3A_577], %parallel_loop3A_571 {strides = array<i32>} : memref<2x8x8x512xf32, #tpu.memory_space<vmem>>, vector<16xf32>,
        %parallel_loop3A_579 = arith.constant 352 : i32
        %parallel_loop3A_580 = vector.broadcast %parallel_loop3A_579 : i32 to vector<16xi32>
        %parallel_loop3A_581 = arith.addi %parallel_loop3A_545, %parallel_loop3A_580 : vector<16xi32>
        %parallel_loop3A_582 = tpu.vector_load_idx %arg5[%parallel_loop3A_581] : memref<512xf32, #tpu.memory_space<vmem>>[vector<16xi32>], vector<16xf32>,
        %parallel_loop3A_583 = arith.constant 1 : i32
        %parallel_loop3A_584 = arith.constant 3 : i32
        %parallel_loop3A_585 = arith.index_cast %parallel_loop3A_583 : i32 to index
        %parallel_loop3A_586 = arith.index_cast %parallel_loop3A_584 : i32 to index
        %parallel_loop3A_587 = arith.index_cast %parallel_loop3A_522 : i32 to index
        %parallel_loop3A_588 = arith.index_cast %parallel_loop3A_540 : i32 to index
        %parallel_loop3A_589 = tpu.vector_load %arg8[%parallel_loop3A_585, %parallel_loop3A_586, %parallel_loop3A_587, %parallel_loop3A_588] {strides = array<i32>} : memref<2x8x8x512xf32, #tpu.memory_space<vmem>>, vector<16xf32>,
        tpu.vector_store %arg8[%parallel_loop3A_585, %parallel_loop3A_586, %parallel_loop3A_587, %parallel_loop3A_588], %parallel_loop3A_582 {strides = array<i32>} : memref<2x8x8x512xf32, #tpu.memory_space<vmem>>, vector<16xf32>,
        %parallel_loop3A_590 = arith.constant 384 : i32
        %parallel_loop3A_591 = vector.broadcast %parallel_loop3A_590 : i32 to vector<16xi32>
        %parallel_loop3A_592 = arith.addi %parallel_loop3A_545, %parallel_loop3A_591 : vector<16xi32>
        %parallel_loop3A_593 = tpu.vector_load_idx %arg5[%parallel_loop3A_592] : memref<512xf32, #tpu.memory_space<vmem>>[vector<16xi32>], vector<16xf32>,
        %parallel_loop3A_594 = arith.constant 1 : i32
        %parallel_loop3A_595 = arith.constant 4 : i32
        %parallel_loop3A_596 = arith.index_cast %parallel_loop3A_594 : i32 to index
        %parallel_loop3A_597 = arith.index_cast %parallel_loop3A_595 : i32 to index
        %parallel_loop3A_598 = arith.index_cast %parallel_loop3A_522 : i32 to index
        %parallel_loop3A_599 = arith.index_cast %parallel_loop3A_540 : i32 to index
        %parallel_loop3A_600 = tpu.vector_load %arg8[%parallel_loop3A_596, %parallel_loop3A_597, %parallel_loop3A_598, %parallel_loop3A_599] {strides = array<i32>} : memref<2x8x8x512xf32, #tpu.memory_space<vmem>>, vector<16xf32>,
        tpu.vector_store %arg8[%parallel_loop3A_596, %parallel_loop3A_597, %parallel_loop3A_598, %parallel_loop3A_599], %parallel_loop3A_593 {strides = array<i32>} : memref<2x8x8x512xf32, #tpu.memory_space<vmem>>, vector<16xf32>,
        %parallel_loop3A_601 = arith.constant 416 : i32
        %parallel_loop3A_602 = vector.broadcast %parallel_loop3A_601 : i32 to vector<16xi32>
        %parallel_loop3A_603 = arith.addi %parallel_loop3A_545, %parallel_loop3A_602 : vector<16xi32>
        %parallel_loop3A_604 = tpu.vector_load_idx %arg5[%parallel_loop3A_603] : memref<512xf32, #tpu.memory_space<vmem>>[vector<16xi32>], vector<16xf32>,
        %parallel_loop3A_605 = arith.constant 1 : i32
        %parallel_loop3A_606 = arith.constant 5 : i32
        %parallel_loop3A_607 = arith.index_cast %parallel_loop3A_605 : i32 to index
        %parallel_loop3A_608 = arith.index_cast %parallel_loop3A_606 : i32 to index
        %parallel_loop3A_609 = arith.index_cast %parallel_loop3A_522 : i32 to index
        %parallel_loop3A_610 = arith.index_cast %parallel_loop3A_540 : i32 to index
        %parallel_loop3A_611 = tpu.vector_load %arg8[%parallel_loop3A_607, %parallel_loop3A_608, %parallel_loop3A_609, %parallel_loop3A_610] {strides = array<i32>} : memref<2x8x8x512xf32, #tpu.memory_space<vmem>>, vector<16xf32>,
        tpu.vector_store %arg8[%parallel_loop3A_607, %parallel_loop3A_608, %parallel_loop3A_609, %parallel_loop3A_610], %parallel_loop3A_604 {strides = array<i32>} : memref<2x8x8x512xf32, #tpu.memory_space<vmem>>, vector<16xf32>,
        %parallel_loop3A_612 = arith.constant 448 : i32
        %parallel_loop3A_613 = vector.broadcast %parallel_loop3A_612 : i32 to vector<16xi32>
        %parallel_loop3A_614 = arith.addi %parallel_loop3A_545, %parallel_loop3A_613 : vector<16xi32>
        %parallel_loop3A_615 = tpu.vector_load_idx %arg5[%parallel_loop3A_614] : memref<512xf32, #tpu.memory_space<vmem>>[vector<16xi32>], vector<16xf32>,
        %parallel_loop3A_616 = arith.constant 1 : i32
        %parallel_loop3A_617 = arith.constant 6 : i32
        %parallel_loop3A_618 = arith.index_cast %parallel_loop3A_616 : i32 to index
        %parallel_loop3A_619 = arith.index_cast %parallel_loop3A_617 : i32 to index
        %parallel_loop3A_620 = arith.index_cast %parallel_loop3A_522 : i32 to index
        %parallel_loop3A_621 = arith.index_cast %parallel_loop3A_540 : i32 to index
        %parallel_loop3A_622 = tpu.vector_load %arg8[%parallel_loop3A_618, %parallel_loop3A_619, %parallel_loop3A_620, %parallel_loop3A_621] {strides = array<i32>} : memref<2x8x8x512xf32, #tpu.memory_space<vmem>>, vector<16xf32>,
        tpu.vector_store %arg8[%parallel_loop3A_618, %parallel_loop3A_619, %parallel_loop3A_620, %parallel_loop3A_621], %parallel_loop3A_615 {strides = array<i32>} : memref<2x8x8x512xf32, #tpu.memory_space<vmem>>, vector<16xf32>,
        %parallel_loop3A_623 = arith.constant 480 : i32
        %parallel_loop3A_624 = vector.broadcast %parallel_loop3A_623 : i32 to vector<16xi32>
        %parallel_loop3A_625 = arith.addi %parallel_loop3A_545, %parallel_loop3A_624 : vector<16xi32>
        %parallel_loop3A_626 = tpu.vector_load_idx %arg5[%parallel_loop3A_625] : memref<512xf32, #tpu.memory_space<vmem>>[vector<16xi32>], vector<16xf32>,
        %parallel_loop3A_627 = arith.constant 1 : i32
        %parallel_loop3A_628 = arith.constant 7 : i32
        %parallel_loop3A_629 = arith.index_cast %parallel_loop3A_627 : i32 to index
        %parallel_loop3A_630 = arith.index_cast %parallel_loop3A_628 : i32 to index
        %parallel_loop3A_631 = arith.index_cast %parallel_loop3A_522 : i32 to index
        %parallel_loop3A_632 = arith.index_cast %parallel_loop3A_540 : i32 to index
        %parallel_loop3A_633 = tpu.vector_load %arg8[%parallel_loop3A_629, %parallel_loop3A_630, %parallel_loop3A_631, %parallel_loop3A_632] {strides = array<i32>} : memref<2x8x8x512xf32, #tpu.memory_space<vmem>>, vector<16xf32>,
        tpu.vector_store %arg8[%parallel_loop3A_629, %parallel_loop3A_630, %parallel_loop3A_631, %parallel_loop3A_632], %parallel_loop3A_626 {strides = array<i32>} : memref<2x8x8x512xf32, #tpu.memory_space<vmem>>, vector<16xf32>,
      } {sc.loop_unroll_factor = 4 : i64, sc.parallel_access}
      %dma_start3A_483 = arith.constant 1 : i32
      %dma_start3A_484 = arith.constant 0 : i32
      %dma_start3A_485 = arith.constant 0 : i32
      %dma_start3A_486 = arith.constant 0 : i32
      %dma_start3A_487 = tpu.memref_slice %arg8[%dma_start3A_483, %dma_start3A_484, %dma_start3A_485, %dma_start3A_486] : memref<2x8x8x512xf32, #tpu.memory_space<vmem>> -> memref<1x8x8x512xf32, #tpu.memory_space<vmem>>
      %dma_start3A_488 = tpu.memref_squeeze %dma_start3A_487 : memref<1x8x8x512xf32, #tpu.memory_space<vmem>> -> memref<8x8x512xf32, #tpu.memory_space<vmem>>
      %dma_start3A_489 = arith.constant 8 : i32
      %dma_start3A_490 = tpu.memref_slice %arg4[%dma_start3A_489, %add3A_415, %mul3A_433] : memref<16x2048x2048xf32, #tpu.memory_space<hbm>> -> memref<8x8x512xf32, #tpu.memory_space<hbm>>
      %dma_start3A_491 = arith.constant 8 : i32
      %dma_start3A_492 = tpu.memref_slice %arg4[%dma_start3A_491, %add3A_415, %mul3A_433] : memref<16x2048x2048xf32, #tpu.memory_space<hbm>> -> memref<8x8x512xf32, #tpu.memory_space<hbm>>
      %dma_start3A_493 = arith.constant 0 : i32
      %dma_start3A_494 = arith.constant 0 : i32
      %dma_start3A_495 = arith.constant 0 : i32
      %dma_start3A_496 = tpu.memref_slice %arg8[%dma_start3A_483, %dma_start3A_493, %dma_start3A_494, %dma_start3A_495] : memref<2x8x8x512xf32, #tpu.memory_space<vmem>> -> memref<1x8x8x512xf32, #tpu.memory_space<vmem>>
      %dma_start3A_497 = tpu.memref_squeeze %dma_start3A_496 : memref<1x8x8x512xf32, #tpu.memory_space<vmem>> -> memref<8x8x512xf32, #tpu.memory_space<vmem>>
      tpu.enqueue_dma source(%dma_start3A_497 : memref<8x8x512xf32, #tpu.memory_space<vmem>>) target(%dma_start3A_492 : memref<8x8x512xf32, #tpu.memory_space<hbm>>) target_semaphore(%arg10 : memref<!tpu.dma_semaphore, #tpu.memory_space<semaphore_mem>>)
    }
    %scan3A_249 = arith.constant 16 : i32
    %add3A_250 = arith.constant 56 : i32
    %add3A_251 = arith.addi %mul3A_4, %add3A_250 : i32
    %dma_wait3A = arith.constant 0 : i32
    %dma_wait3A_252 = arith.constant 0 : i32
    %dma_wait3A_253 = arith.constant 0 : i32
    %dma_wait3A_254 = arith.constant 0 : i32
    %dma_wait3A_255 = tpu.memref_slice %arg8[%dma_wait3A, %dma_wait3A_252, %dma_wait3A_253, %dma_wait3A_254] : memref<2x8x8x512xf32, #tpu.memory_space<vmem>> -> memref<1x8x8x512xf32, #tpu.memory_space<vmem>>
    %dma_wait3A_256 = tpu.memref_squeeze %dma_wait3A_255 : memref<1x8x8x512xf32, #tpu.memory_space<vmem>> -> memref<8x8x512xf32, #tpu.memory_space<vmem>>
    %dma_wait3A_257 = arith.constant 0 : i32
    %dma_wait3A_258 = arith.constant 1536 : i32
    %dma_wait3A_259 = tpu.memref_slice %arg4[%dma_wait3A_257, %add3A_251, %dma_wait3A_258] : memref<16x2048x2048xf32, #tpu.memory_space<hbm>> -> memref<8x8x512xf32, #tpu.memory_space<hbm>>
    %dma_wait3A_260 = arith.constant 0 : i32
    %dma_wait3A_261 = arith.constant 1536 : i32
    %dma_wait3A_262 = tpu.memref_slice %arg4[%dma_wait3A_260, %add3A_251, %dma_wait3A_261] : memref<16x2048x2048xf32, #tpu.memory_space<hbm>> -> memref<8x8x512xf32, #tpu.memory_space<hbm>>
    %dma_wait3A_263 = arith.constant 0 : i32
    %dma_wait3A_264 = arith.constant 0 : i32
    %dma_wait3A_265 = arith.constant 0 : i32
    %dma_wait3A_266 = tpu.memref_slice %arg8[%dma_wait3A, %dma_wait3A_263, %dma_wait3A_264, %dma_wait3A_265] : memref<2x8x8x512xf32, #tpu.memory_space<vmem>> -> memref<1x8x8x512xf32, #tpu.memory_space<vmem>>
    %dma_wait3A_267 = tpu.memref_squeeze %dma_wait3A_266 : memref<1x8x8x512xf32, #tpu.memory_space<vmem>> -> memref<8x8x512xf32, #tpu.memory_space<vmem>>
    tpu.wait_dma2 semaphore(%arg10 : memref<!tpu.dma_semaphore, #tpu.memory_space<semaphore_mem>>) src(%dma_wait3A_267 : memref<8x8x512xf32, #tpu.memory_space<vmem>>) dst(%dma_wait3A_262 : memref<8x8x512xf32, #tpu.memory_space<hbm>>)
    %dma_wait3A_268 = arith.constant 1 : i32
    %dma_wait3A_269 = arith.constant 0 : i32
    %dma_wait3A_270 = arith.constant 0 : i32
    %dma_wait3A_271 = arith.constant 0 : i32
    %dma_wait3A_272 = tpu.memref_slice %arg8[%dma_wait3A_268, %dma_wait3A_269, %dma_wait3A_270, %dma_wait3A_271] : memref<2x8x8x512xf32, #tpu.memory_space<vmem>> -> memref<1x8x8x512xf32, #tpu.memory_space<vmem>>
    %dma_wait3A_273 = tpu.memref_squeeze %dma_wait3A_272 : memref<1x8x8x512xf32, #tpu.memory_space<vmem>> -> memref<8x8x512xf32, #tpu.memory_space<vmem>>
    %dma_wait3A_274 = arith.constant 8 : i32
    %dma_wait3A_275 = arith.constant 1536 : i32
    %dma_wait3A_276 = tpu.memref_slice %arg4[%dma_wait3A_274, %add3A_251, %dma_wait3A_275] : memref<16x2048x2048xf32, #tpu.memory_space<hbm>> -> memref<8x8x512xf32, #tpu.memory_space<hbm>>
    %dma_wait3A_277 = arith.constant 8 : i32
    %dma_wait3A_278 = arith.constant 1536 : i32
    %dma_wait3A_279 = tpu.memref_slice %arg4[%dma_wait3A_277, %add3A_251, %dma_wait3A_278] : memref<16x2048x2048xf32, #tpu.memory_space<hbm>> -> memref<8x8x512xf32, #tpu.memory_space<hbm>>
    %dma_wait3A_280 = arith.constant 0 : i32
    %dma_wait3A_281 = arith.constant 0 : i32
    %dma_wait3A_282 = arith.constant 0 : i32
    %dma_wait3A_283 = tpu.memref_slice %arg8[%dma_wait3A_268, %dma_wait3A_280, %dma_wait3A_281, %dma_wait3A_282] : memref<2x8x8x512xf32, #tpu.memory_space<vmem>> -> memref<1x8x8x512xf32, #tpu.memory_space<vmem>>
    %dma_wait3A_284 = tpu.memref_squeeze %dma_wait3A_283 : memref<1x8x8x512xf32, #tpu.memory_space<vmem>> -> memref<8x8x512xf32, #tpu.memory_space<vmem>>
    tpu.wait_dma2 semaphore(%arg10 : memref<!tpu.dma_semaphore, #tpu.memory_space<semaphore_mem>>) src(%dma_wait3A_284 : memref<8x8x512xf32, #tpu.memory_space<vmem>>) dst(%dma_wait3A_279 : memref<8x8x512xf32, #tpu.memory_space<hbm>>)
    return
  }
}

</mosaic_0001>

<sc_bundles>
// kernel: kernel.3.cloned.1.call-start
scs
__scs_entry_jumppad:
0x0: {  	(pc) =	sbr.rel $0x88, $3  }
0x1: {  	(tag) =	ssettag $0x0;
	lr =	simm.s32 $0x1  }
0x2: {  	[smem:$0x3F9F] =	sst lr;
	_ =	strace $0xD0000000  }
0x3: {  	_ = 	snop  }
0x4: {  	_ = 	snop  }
0x5: {  	_ = 	snop  }
0x6: {  	_ = 	snop  }
0x7: {  	_ = 	snop  }
__scs_overlays_trampoline_lowered:
0x8: {  	[smem:$0x3FAE] =	sst s0  }
0x9: {  	[smem:$0x3FAF] =	sst s1  }
0xa: {  	[smem:$0x3FB0] =	sst s2  }
0xb: {  	[smem:$0x3FB1] =	sst s3  }
0xc: {  	[smem:$0x3FB2] =	sst s4  }
0xd: {  	[smem:$0x3FB3] =	sst s5  }
0xe: {  	[smem:$0x3FB4] =	sst s6  }
0xf: {  	[smem:$0x3FB5] =	sst s7  }
0x10: {  	[smem:$0x3FB6] =	sst s8  }
0x11: {  	[smem:$0x3FB7] =	sst s9;
	s0 =	simm.s32 @!p0 $0x0  }
0x12: {  	s1 =	sld [smem:$0x3F9D];
	s0 =	simm.s32 @p0 $0x1  }
0x13: {  	[smem:$0x3FB8] =	sst s0;
	s0 =	simm.s32 @!p1 $0x0  }
0x14: {  	s2 =	sld [smem:$0x3F9C];
	s0 =	simm.s32 @p1 $0x1  }
0x15: {  	[smem:$0x3FB9] =	sst s0;
	s0 =	simm.s32 @!p2 $0x0  }
0x16: {  	s3 =	sld [smem:$0x3FDB];
	s0 =	simm.s32 @p2 $0x1  }
0x17: {  	s4 =	simm.s32 $0x1BF5;
	[smem:$0x3FBB] =	sst s0  }
0x18: {  	s0 =	sld [smem:$0x3F9E];
	_ =	swait.ge [sflag:s4], $0x0  }
0x19: {  	s7 =	sld [smem:$0x3F9F]  }
0x1a: {  	s8 =	sadd.s32 $0xFFFFE003, lr  }
0x1b: {  	s9 =	sadd.s32 $0xFFFFFEF7, lr;
	s5 =	simm.s32 $0xFFFFFFFF;
	p2 =	slt.u32 s8, $0xFFFFF086  }
0x1c: {  	p1 =	slt.u32 s9, $0xF7A;
	s5 =	simm.s32 @!p2 $0x0  }
0x1d: {  	s5 =	simm.s32 @p1 $0x1;
	p0 =	seq.s32 s7, s2  }
0x1e: {  	s7 =	smul.u32 @!p0 $0xF7A, s2;
	p2 =	seq.s32 @!p0 s5, $0x0  }
0x1f: {  	s9 =	smul.u32 $0xF7A, s1;
	s8 =	simm.s32 @!p0 $0x1BF5;
	p2 =	por !p2, p0  }
0x20: {  	[sflag:s8] =	ssyncset.s32 @!p0 $0xFFFFF086;
	s6 =	sadd.s32 @!p0 s3, s7;
	s7 =	simm.s32 @!p0 $0x108  }
0x21: {  	s3 =	sadd.s32 s3, s9;
	s6 =	sadd.s32 @!p0 $0x88, s6;
	s7 =	simm.s32 @p2 $0x1082  }
0x22: {  	[simem:s7], [sflag:s8] =	dma.local @!p0 [hbm:s6], $0xF7A  }
0x23: {  	s9 =	sor.u32 $0xD0000000, s2;
	s6 =	simm.s32 $0x108;
	_ =	swait.ge @!p0 [sflag:s8], $0x0  }
0x24: {  	s3 =	sadd.s32 $0x88, s3;
	s6 =	simm.s32 @!p1 $0x1082;
	[sflag:s4] =	ssyncset.s32 $0xFFFFF086  }
0x25: {  	[simem:s6], [sflag:s4] =	dma.local [hbm:s3], $0xF7A  }
0x26: {  	[smem:$0x3F9F] =	sst s1;
	(tag) =	ssettag s2;
	_ =	strace s9  }
0x27: {  	s1 =	sld [smem:$0x3FAF]  }
0x28: {  	s2 =	sld [smem:$0x3FB0]  }
0x29: {  	s4 =	sld [smem:$0x3FB2]  }
0x2a: {  	p0 =	seq.s32 s5, $0x0;
	s5 =	sld [smem:$0x3FB3]  }
0x2b: {  	s6 =	sld [smem:$0x3FB4]  }
0x2c: {  	s7 =	sld [smem:$0x3FB5]  }
0x2d: {  	s3 =	simm.s32 $0x108;
	s8 =	sld [smem:$0x3FB6]  }
0x2e: {  	s3 =	simm.s32 @!p0 $0x1082;
	s9 =	sld [smem:$0x3FB7]  }
0x2f: {  	lr =	sadd.s32 s0, s3;
	s0 =	sld [smem:$0x3FAE]  }
0x30: {  	s3 =	sld [smem:$0x3FB1]  }
0x31: {  	[smem:$0x3FBA] =	sst s10  }
0x32: {  	s10 =	sld [smem:$0x3FB8];
	_ =	sdelay $0x3  }
0x33: {  	p0 =	seq.s32 s10, $0x1;
	s10 =	sld [smem:$0x3FBA];
	_ =	sdelay $0x3  }
0x34: {  	[smem:$0x3FBA] =	sst s10  }
0x35: {  	s10 =	sld [smem:$0x3FB9];
	_ =	sdelay $0x3  }
0x36: {  	p1 =	seq.s32 s10, $0x1;
	s10 =	sld [smem:$0x3FBA];
	_ =	sdelay $0x3  }
0x37: {  	[smem:$0x3FBA] =	sst s10  }
0x38: {  	s10 =	sld [smem:$0x3FBB]  }
0x39: {  	_ = 	snop;
	(pc) =	sbr.ind lr, $3  }
0x3a: {  	_ = 	snop  }
0x3b: {  	_ = 	snop  }
0x3c: {  	p2 =	seq.s32 s10, $0x1;
	s10 =	sld [smem:$0x3FBA]  }
0x3d: {  	_ =	shalt  }
0x3e: {  	_ =	shalt  }
0x3f: {  	_ =	shalt  }
0x40: {  	_ =	shalt  }
0x41: {  	_ =	shalt  }
0x42: {  	_ =	shalt  }
0x43: {  	_ =	shalt  }
0x44: {  	_ =	shalt  }
0x45: {  	_ =	shalt  }
0x46: {  	_ =	shalt  }
0x47: {  	_ =	shalt  }
0x48: {  	_ =	shalt  }
0x49: {  	_ =	shalt  }
0x4a: {  	_ =	shalt  }
0x4b: {  	_ =	shalt  }
0x4c: {  	_ =	shalt  }
0x4d: {  	_ =	shalt  }
0x4e: {  	_ =	shalt  }
0x4f: {  	_ =	shalt  }
0x50: {  	_ =	shalt  }
0x51: {  	_ =	shalt  }
0x52: {  	_ =	shalt  }
0x53: {  	_ =	shalt  }
0x54: {  	_ =	shalt  }
0x55: {  	_ =	shalt  }
0x56: {  	_ =	shalt  }
0x57: {  	_ =	shalt  }
0x58: {  	_ =	shalt  }
0x59: {  	_ =	shalt  }
0x5a: {  	_ =	shalt  }
0x5b: {  	_ =	shalt  }
0x5c: {  	_ =	shalt  }
0x5d: {  	_ =	shalt  }
0x5e: {  	_ =	shalt  }
0x5f: {  	_ =	shalt  }
0x60: {  	_ =	shalt  }
0x61: {  	_ =	shalt  }
0x62: {  	_ =	shalt  }
0x63: {  	_ =	shalt  }
0x64: {  	_ =	shalt  }
0x65: {  	_ =	shalt  }
0x66: {  	_ =	shalt  }
0x67: {  	_ =	shalt  }
0x68: {  	_ =	shalt  }
0x69: {  	_ =	shalt  }
0x6a: {  	_ =	shalt  }
0x6b: {  	_ =	shalt  }
0x6c: {  	_ =	shalt  }
0x6d: {  	_ =	shalt  }
0x6e: {  	_ =	shalt  }
0x6f: {  	_ =	shalt  }
0x70: {  	_ =	shalt  }
0x71: {  	_ =	shalt  }
0x72: {  	_ =	shalt  }
0x73: {  	_ =	shalt  }
0x74: {  	_ =	shalt  }
0x75: {  	_ =	shalt  }
0x76: {  	_ =	shalt  }
0x77: {  	_ =	shalt  }
0x78: {  	_ =	shalt  }
0x79: {  	_ =	shalt  }
0x7a: {  	_ =	shalt  }
0x7b: {  	_ =	shalt  }
0x7c: {  	_ =	shalt  }
0x7d: {  	_ =	shalt  }
0x7e: {  	_ =	shalt  }
0x7f: {  	_ =	shalt  }
0x80: {  	_ =	shalt  }
0x81: {  	_ =	shalt  }
0x82: {  	_ =	shalt  }
0x83: {  	_ =	shalt  }
0x84: {  	_ =	shalt  }
0x85: {  	_ =	shalt  }
0x86: {  	_ =	shalt  }
0x87: {  	_ =	shalt  }
.Lfunc_end0:
.L_simem_size_0:
called_computation_lowered:
.L_overlay_start_0:
0x88: {  	s2 =	sld [smem:$0x3FD9]  }
0x89: {  	s3 =	sld [smem:$0x3FFE];
	_ =	sdelay $0x1  }
0x8a: {  	s1 =	srdreg.scid  }
0x8b: {  	s0 =	sand.u32 $0x1, s1  }
0x8c: {  	s17 =	sshll.u32 s0, $0xA;
	s2 =	sadd.s32 s3, s2  }
0x8d: {  	s2 =	sadd.s32 s2, s17  }
0x8e: {  	[smem:$0x3FC6] =	sst s2  }
0x8f: {  	_ = 	snop  }
0x90: {  	s2 =	sld [smem:$0x3FC9]  }
0x91: {  	s18 =	sld [smem:$0x3FD0];
	(tm) =	ssettm $0x1  }
0x92: {  	s4 =	sld [smem:$0x3FFB];
	_ =	sdelay $0x3  }
0x93: {  	_ =	strace s4  }
0x94: {  	s4 =	sld [smem:$0x3FFC];
	_ =	sdelay $0x3  }
0x95: {  	_ =	strace s4  }
0x96: {  	s4 =	sld [smem:$0x3FFD];
	_ =	sdelay $0x3  }
0x97: {  	_ =	strace s4  }
0x98: {  	_ =	strace $0x8FFFFFFF  }
0x99: {  	s19 =	sld [smem:$0x3FDB];
	_ =	sdelay $0x1  }
0x9a: {  	s5 =	simm.s32 $_scs_section_size  }
0x9b: {  	s6 =	simm.s32 $_size__tile_overlayer_lowered;
	s7 =	simm.s32 $_tile_overlayer_lowered  }
0x9c: {  	s22 =	simm.s32 $0x1BFF;
	s21 =	sshll.u32 s7, $0x1;
	s4 =	sadd.s32 s5, s19  }
0x9d: {  	s8 =	simm.s32 $0x0;
	s20 =	sshll.u32 s6, $0x1;
	s6 =	sadd.s32 s21, s4  }
0x9e: {  	[timem:s8], [sflag:s22] =	dma.local [hbm:s6], s20  }
0x9f: {  	_ =	swait.ge [sflag:s22], s20  }
0xa0: {  	s5 =	ssub.s32 $0x0, s20;
	[sflag:s22] =	ssyncset.done $0x0  }
0xa1: {  	[sflag:s22] =	ssyncadd.s32 s5;
	_ =	sdelay $0x1  }
0xa2: {  	s23 =	simm.s32 $0x1B8B  }
0xa3: {  	_ =	swait.ge [sflag:s23], $0x1  }
0xa4: {  	[sflag:s23] =	ssyncset.done $0x0  }
0xa5: {  	s25 =	simm.s32 $0x1B8E;
	s24 =	sld [smem:$0x3FFE];
	[sflag:s23] =	ssyncadd.s32 $0xFFFFFFFF  }
0xa6: {  	s26 =	simm.s32 $execute0_lowered;
	[smem:$0x3FD2] =	sst s25  }
0xa7: {  	s6 =	sshll.u32 s26, $0x1;
	_ =	strace $0x80000046;
	[dreg:$0x1] =	wrdreg $0xFFFFFFFF  }
0xa8: {  	s28 =	simm.s32 $_size_execute0_lowered;
	s4 =	sadd.s32 s4, s6;
	[dreg:$0x0] =	wrdreg $0x0  }
0xa9: {  	s6 =	sshll.u32 s28, $0x1;
	[dreg:$0x2] =	wrdreg s4  }
0xaa: {  	[dreg:$0x3] =	wrdreg s6  }
0xab: {  	[dreg:$0x4] =	wrdreg $0xC0  }
0xac: {  	_ =	task [dreg:s8], $0x5FFFF  }
0xad: {  	[dreg:$0x1] =	wrdreg $0xFFFFFFFF  }
0xae: {  	[dreg:$0x0] =	wrdreg $0x60  }
0xaf: {  	[dreg:$0x2] =	wrdreg s2  }
0xb0: {  	[dreg:$0x3] =	wrdreg s24  }
0xb1: {  	[dreg:$0x4] =	wrdreg s18  }
0xb2: {  	[dreg:$0x5] =	wrdreg $0x9  }
0xb3: {  	_ =	task.clear_ibuf [dreg:s8], $0x6FFFF;
	_ =	strace $0x90000046  }
0xb4: {  	s29 =	simm.s32 $0x9;
	_ =	strace $0x80000048  }
0xb5: {  	_ =	swait.ge [sflag:s29], $0x1  }
0xb6: {  	[sflag:s29] =	ssyncadd.s32 $0xFFFFFFFF  }
0xb7: {  	_ =	strace $0x90000048  }
0xb8: {  	_ =	sfence  }
0xb9: {  	s30 =	sld [smem:$0x0];
	_ =	sdelay $0x2  }
0xba: {  	s31 =	sshll.u32 s1, $0xD;
	s1 =	sshrl.u32 s1, $0x2  }
0xbb: {  	s3 =	sand.u32 $0x4000, s31;
	s1 =	sadd.s32 s1, s30  }
0xbc: {  	s0 =	sor.u32 s3, s0;
	s1 =	sshll.u32 s1, $0x11  }
0xbd: {  	s0 =	sor.u32 s1, s0  }
0xbe: {  	s0 =	sadd.s32 $0x8F2B, s0  }
0xbf: {  	[sflag:s0] =	ssyncadd.remote.s32 $0x1  }
0xc0: {  	_ =	sfence.sel $0xFFFF  }
0xc1: {  	[dreg:$0x0] =	wrdreg $0xFFFFFFFF;
	(pc) =	sbr.abs _section_cstart, $3  }
0xc2: {  	[dreg:$0x1] =	wrdreg $0xFFFFFFFF  }
0xc3: {  	_ =	task.clear_ibuf [dreg:s8], $0x2FFFF;
	_ =	strace $0x9FFFFFFF  }
0xc4: {  	(tm) =	ssettm $0x7FFFFFFF  }
0xc5: {  	_ =	shalt  }
tec
execute0_lowered:
.L_overlay_start_1:
0x0: {  	(tag) =	ssettag $0x1  }
0x1: {  	v0 =	vlaneseq.u32  }
0x2: {  	v0 =	vmul.u32 $0x20, v0;
	_ =	sdelay $0x1  }
0x3: {  	v1 =	vor.u32 $0x1, v0  }
0x4: {  	[tilespmem:$0x1FF60] =	vst v1;
	v1 =	vor.u32 $0x2, v0  }
0x5: {  	[tilespmem:$0x1FF70] =	vst v1;
	v1 =	vor.u32 $0x3, v0  }
0x6: {  	[tilespmem:$0x1FF80] =	vst v1;
	v1 =	vor.u32 $0x4, v0  }
0x7: {  	[tilespmem:$0x1FF90] =	vst v1;
	v1 =	vor.u32 $0x5, v0  }
0x8: {  	[tilespmem:$0x1FFA0] =	vst v1;
	v1 =	vor.u32 $0x6, v0  }
0x9: {  	s5 =	rddreg [dreg:$0x0];
	s1 =	srdreg.scid;
	[tilespmem:$0x1FFB0] =	vst v1;
	v1 =	vor.u32 $0x7, v0  }
0xa: {  	s0 =	rddreg [dreg:$0x1];
	s2 =	stileid.u32;
	s1 =	sand.u32 $0x1, s1;
	v11 =	vor.u32 $0xB, v0;
	v12 =	vor.u32 $0xC, v0;
	[tilespmem:$0x1FFC0] =	vst v1;
	v1 =	vor.u32 $0x8, v0  }
0xb: {  	s4 =	simm.s32 $0x0;
	s2 =	sshll.u32 s2, $0x7;
	s3 =	sshll.u32 s1, $0x6;
	v13 =	vor.u32 $0xD, v0;
	v14 =	vor.u32 $0xE, v0;
	[tilespmem:$0x1FFD0] =	vst v1;
	v1 =	vor.u32 $0x9, v0  }
0xc: {  	[smem:$0x7FF] =	sst s4;
	s1 =	ssub.s32 $0x2, s1;
	s2 =	sor.u32 s3, s2;
	v15 =	vor.u32 $0xF, v0;
	v16 =	vor.u32 $0x10, v0;
	[tilespmem:$0x1FFE0] =	vst v1;
	v1 =	vor.u32 $0xA, v0  }
0xd: {  	s0 =	sadd.s32 $0x400, s0;
	s29 =	sshrl.u32 s1, $0x1;
	v17 =	vor.u32 $0x11, v0;
	v18 =	vor.u32 $0x12, v0;
	v19 =	vor.u32 $0x13, v0;
	s3 =	sshll.u32 s2, $0x8;
	[tilespmem:$0x1FFF0] =	vst v1  }
0xe: {  	v20 =	vor.u32 $0x14, v0;
	v21 =	vor.u32 $0x15, v0;
	v22 =	vor.u32 $0x16, v0;
	s30 =	sadd.s32 s5, s3;
	_ =	strace $0x80000047;
	[dreg:$0x4] =	wrdreg s0  }
0xf: {  	v23 =	vor.u32 $0x17, v0;
	v24 =	vor.u32 $0x18, v0;
	v25 =	vor.u32 $0x19, v0;
	s31 =	sshrl.u32 s2, $0x3;
	s0 =	ssub.s32 s1, s29;
	[dreg:$0x5] =	wrdreg s30  }
0x10: {  	s13 =	simm.s32 $0x1;
	v26 =	vor.u32 $0x1A, v0;
	v27 =	vor.u32 $0x1B, v0;
	v28 =	vor.u32 $0x1C, v0;
	[dreg:$0x6] =	wrdreg s31;
	s0 =	smax.u32 s0, $0x1  }
0x11: {  	s18 =	simm.s32 $0x2;
	v29 =	vor.u32 $0x1D, v0;
	v30 =	vor.u32 $0x1E, v0;
	v31 =	vor.u32 $0x1F, v0;
	s1 =	simm.s32 $0x0;
	[dreg:$0x7] =	wrdreg s0  }
.LBB2_1:
0x12: {  	[dreg:$0x8] =	wrdreg s1  }
0x13: {  	s0 =	rddreg [dreg:$0x5];
	s28 =	simm.s32 $0x1200  }
0x14: {  	[tilespmem:s28], [sflag:$0x1] =	stream.linear.gather [hbm4b:s0+s4], $0x1000, $0x38;
	[tilespmem:$0x13200] =	vst v63  }
0x15: {  	s29 =	rddreg [dreg:$0x4];
	s30 =	simm.s32 $0x200;
	s31 =	simm.s32 $0x3  }
0x16: {  	[tilespmem:s30], [sflag:$0x3] =	stream.linear.gather [hbm4b:s29+s4], $0x1000, $0x38;
	[tilespmem:$0x13200] =	vst v63  }
0x17: {  	_ =	swait.ge [sflag:s31], $0x1000  }
0x18: {  	[sflag:s31] =	ssyncset.done $0x0  }
0x19: {  	[sflag:s31] =	ssyncadd.s32 $0xFFFFF000  }
0x1a: {  	v32 =	vld [tilespmem:$0x200];
	_ =	sdelay $0x2  }
0x1b: {  	v1 =	vld [tilespmem:$0x1FF60];
	_ =	sdelay $0x1  }
0x1c: {  	[tilespmem:v0+s4+$0x0] =	vst.idx.msk $0xffff, v32  }
0x1d: {  	v32 =	vld [tilespmem:$0x280];
	_ =	sdelay $0x4  }
0x1e: {  	[tilespmem:v1+s4+$0x0] =	vst.idx.msk $0xffff, v32;
	v1 =	vld [tilespmem:$0x1FF70];
	_ =	sdelay $0x2  }
0x1f: {  	v32 =	vld [tilespmem:$0x300];
	_ =	sdelay $0x4  }
0x20: {  	[tilespmem:v1+s4+$0x0] =	vst.idx.msk $0xffff, v32;
	v1 =	vld [tilespmem:$0x1FF80];
	_ =	sdelay $0x2  }
0x21: {  	v32 =	vld [tilespmem:$0x380];
	_ =	sdelay $0x4  }
0x22: {  	[tilespmem:v1+s4+$0x0] =	vst.idx.msk $0xffff, v32;
	v1 =	vld [tilespmem:$0x1FF90];
	_ =	sdelay $0x2  }
0x23: {  	v32 =	vld [tilespmem:$0x400];
	_ =	sdelay $0x4  }
0x24: {  	[tilespmem:v1+s4+$0x0] =	vst.idx.msk $0xffff, v32;
	v1 =	vld [tilespmem:$0x1FFA0];
	_ =	sdelay $0x2  }
0x25: {  	v32 =	vld [tilespmem:$0x480];
	_ =	sdelay $0x4  }
0x26: {  	[tilespmem:v1+s4+$0x0] =	vst.idx.msk $0xffff, v32;
	v1 =	vld [tilespmem:$0x1FFB0];
	_ =	sdelay $0x2  }
0x27: {  	v32 =	vld [tilespmem:$0x500];
	_ =	sdelay $0x4  }
0x28: {  	[tilespmem:v1+s4+$0x0] =	vst.idx.msk $0xffff, v32;
	v1 =	vld [tilespmem:$0x1FFC0];
	_ =	sdelay $0x2  }
0x29: {  	v32 =	vld [tilespmem:$0x580];
	_ =	sdelay $0x4  }
0x2a: {  	[tilespmem:v1+s4+$0x0] =	vst.idx.msk $0xffff, v32;
	v1 =	vld [tilespmem:$0x1FFD0];
	_ =	sdelay $0x2  }
0x2b: {  	v32 =	vld [tilespmem:$0x600];
	_ =	sdelay $0x4  }
0x2c: {  	[tilespmem:v1+s4+$0x0] =	vst.idx.msk $0xffff, v32;
	v1 =	vld [tilespmem:$0x1FFE0];
	_ =	sdelay $0x2  }
0x2d: {  	v32 =	vld [tilespmem:$0x680];
	_ =	sdelay $0x4  }
0x2e: {  	[tilespmem:v1+s4+$0x0] =	vst.idx.msk $0xffff, v32;
	v1 =	vld [tilespmem:$0x1FFF0];
	_ =	sdelay $0x2  }
0x2f: {  	v32 =	vld [tilespmem:$0x700];
	_ =	sdelay $0x4  }
0x30: {  	[tilespmem:v1+s4+$0x0] =	vst.idx.msk $0xffff, v32  }
0x31: {  	v32 =	vld [tilespmem:$0x780];
	_ =	sdelay $0x4  }
0x32: {  	[tilespmem:v11+s4+$0x0] =	vst.idx.msk $0xffff, v32  }
0x33: {  	v32 =	vld [tilespmem:$0x800];
	_ =	sdelay $0x4  }
0x34: {  	[tilespmem:v12+s4+$0x0] =	vst.idx.msk $0xffff, v32  }
0x35: {  	v32 =	vld [tilespmem:$0x880];
	_ =	sdelay $0x4  }
0x36: {  	[tilespmem:v13+s4+$0x0] =	vst.idx.msk $0xffff, v32  }
0x37: {  	v32 =	vld [tilespmem:$0x900];
	_ =	sdelay $0x4  }
0x38: {  	[tilespmem:v14+s4+$0x0] =	vst.idx.msk $0xffff, v32  }
0x39: {  	v32 =	vld [tilespmem:$0x980];
	_ =	sdelay $0x4  }
0x3a: {  	[tilespmem:v15+s4+$0x0] =	vst.idx.msk $0xffff, v32  }
0x3b: {  	v32 =	vld [tilespmem:$0xA00];
	_ =	sdelay $0x4  }
0x3c: {  	[tilespmem:v16+s4+$0x0] =	vst.idx.msk $0xffff, v32  }
0x3d: {  	v32 =	vld [tilespmem:$0xA80];
	_ =	sdelay $0x4  }
0x3e: {  	[tilespmem:v17+s4+$0x0] =	vst.idx.msk $0xffff, v32  }
0x3f: {  	v32 =	vld [tilespmem:$0xB00];
	_ =	sdelay $0x4  }
0x40: {  	[tilespmem:v18+s4+$0x0] =	vst.idx.msk $0xffff, v32  }
0x41: {  	v32 =	vld [tilespmem:$0xB80];
	_ =	sdelay $0x4  }
0x42: {  	[tilespmem:v19+s4+$0x0] =	vst.idx.msk $0xffff, v32  }
0x43: {  	v32 =	vld [tilespmem:$0xC00];
	_ =	sdelay $0x4  }
0x44: {  	[tilespmem:v20+s4+$0x0] =	vst.idx.msk $0xffff, v32  }
0x45: {  	v32 =	vld [tilespmem:$0xC80];
	_ =	sdelay $0x4  }
0x46: {  	[tilespmem:v21+s4+$0x0] =	vst.idx.msk $0xffff, v32  }
0x47: {  	v32 =	vld [tilespmem:$0xD00];
	_ =	sdelay $0x4  }
0x48: {  	[tilespmem:v22+s4+$0x0] =	vst.idx.msk $0xffff, v32  }
0x49: {  	v32 =	vld [tilespmem:$0xD80];
	_ =	sdelay $0x4  }
0x4a: {  	[tilespmem:v23+s4+$0x0] =	vst.idx.msk $0xffff, v32  }
0x4b: {  	v32 =	vld [tilespmem:$0xE00];
	_ =	sdelay $0x4  }
0x4c: {  	[tilespmem:v24+s4+$0x0] =	vst.idx.msk $0xffff, v32  }
0x4d: {  	v32 =	vld [tilespmem:$0xE80];
	_ =	sdelay $0x4  }
0x4e: {  	[tilespmem:v25+s4+$0x0] =	vst.idx.msk $0xffff, v32  }
0x4f: {  	v32 =	vld [tilespmem:$0xF00];
	_ =	sdelay $0x4  }
0x50: {  	[tilespmem:v26+s4+$0x0] =	vst.idx.msk $0xffff, v32  }
0x51: {  	v32 =	vld [tilespmem:$0xF80];
	_ =	sdelay $0x4  }
0x52: {  	[tilespmem:v27+s4+$0x0] =	vst.idx.msk $0xffff, v32  }
0x53: {  	v32 =	vld [tilespmem:$0x1000];
	_ =	sdelay $0x4  }
0x54: {  	[tilespmem:v28+s4+$0x0] =	vst.idx.msk $0xffff, v32  }
0x55: {  	v32 =	vld [tilespmem:$0x1080];
	_ =	sdelay $0x4  }
0x56: {  	[tilespmem:v29+s4+$0x0] =	vst.idx.msk $0xffff, v32  }
0x57: {  	v32 =	vld [tilespmem:$0x1100];
	_ =	sdelay $0x4  }
0x58: {  	[tilespmem:v30+s4+$0x0] =	vst.idx.msk $0xffff, v32  }
0x59: {  	v32 =	vld [tilespmem:$0x1180];
	_ =	sdelay $0x4  }
0x5a: {  	s20 =	simm.s32 $0x0;
	[tilespmem:v31+s4+$0x0] =	vst.idx.msk $0xffff, v32  }
.LBB2_2:
0x5b: {  	s0 =	sshrl.u32 s20, $0x1;
	s1 =	rddreg [dreg:$0x6]  }
0x5c: {  	s21 =	sshllo.u32 s20, $0x1;
	s22 =	sor.u32 s1, s0  }
0x5d: {  	s2 =	rddreg [dreg:$0x0];
	s17 =	sshll.u32 s21, $0x9;
	s0 =	sshll.u32 s22, $0xB  }
0x5e: {  	s1 =	sand.u32 $0x600, s17;
	s0 =	sadd.s32 s2, s0  }
0x5f: {  	s19 =	simm.s32 $0x2200;
	s0 =	sadd.s32 s1, s0  }
0x60: {  	[tilespmem:s19], [sflag:$0x1] =	stream.linear.gather [hbm4b:s0+s4], $0x1000, $0x38;
	[tilespmem:$0x13200] =	vst v63  }
0x61: {  	_ =	swait.ge [sflag:s13], $0x1000  }
0x62: {  	p0 =	seq.s32 s20, $0x0;
	s23 =	simm.s32 $0x0;
	[sflag:s13] =	ssyncset.done $0x0  }
0x63: {  	s24 =	sand.u32 $0xC00, s23;
	s0 =	simm.s32 @!p0 $0x2;
	[sflag:s13] =	ssyncadd.s32 $0xFFFFF000  }
0x64: {  	s3 =	sand.u32 $0x380, s23;
	s5 =	sand.u32 $0x40, s23;
	_ =	swait.ge @!p0 [sflag:s0], $0x8000  }
0x65: {  	s10 =	sor.u32 s3, s24;
	s9 =	sor.u32 $0x30, s5;
	[sflag:s0] =	ssyncset.done @!p0 $0x0  }
0x66: {  	s25 =	sor.u32 s9, s10;
	[sflag:s0] =	ssyncadd.s32 @!p0 $0xFFFF8000  }
0x67: {  	s3 =	sor.u32 $0x10, s5;
	s2 =	sor.u32 s5, s10;
	v36 =	vld [tilespmem:s25+$0x1200]  }
0x68: {  	s6 =	sor.u32 s3, s10;
	v35 =	vld [tilespmem:s2+$0x1200]  }
0x69: {  	s0 =	sor.u32 $0x20, s5;
	v33 =	vld [tilespmem:s6+$0x1200]  }
0x6a: {  	s8 =	sor.u32 s0, s10  }
0x6b: {  	v34 =	vld [tilespmem:s8+$0x1200];
	_ =	sdelay $0x3  }
0x6c: {  	v32 =	vld.idx.msk [tilespmem:v36+s4+$0x0], $0xffff  }
0x6d: {  	v37 =	vadd.s32 $0x20, v36;
	v38 =	vld.idx.msk [tilespmem:v35+s4+$0x0], $0xffff  }
0x6e: {  	v39 =	vadd.s32 $0x20, v35;
	v40 =	vld.idx.msk [tilespmem:v33+s4+$0x0], $0xffff  }
0x6f: {  	v41 =	vadd.s32 $0x20, v33  }
0x70: {  	v42 =	vld.idx.msk [tilespmem:v34+s4+$0x0], $0xffff  }
0x71: {  	v43 =	vadd.s32 $0x20, v34;
	[tilespmem:s25+$0x3200] =	vst v32  }
0x72: {  	[tilespmem:s2+$0x3200] =	vst v38;
	v32 =	vld.idx.msk [tilespmem:v37+s4+$0x0], $0xffff  }
0x73: {  	v48 =	vadd.s32 $0x40, v36;
	[tilespmem:s6+$0x3200] =	vst v40;
	v38 =	vld.idx.msk [tilespmem:v39+s4+$0x0], $0xffff  }
0x74: {  	v49 =	vadd.s32 $0x40, v35;
	v40 =	vld.idx.msk [tilespmem:v41+s4+$0x0], $0xffff  }
0x75: {  	s26 =	sadd.s32 $0x4200, s10;
	v50 =	vadd.s32 $0x40, v33;
	[tilespmem:s8+$0x3200] =	vst v42  }
0x76: {  	s16 =	simm.s32 $0x200;
	s30 =	simm.s32 $0x40;
	s6 =	sor.u32 s9, s26;
	v42 =	vld.idx.msk [tilespmem:v43+s4+$0x0], $0xffff  }
0x77: {  	s17 =	simm.s32 $0x10;
	s11 =	sadd.s32 $0x5200, s10;
	s7 =	sor.u32 s5, s26;
	v51 =	vadd.s32 $0x40, v34;
	[tilespmem:s6+$0x0] =	vst v32  }
0x78: {  	s19 =	sand.u32 $0x380, s17;
	s2 =	sand.u32 $0xC00, s16;
	s8 =	sor.u32 s3, s26;
	[tilespmem:s7+$0x0] =	vst v38;
	v32 =	vld.idx.msk [tilespmem:v48+s4+$0x0], $0xffff  }
0x79: {  	s1 =	sor.u32 s0, s26;
	s26 =	sand.u32 $0x40, s30;
	s24 =	sor.u32 s19, s2;
	[tilespmem:s8+$0x0] =	vst v40;
	v38 =	vld.idx.msk [tilespmem:v49+s4+$0x0], $0xffff  }
0x7a: {  	s12 =	sor.u32 s9, s11;
	v52 =	vadd.s32 $0x60, v36;
	s8 =	sor.u32 s26, s24;
	v40 =	vld.idx.msk [tilespmem:v50+s4+$0x0], $0xffff  }
0x7b: {  	s14 =	sor.u32 s5, s11;
	s15 =	sor.u32 s3, s11;
	v53 =	vadd.s32 $0x60, v35;
	s28 =	sor.u32 $0x20, s26;
	[tilespmem:s1+$0x0] =	vst v42;
	v45 =	vld [tilespmem:s8+$0x1200]  }
0x7c: {  	v54 =	vadd.s32 $0x60, v33;
	s29 =	sor.u32 $0x30, s26;
	s1 =	sor.u32 s0, s11;
	s11 =	sor.u32 s28, s24;
	v42 =	vld.idx.msk [tilespmem:v51+s4+$0x0], $0xffff  }
0x7d: {  	s2 =	sor.u32 s29, s24;
	v49 =	vld [tilespmem:s11+$0x1200]  }
0x7e: {  	v55 =	vadd.s32 $0x60, v34;
	[tilespmem:s12+$0x0] =	vst v32;
	v32 =	vld [tilespmem:s2+$0x1200]  }
0x7f: {  	[tilespmem:s14+$0x0] =	vst v38;
	v37 =	vld.idx.msk [tilespmem:v52+s4+$0x0], $0xffff  }
0x80: {  	s25 =	sor.u32 $0x10, s26;
	[tilespmem:s15+$0x0] =	vst v40;
	v39 =	vld.idx.msk [tilespmem:v53+s4+$0x0], $0xffff  }
0x81: {  	v56 =	vadd.s32 $0x80, v36;
	s15 =	sor.u32 s25, s24;
	v40 =	vld.idx.msk [tilespmem:v54+s4+$0x0], $0xffff  }
0x82: {  	v58 =	vadd.s32 $0x80, v35;
	[tilespmem:s1+$0x0] =	vst v42;
	v46 =	vld [tilespmem:s15+$0x1200]  }
0x83: {  	s23 =	sadd.s32 $0x6200, s10;
	v59 =	vadd.s32 $0x80, v33;
	v57 =	vld.idx.msk [tilespmem:v55+s4+$0x0], $0xffff  }
0x84: {  	v60 =	vadd.s32 $0x80, v34;
	s7 =	sor.u32 s9, s23;
	v6 =	vld.idx.msk [tilespmem:v45+s4+$0x0], $0xffff  }
0x85: {  	s12 =	sor.u32 s5, s23;
	v51 =	vld.idx.msk [tilespmem:v49+s4+$0x0], $0xffff;
	[tilespmem:s7+$0x0] =	vst v37  }
0x86: {  	s16 =	sor.u32 s3, s23;
	[tilespmem:s12+$0x0] =	vst v39;
	v38 =	vld.idx.msk [tilespmem:v56+s4+$0x0], $0xffff  }
0x87: {  	s1 =	sor.u32 s0, s23;
	v54 =	vadd.s32 $0x20, v49;
	[tilespmem:s16+$0x0] =	vst v40;
	v39 =	vld.idx.msk [tilespmem:v58+s4+$0x0], $0xffff  }
0x88: {  	v44 =	vadd.s32 $0xA0, v36;
	[tilespmem:s1+$0x0] =	vst v57;
	v37 =	vld.idx.msk [tilespmem:v59+s4+$0x0], $0xffff  }
0x89: {  	v62 =	vadd.s32 $0xA0, v35;
	v61 =	vld.idx.msk [tilespmem:v60+s4+$0x0], $0xffff  }
0x8a: {  	s17 =	sadd.s32 $0x7200, s10;
	v4 =	vadd.s32 $0xA0, v33;
	v5 =	vld.idx.msk [tilespmem:v32+s4+$0x0], $0xffff;
	[tilespmem:s8+$0x3200] =	vst v6  }
0x8b: {  	s19 =	sor.u32 s9, s17;
	v48 =	vadd.s32 $0x20, v32;
	v7 =	vld.idx.msk [tilespmem:v46+s4+$0x0], $0xffff;
	[tilespmem:s11+$0x3200] =	vst v51  }
0x8c: {  	s23 =	sor.u32 s5, s17;
	v56 =	vadd.s32 $0xA0, v34;
	v40 =	vld.idx.msk [tilespmem:v54+s4+$0x0], $0xffff;
	[tilespmem:s19+$0x0] =	vst v38  }
0x8d: {  	s7 =	sor.u32 s3, s17;
	v53 =	vadd.s32 $0x20, v46;
	[tilespmem:s23+$0x0] =	vst v39;
	v63 =	vld.idx.msk [tilespmem:v44+s4+$0x0], $0xffff  }
0x8e: {  	v50 =	vadd.s32 $0x20, v45;
	[tilespmem:s7+$0x0] =	vst v37;
	v38 =	vld.idx.msk [tilespmem:v62+s4+$0x0], $0xffff  }
0x8f: {  	v47 =	vadd.s32 $0xC0, v36;
	s12 =	sor.u32 s0, s17;
	v55 =	vld.idx.msk [tilespmem:v4+s4+$0x0], $0xffff;
	[tilespmem:s2+$0x3200] =	vst v5  }
0x90: {  	s14 =	sadd.s32 $0x8200, s10;
	v58 =	vadd.s32 $0xC0, v35;
	[tilespmem:s12+$0x0] =	vst v61;
	v59 =	vld.idx.msk [tilespmem:v48+s4+$0x0], $0xffff  }
0x91: {  	s7 =	sor.u32 s9, s14;
	v62 =	vadd.s32 $0xC0, v33;
	[tilespmem:s15+$0x3200] =	vst v7;
	v7 =	vld.idx.msk [tilespmem:v56+s4+$0x0], $0xffff  }
0x92: {  	s8 =	sor.u32 s5, s14;
	v4 =	vadd.s32 $0x40, v32;
	v37 =	vld.idx.msk [tilespmem:v53+s4+$0x0], $0xffff;
	[tilespmem:s7+$0x0] =	vst v63  }
0x93: {  	v6 =	vadd.s32 $0x40, v46;
	s11 =	sor.u32 s3, s14;
	s15 =	sadd.s32 $0x4200, s24;
	v63 =	vld.idx.msk [tilespmem:v50+s4+$0x0], $0xffff;
	[tilespmem:s8+$0x0] =	vst v38  }
0x94: {  	v5 =	vadd.s32 $0x40, v45;
	s17 =	sor.u32 s29, s15;
	[tilespmem:s11+$0x0] =	vst v55;
	v57 =	vld.idx.msk [tilespmem:v47+s4+$0x0], $0xffff  }
0x95: {  	v36 =	vadd.s32 $0xE0, v36;
	s7 =	sor.u32 s28, s15;
	v61 =	vld.idx.msk [tilespmem:v58+s4+$0x0], $0xffff;
	[tilespmem:s17+$0x0] =	vst v59  }
0x96: {  	v60 =	vadd.s32 $0x40, v49;
	s23 =	sor.u32 s25, s15;
	[tilespmem:s7+$0x0] =	vst v40;
	v51 =	vld.idx.msk [tilespmem:v62+s4+$0x0], $0xffff  }
0x97: {  	v52 =	vadd.s32 $0xC0, v34;
	s12 =	sadd.s32 $0x9200, s10;
	s19 =	sor.u32 s26, s15;
	v39 =	vld.idx.msk [tilespmem:v4+s4+$0x0], $0xffff;
	[tilespmem:s23+$0x0] =	vst v37  }
0x98: {  	v35 =	vadd.s32 $0xE0, v35;
	s16 =	sor.u32 s9, s12;
	v55 =	vld.idx.msk [tilespmem:v6+s4+$0x0], $0xffff;
	[tilespmem:s19+$0x0] =	vst v63  }
0x99: {  	s1 =	sor.u32 s0, s14;
	v63 =	vadd.s32 $0x60, v32;
	[tilespmem:s16+$0x0] =	vst v57;
	v54 =	vld.idx.msk [tilespmem:v5+s4+$0x0], $0xffff  }
0x9a: {  	v43 =	vadd.s32 $0x80, v49;
	v56 =	vadd.s32 $0x60, v45;
	s8 =	sor.u32 s5, s12;
	s11 =	sadd.s32 $0x5200, s24;
	[tilespmem:s1+$0x0] =	vst v7;
	v36 =	vld.idx.msk [tilespmem:v36+s4+$0x0], $0xffff  }
0x9b: {  	s31 =	simm.s32 $0x4;
	v41 =	vadd.s32 $0xA0, v49;
	v42 =	vadd.s32 $0x80, v46;
	s10 =	sadd.s32 $0xA200, s10;
	v48 =	vadd.s32 $0x60, v46;
	s15 =	sor.u32 s29, s11;
	v53 =	vld.idx.msk [tilespmem:v60+s4+$0x0], $0xffff;
	[tilespmem:s8+$0x0] =	vst v61  }
0x9c: {  	v34 =	vadd.s32 $0xE0, v34;
	v33 =	vadd.s32 $0xE0, v33;
	s14 =	sor.u32 s9, s10;
	s2 =	sor.u32 s5, s10;
	v47 =	vadd.s32 $0x60, v49;
	s17 =	sor.u32 s25, s11;
	v50 =	vld.idx.msk [tilespmem:v52+s4+$0x0], $0xffff;
	[tilespmem:s15+$0x0] =	vst v39  }
0x9d: {  	v44 =	vadd.s32 $0x80, v45;
	v38 =	vadd.s32 $0xA0, v45;
	s1 =	sor.u32 s3, s12;
	v40 =	vadd.s32 $0xA0, v46;
	s12 =	sor.u32 s0, s12;
	s16 =	sor.u32 s26, s11;
	v52 =	vld.idx.msk [tilespmem:v35+s4+$0x0], $0xffff;
	[tilespmem:s17+$0x0] =	vst v55  }
0x9e: {  	s23 =	sshll.u32 s20, $0x1;
	v37 =	vadd.s32 $0xC0, v49;
	s19 =	sor.u32 s3, s10;
	s3 =	simm.s32 $0x20;
	v35 =	vadd.s32 $0xE0, v45;
	v39 =	vadd.s32 $0xC0, v46;
	[tilespmem:s16+$0x0] =	vst v54;
	v54 =	vld.idx.msk [tilespmem:v63+s4+$0x0], $0xffff  }
0x9f: {  	s8 =	sor.u32 s28, s11;
	s11 =	sor.u32 s0, s10;
	s0 =	simm.s32 $0x400;
	v46 =	vadd.s32 $0xE0, v46;
	[tilespmem:s14+$0x0] =	vst v36;
	v36 =	vadd.s32 $0xC0, v45;
	v45 =	vadd.s32 $0xE0, v49;
	v49 =	vld.idx.msk [tilespmem:v56+s4+$0x0], $0xffff  }
.LBB2_3:
0xa0: {  	s6 =	sand.u32 $0xC00, s0;
	s9 =	sand.u32 $0x380, s3;
	v48 =	vld.idx.msk [tilespmem:v48+s4+$0x0], $0xffff;
	[tilespmem:s8+$0x0] =	vst v53;
	v53 =	vadd.s32 $0x80, v32;
	s30 =	sadd.s32 $0x40, s30  }
0xa1: {  	s5 =	sand.u32 $0x40, s30;
	s8 =	sor.u32 s9, s6;
	v47 =	vld.idx.msk [tilespmem:v47+s4+$0x0], $0xffff;
	[tilespmem:s1+$0x0] =	vst v51  }
0xa2: {  	s31 =	sadd.s32 $0x4, s31;
	s17 =	sadd.s32 $0x6200, s24;
	s9 =	sor.u32 $0x30, s5;
	v51 =	vld.idx.msk [tilespmem:v33+s4+$0x0], $0xffff;
	[tilespmem:s12+$0x0] =	vst v50;
	v33 =	vmov v46  }
0xa3: {  	p1 =	slt.u32 s31, $0xFC;
	s16 =	sor.u32 s29, s17;
	s1 =	sor.u32 s9, s8;
	[tilespmem:s2+$0x0] =	vst v52;
	v46 =	vld.idx.msk [tilespmem:v34+s4+$0x0], $0xffff;
	v34 =	vmov v45  }
0xa4: {  	s12 =	sor.u32 s5, s8;
	s6 =	sor.u32 $0x10, s5;
	s10 =	sor.u32 $0x20, s5;
	v50 =	vld [tilespmem:s1+$0x1200];
	[tilespmem:s16+$0x0] =	vst v54  }
0xa5: {  	s7 =	sor.u32 s26, s17;
	s2 =	sor.u32 s10, s8;
	s16 =	sor.u32 s6, s8;
	v45 =	vld.idx.msk [tilespmem:v53+s4+$0x0], $0xffff  }
0xa6: {  	v52 =	vld [tilespmem:s12+$0x1200];
	[tilespmem:s7+$0x0] =	vst v49;
	s7 =	sor.u32 s25, s17;
	s17 =	sor.u32 s28, s17  }
0xa7: {  	v54 =	vadd.s32 $0xA0, v32;
	v53 =	vld [tilespmem:s16+$0x1200];
	[tilespmem:s7+$0x0] =	vst v48  }
0xa8: {  	v55 =	vld [tilespmem:s2+$0x1200];
	[tilespmem:s17+$0x0] =	vst v47  }
0xa9: {  	s7 =	sadd.s32 $0x7200, s24;
	v56 =	vld.idx.msk [tilespmem:v44+s4+$0x0], $0xffff;
	[tilespmem:s19+$0x0] =	vst v51  }
0xaa: {  	s17 =	sor.u32 s26, s7;
	s14 =	sor.u32 s29, s7;
	s19 =	sor.u32 s25, s7;
	v51 =	vld.idx.msk [tilespmem:v42+s4+$0x0], $0xffff;
	[tilespmem:s11+$0x0] =	vst v46  }
0xab: {  	s7 =	sor.u32 s28, s7;
	v57 =	vadd.s32 $0x20, v52;
	v58 =	vadd.s32 $0x40, v52;
	v49 =	vadd.s32 $0x60, v52;
	v46 =	vld.idx.msk [tilespmem:v43+s4+$0x0], $0xffff;
	[tilespmem:s14+$0x0] =	vst v45  }
0xac: {  	v59 =	vadd.s32 $0x20, v53;
	v60 =	vadd.s32 $0x40, v53;
	v48 =	vadd.s32 $0x60, v53;
	v54 =	vld.idx.msk [tilespmem:v54+s4+$0x0], $0xffff  }
0xad: {  	v61 =	vadd.s32 $0x20, v55;
	v62 =	vadd.s32 $0x40, v55;
	v47 =	vadd.s32 $0x60, v55;
	v63 =	vld.idx.msk [tilespmem:v50+s4+$0x0], $0xffff  }
0xae: {  	v2 =	vadd.s32 $0xC0, v32;
	v44 =	vadd.s32 $0x80, v52;
	v42 =	vadd.s32 $0x80, v53;
	v1 =	vld.idx.msk [tilespmem:v52+s4+$0x0], $0xffff  }
0xaf: {  	v4 =	vadd.s32 $0x20, v50;
	v45 =	vadd.s32 $0xA0, v52;
	v43 =	vadd.s32 $0x80, v55;
	v3 =	vld.idx.msk [tilespmem:v53+s4+$0x0], $0xffff;
	[tilespmem:s17+$0x0] =	vst v56  }
0xb0: {  	s11 =	sadd.s32 $0x8200, s24;
	v5 =	vadd.s32 $0xA0, v53;
	v7 =	vadd.s32 $0xA0, v55;
	v56 =	vadd.s32 $0xC0, v52;
	v6 =	vld.idx.msk [tilespmem:v55+s4+$0x0], $0xffff;
	[tilespmem:s19+$0x0] =	vst v51  }
0xb1: {  	v8 =	vadd.s32 $0xE0, v52;
	s14 =	sor.u32 s26, s11;
	v9 =	vadd.s32 $0xC0, v55;
	v52 =	vadd.s32 $0xC0, v53;
	s17 =	sor.u32 s25, s11;
	v51 =	vld.idx.msk [tilespmem:v38+s4+$0x0], $0xffff;
	[tilespmem:s7+$0x0] =	vst v46;
	s7 =	sor.u32 s29, s11;
	v38 =	vmovc v45  }
0xb2: {  	v46 =	vadd.s32 $0xE0, v53;
	v45 =	vadd.s32 $0xE0, v55;
	s11 =	sor.u32 s28, s11;
	v53 =	vld.idx.msk [tilespmem:v40+s4+$0x0], $0xffff;
	[tilespmem:s7+$0x0] =	vst v54;
	v40 =	vmov v5  }
0xb3: {  	[tilespmem:s1+$0x3200] =	vst v63;
	v2 =	vld.idx.msk [tilespmem:v2+s4+$0x0], $0xffff  }
0xb4: {  	[tilespmem:s12+$0x3200] =	vst v1;
	v1 =	vld.idx.msk [tilespmem:v4+s4+$0x0], $0xffff  }
0xb5: {  	v4 =	vld.idx.msk [tilespmem:v57+s4+$0x0], $0xffff;
	[tilespmem:s16+$0x3200] =	vst v3;
	v3 =	vadd.s32 $0xE0, v32;
	v32 =	vmov v50  }
0xb6: {  	v5 =	vld.idx.msk [tilespmem:v59+s4+$0x0], $0xffff;
	[tilespmem:s2+$0x3200] =	vst v6;
	v6 =	vadd.s32 $0x40, v32  }
0xb7: {  	s2 =	sadd.s32 $0x9200, s24;
	v50 =	vld.idx.msk [tilespmem:v61+s4+$0x0], $0xffff;
	[tilespmem:s14+$0x0] =	vst v51  }
0xb8: {  	s1 =	sadd.s32 $0x4200, s8;
	s7 =	sor.u32 s26, s2;
	s12 =	sor.u32 s29, s2;
	[tilespmem:s17+$0x0] =	vst v53;
	v51 =	vld.idx.msk [tilespmem:v41+s4+$0x0], $0xffff;
	v41 =	vmov v7  }
0xb9: {  	s16 =	sor.u32 s6, s1;
	s14 =	sor.u32 s5, s1;
	s17 =	sor.u32 s9, s1;
	v7 =	vld.idx.msk [tilespmem:v36+s4+$0x0], $0xffff;
	[tilespmem:s12+$0x0] =	vst v2;
	v36 =	vmov v56  }
0xba: {  	s19 =	sor.u32 s10, s1;
	s1 =	sor.u32 s25, s2;
	s12 =	sor.u32 s28, s2;
	[tilespmem:s17+$0x0] =	vst v1;
	v1 =	vld.idx.msk [tilespmem:v3+s4+$0x0], $0xffff  }
0xbb: {  	[tilespmem:s14+$0x0] =	vst v4;
	v2 =	vld.idx.msk [tilespmem:v6+s4+$0x0], $0xffff  }
0xbc: {  	v3 =	vld.idx.msk [tilespmem:v58+s4+$0x0], $0xffff;
	[tilespmem:s16+$0x0] =	vst v5  }
0xbd: {  	s14 =	sadd.s32 $0xA200, s24;
	s24 =	smov.u32 s8;
	v5 =	vadd.s32 $0x60, v32;
	v4 =	vld.idx.msk [tilespmem:v60+s4+$0x0], $0xffff;
	[tilespmem:s19+$0x0] =	vst v50  }
0xbe: {  	s8 =	sadd.s32 $0x5200, s24;
	v53 =	vld.idx.msk [tilespmem:v62+s4+$0x0], $0xffff;
	[tilespmem:s11+$0x0] =	vst v51  }
.Ltmp0:
0xbf: {  	s2 =	sor.u32 s26, s14;
	[tilespmem:s7+$0x0] =	vst v7;
	v51 =	vld.idx.msk [tilespmem:v39+s4+$0x0], $0xffff;
	s7 =	sor.u32 s29, s14;
	(pc) =	sbr.rel @p1 .LBB2_3-.Ltmp0, $4  }
0xc0: {  	s16 =	sor.u32 s5, s8;
	s17 =	sor.u32 s6, s8;
	s11 =	sor.u32 s9, s8;
	v39 =	vmov v52;
	v50 =	vld.idx.msk [tilespmem:v37+s4+$0x0], $0xffff;
	[tilespmem:s7+$0x0] =	vst v1;
	v37 =	vmov v9  }
0xc1: {  	s19 =	sor.u32 s25, s14;
	s8 =	sor.u32 s10, s8;
	[tilespmem:s11+$0x0] =	vst v2;
	v52 =	vld.idx.msk [tilespmem:v35+s4+$0x0], $0xffff;
	s11 =	sor.u32 s28, s14;
	v35 =	vmov v8  }
0xc2: {  	s26 =	smov.u32 s5;
	s25 =	smov.u32 s6;
	s29 =	smov.u32 s9;
	[tilespmem:s16+$0x0] =	vst v3;
	v54 =	vld.idx.msk [tilespmem:v5+s4+$0x0], $0xffff  }
0xc3: {  	s0 =	sadd.s32 $0x200, s0;
	s3 =	sadd.s32 $0x10, s3;
	s28 =	smov.u32 s10;
	v49 =	vld.idx.msk [tilespmem:v49+s4+$0x0], $0xffff;
	[tilespmem:s17+$0x0] =	vst v4  }
0xc4: {  	_ =	sdelay $0x2  }
0xc5: {  	v1 =	vadd.s32 $0x80, v32  }
0xc6: {  	v2 =	vld.idx.msk [tilespmem:v48+s4+$0x0], $0xffff;
	[tilespmem:s8+$0x0] =	vst v53  }
0xc7: {  	s0 =	sadd.s32 $0x6200, s24;
	v3 =	vld.idx.msk [tilespmem:v47+s4+$0x0], $0xffff  }
0xc8: {  	s3 =	sor.u32 s29, s0  }
0xc9: {  	s14 =	sor.u32 s26, s0;
	[tilespmem:s3+$0x0] =	vst v54  }
0xca: {  	s15 =	sor.u32 s25, s0;
	[tilespmem:s14+$0x0] =	vst v49;
	v1 =	vld.idx.msk [tilespmem:v1+s4+$0x0], $0xffff  }
0xcb: {  	s0 =	sor.u32 s28, s0;
	[tilespmem:s15+$0x0] =	vst v2;
	v2 =	vadd.s32 $0xA0, v32;
	v4 =	vld.idx.msk [tilespmem:v44+s4+$0x0], $0xffff  }
0xcc: {  	[tilespmem:s0+$0x0] =	vst v3;
	v3 =	vld.idx.msk [tilespmem:v42+s4+$0x0], $0xffff  }
0xcd: {  	s16 =	sadd.s32 $0x7200, s24;
	v5 =	vld.idx.msk [tilespmem:v43+s4+$0x0], $0xffff  }
0xce: {  	s17 =	sor.u32 s29, s16  }
0xcf: {  	s5 =	sor.u32 s26, s16;
	[tilespmem:s17+$0x0] =	vst v1  }
0xd0: {  	s6 =	sor.u32 s25, s16;
	[tilespmem:s5+$0x0] =	vst v4;
	v1 =	vld.idx.msk [tilespmem:v2+s4+$0x0], $0xffff  }
0xd1: {  	s0 =	sor.u32 s28, s16;
	v2 =	vadd.s32 $0xC0, v32;
	[tilespmem:s6+$0x0] =	vst v3;
	v3 =	vld.idx.msk [tilespmem:v38+s4+$0x0], $0xffff  }
0xd2: {  	[tilespmem:s0+$0x0] =	vst v5;
	v49 =	vld.idx.msk [tilespmem:v40+s4+$0x0], $0xffff  }
0xd3: {  	s7 =	sadd.s32 $0x8200, s24;
	v5 =	vld.idx.msk [tilespmem:v41+s4+$0x0], $0xffff  }
0xd4: {  	[tilespmem:s1+$0x0] =	vst v51;
	s8 =	sor.u32 s29, s7  }
0xd5: {  	s9 =	sor.u32 s26, s7;
	[tilespmem:s8+$0x0] =	vst v1  }
0xd6: {  	s10 =	sor.u32 s25, s7;
	[tilespmem:s9+$0x0] =	vst v3;
	v1 =	vld.idx.msk [tilespmem:v2+s4+$0x0], $0xffff  }
0xd7: {  	s0 =	sor.u32 s28, s7;
	v2 =	vadd.s32 $0xE0, v32;
	[tilespmem:s10+$0x0] =	vst v49;
	v3 =	vld.idx.msk [tilespmem:v36+s4+$0x0], $0xffff  }
0xd8: {  	[tilespmem:s0+$0x0] =	vst v5;
	v4 =	vld.idx.msk [tilespmem:v39+s4+$0x0], $0xffff  }
0xd9: {  	[tilespmem:s12+$0x0] =	vst v50;
	s14 =	sadd.s32 $0x9200, s24;
	v5 =	vld.idx.msk [tilespmem:v37+s4+$0x0], $0xffff  }
0xda: {  	v6 =	vld.idx.msk [tilespmem:v33+s4+$0x0], $0xffff;
	[tilespmem:s2+$0x0] =	vst v52;
	s15 =	sor.u32 s29, s14  }
0xdb: {  	v7 =	vld.idx.msk [tilespmem:v34+s4+$0x0], $0xffff;
	s16 =	sor.u32 s26, s14;
	[tilespmem:s15+$0x0] =	vst v1  }
0xdc: {  	s17 =	sor.u32 s25, s14;
	[tilespmem:s16+$0x0] =	vst v3;
	v1 =	vld.idx.msk [tilespmem:v2+s4+$0x0], $0xffff  }
0xdd: {  	s0 =	sor.u32 s28, s14;
	v2 =	vld.idx.msk [tilespmem:v35+s4+$0x0], $0xffff;
	[tilespmem:s17+$0x0] =	vst v4  }
0xde: {  	s22 =	sshll.u32 s22, $0xE;
	v3 =	vld.idx.msk [tilespmem:v46+s4+$0x0], $0xffff;
	[tilespmem:s0+$0x0] =	vst v5  }
0xdf: {  	s12 =	simm.s32 $0x0;
	s3 =	sshll.u32 s20, $0xD;
	s24 =	sadd.s32 $0xA200, s24;
	[tilespmem:s19+$0x0] =	vst v6;
	v51 =	vld.idx.msk [tilespmem:v45+s4+$0x0], $0xffff  }
0xe0: {  	s2 =	sor.u32 s29, s24;
	[tilespmem:s11+$0x0] =	vst v7;
	s11 =	simm.s32 $0x3200;
	s6 =	sand.u32 $0x2000, s3  }
0xe1: {  	s5 =	sor.u32 s26, s24;
	s7 =	sor.u32 s25, s24;
	s1 =	sor.u32 s6, s22;
	[tilespmem:s2+$0x0] =	vst v1  }
0xe2: {  	s1 =	sshrl.u32 s1, $0x3;
	s8 =	rddreg [dreg:$0x2];
	s9 =	simm.s32 $0x1000;
	[tilespmem:s5+$0x0] =	vst v2  }
0xe3: {  	s10 =	simm.s32 $0x400000;
	s14 =	sand.u32 $0xC00, s12;
	s0 =	sor.u32 s28, s24;
	[tilespmem:s7+$0x0] =	vst v3  }
0xe4: {  	s15 =	sand.u32 $0x380, s12;
	s24 =	sadd.s32 s8, s1;
	s1 =	simm.s32 @!p0 $0x2;
	[tilespmem:s0+$0x0] =	vst v51  }
0xe5: {  	[hbm4b:s24+s9] =	stream.strided.scatter [tilespmem:s11], [sflag:$0x2], $0x8000, s10, s9, $0x38;
	[tilespmem:$0x13200] =	vst v63  }
0xe6: {  	s5 =	sor.u32 s15, s14;
	s9 =	sand.u32 $0x40, s12;
	_ =	swait.ge @!p0 [sflag:s1], $0x8000  }
0xe7: {  	s2 =	sadd.s32 $0x1200, s5;
	s10 =	sor.u32 $0x30, s9;
	[sflag:s1] =	ssyncset.done @!p0 $0x0  }
0xe8: {  	s16 =	sor.u32 s10, s2;
	[sflag:s1] =	ssyncadd.s32 @!p0 $0xFFFF8000  }
0xe9: {  	s0 =	sor.u32 $0x10, s9;
	s6 =	sor.u32 s9, s2;
	s3 =	sor.u32 $0x20, s9;
	v36 =	vld [tilespmem:s16+$0x0]  }
0xea: {  	s17 =	sor.u32 s0, s2;
	s2 =	sor.u32 s3, s2;
	v34 =	vld [tilespmem:s6+$0x0]  }
0xeb: {  	v35 =	vld [tilespmem:s2+$0x0]  }
0xec: {  	v33 =	vld [tilespmem:s17+$0x0];
	_ =	sdelay $0x1  }
0xed: {  	v1 =	vadd.s32 $0x100, v36  }
0xee: {  	v2 =	vadd.s32 $0x100, v34  }
0xef: {  	v52 =	vadd.s32 $0x100, v35  }
0xf0: {  	v3 =	vadd.s32 $0x100, v33;
	_ =	sdelay $0x1  }
0xf1: {  	v1 =	vld.idx.msk [tilespmem:v1+s4+$0x0], $0xffff  }
0xf2: {  	v2 =	vld.idx.msk [tilespmem:v2+s4+$0x0], $0xffff  }
0xf3: {  	v53 =	vadd.s32 $0x120, v36;
	v4 =	vld.idx.msk [tilespmem:v52+s4+$0x0], $0xffff  }
0xf4: {  	s19 =	sadd.s32 $0xB200, s5;
	v8 =	vadd.s32 $0x120, v35;
	v3 =	vld.idx.msk [tilespmem:v3+s4+$0x0], $0xffff  }
0xf5: {  	s25 =	sor.u32 s10, s19;
	v54 =	vadd.s32 $0x120, v34  }
0xf6: {  	s26 =	sor.u32 s9, s19;
	[tilespmem:s25+$0x0] =	vst v1  }
0xf7: {  	s1 =	sor.u32 s3, s19;
	v55 =	vadd.s32 $0x120, v33;
	[tilespmem:s26+$0x0] =	vst v2  }
0xf8: {  	s7 =	sor.u32 s0, s19;
	[tilespmem:s1+$0x0] =	vst v4;
	v1 =	vld.idx.msk [tilespmem:v53+s4+$0x0], $0xffff  }
0xf9: {  	[tilespmem:s7+$0x0] =	vst v3;
	v3 =	vadd.s32 $0x140, v36;
	v59 =	vld.idx.msk [tilespmem:v8+s4+$0x0], $0xffff  }
0xfa: {  	v2 =	vld.idx.msk [tilespmem:v54+s4+$0x0], $0xffff;
	v8 =	vadd.s32 $0x140, v35  }
0xfb: {  	s8 =	sadd.s32 $0xC200, s5;
	v56 =	vadd.s32 $0x140, v34  }
0xfc: {  	s11 =	sor.u32 s10, s8;
	v57 =	vld.idx.msk [tilespmem:v55+s4+$0x0], $0xffff  }
0xfd: {  	s12 =	sor.u32 s9, s8;
	v58 =	vadd.s32 $0x140, v33;
	s1 =	sor.u32 s3, s8;
	[tilespmem:s11+$0x0] =	vst v1  }
0xfe: {  	s14 =	sor.u32 s0, s8;
	s19 =	simm.s32 $0x200;
	s25 =	simm.s32 $0x10;
	[tilespmem:s1+$0x0] =	vst v59;
	v1 =	vld.idx.msk [tilespmem:v3+s4+$0x0], $0xffff  }
0xff: {  	s6 =	sand.u32 $0xC00, s19;
	s26 =	simm.s32 $0x40;
	s8 =	sand.u32 $0x380, s25;
	[tilespmem:s12+$0x0] =	vst v2;
	v7 =	vld.idx.msk [tilespmem:v8+s4+$0x0], $0xffff  }
0x100: {  	s25 =	sand.u32 $0x40, s26;
	s26 =	sor.u32 s8, s6;
	v2 =	vld.idx.msk [tilespmem:v56+s4+$0x0], $0xffff;
	v3 =	vadd.s32 $0x160, v36  }
0x101: {  	s15 =	sadd.s32 $0xD200, s5;
	v60 =	vadd.s32 $0x160, v34;
	s28 =	sor.u32 $0x30, s25;
	s8 =	sadd.s32 $0x1200, s26;
	[tilespmem:s14+$0x0] =	vst v57  }
0x102: {  	s17 =	sor.u32 s10, s15;
	s11 =	sor.u32 s28, s8;
	v4 =	vld.idx.msk [tilespmem:v58+s4+$0x0], $0xffff;
	v8 =	vadd.s32 $0x160, v35  }
0x103: {  	s1 =	sor.u32 s3, s15;
	s14 =	sor.u32 s25, s8;
	v32 =	vld [tilespmem:s11+$0x0];
	[tilespmem:s17+$0x0] =	vst v1  }
0x104: {  	s16 =	sor.u32 s9, s15;
	v61 =	vadd.s32 $0x160, v33;
	[tilespmem:s1+$0x0] =	vst v7;
	v7 =	vld [tilespmem:s14+$0x0]  }
0x105: {  	[tilespmem:s16+$0x0] =	vst v2;
	v1 =	vld.idx.msk [tilespmem:v3+s4+$0x0], $0xffff  }
0x106: {  	s30 =	sor.u32 $0x20, s25;
	v2 =	vld.idx.msk [tilespmem:v60+s4+$0x0], $0xffff;
	v3 =	vadd.s32 $0x180, v36  }
0x107: {  	v63 =	vadd.s32 $0x180, v34;
	s7 =	sor.u32 s0, s15;
	s2 =	sor.u32 s30, s8;
	v62 =	vld.idx.msk [tilespmem:v8+s4+$0x0], $0xffff  }
0x108: {  	s29 =	sor.u32 $0x10, s25;
	v43 =	vld [tilespmem:s2+$0x0];
	s12 =	sadd.s32 $0xE200, s5;
	[tilespmem:s7+$0x0] =	vst v4;
	v8 =	vadd.s32 $0x180, v35  }
0x109: {  	s15 =	sor.u32 s10, s12;
	s16 =	sor.u32 s29, s8;
	v4 =	vld.idx.msk [tilespmem:v61+s4+$0x0], $0xffff;
	v47 =	vadd.s32 $0x100, v7  }
0x10a: {  	s17 =	sor.u32 s9, s12;
	v9 =	vld [tilespmem:s16+$0x0];
	[tilespmem:s15+$0x0] =	vst v1;
	v1 =	vadd.s32 $0x180, v33  }
0x10b: {  	s7 =	sor.u32 s3, s12;
	[tilespmem:s17+$0x0] =	vst v2;
	v3 =	vld.idx.msk [tilespmem:v3+s4+$0x0], $0xffff  }
0x10c: {  	v2 =	vadd.s32 $0x100, v32;
	[tilespmem:s7+$0x0] =	vst v62;
	v46 =	vld.idx.msk [tilespmem:v63+s4+$0x0], $0xffff  }
0x10d: {  	v45 =	vadd.s32 $0x1A0, v36;
	s19 =	sor.u32 s0, s12;
	v5 =	vld.idx.msk [tilespmem:v8+s4+$0x0], $0xffff  }
0x10e: {  	v48 =	vadd.s32 $0x1A0, v34;
	[tilespmem:s19+$0x0] =	vst v4;
	v6 =	vld.idx.msk [tilespmem:v47+s4+$0x0], $0xffff  }
0x10f: {  	s8 =	sadd.s32 $0xF200, s5;
	v8 =	vadd.s32 $0x100, v9;
	v1 =	vld.idx.msk [tilespmem:v1+s4+$0x0], $0xffff  }
0x110: {  	s11 =	sor.u32 s10, s8;
	v52 =	vadd.s32 $0x120, v7  }
0x111: {  	s12 =	sor.u32 s9, s8;
	s15 =	sadd.s32 $0xB200, s26;
	v2 =	vld.idx.msk [tilespmem:v2+s4+$0x0], $0xffff;
	[tilespmem:s11+$0x0] =	vst v3;
	v3 =	vadd.s32 $0x100, v43  }
0x112: {  	v49 =	vadd.s32 $0x1A0, v33;
	s19 =	sor.u32 s25, s15;
	[tilespmem:s12+$0x0] =	vst v46;
	v37 =	vld.idx.msk [tilespmem:v45+s4+$0x0], $0xffff  }
0x113: {  	v51 =	vadd.s32 $0x120, v32;
	s14 =	sor.u32 s0, s8;
	v38 =	vld.idx.msk [tilespmem:v48+s4+$0x0], $0xffff;
	[tilespmem:s19+$0x0] =	vst v6  }
0x114: {  	v50 =	vadd.s32 $0x1C0, v36;
	[tilespmem:s14+$0x0] =	vst v1;
	v1 =	vld.idx.msk [tilespmem:v8+s4+$0x0], $0xffff  }
0x115: {  	v55 =	vadd.s32 $0x1C0, v34;
	s2 =	sor.u32 s3, s8;
	v57 =	vld.idx.msk [tilespmem:v52+s4+$0x0], $0xffff  }
0x116: {  	s1 =	sadd.s32 $0x10200, s5;
	s17 =	sor.u32 s28, s15;
	[tilespmem:s2+$0x0] =	vst v5;
	v8 =	vadd.s32 $0x1A0, v35;
	v3 =	vld.idx.msk [tilespmem:v3+s4+$0x0], $0xffff  }
0x117: {  	s16 =	sor.u32 s10, s1;
	v53 =	vadd.s32 $0x120, v9;
	[tilespmem:s17+$0x0] =	vst v2;
	v39 =	vld.idx.msk [tilespmem:v49+s4+$0x0], $0xffff  }
0x118: {  	s8 =	sor.u32 s9, s1;
	v58 =	vadd.s32 $0x140, v7;
	v56 =	vld.idx.msk [tilespmem:v51+s4+$0x0], $0xffff;
	[tilespmem:s16+$0x0] =	vst v37  }
0x119: {  	v54 =	vadd.s32 $0x120, v43;
	s11 =	sor.u32 s29, s15;
	s2 =	sor.u32 s30, s15;
	s15 =	sadd.s32 $0xC200, s26;
	[tilespmem:s8+$0x0] =	vst v38;
	v2 =	vld.idx.msk [tilespmem:v50+s4+$0x0], $0xffff  }
0x11a: {  	v36 =	vadd.s32 $0x1E0, v36;
	s19 =	sor.u32 s25, s15;
	v4 =	vld.idx.msk [tilespmem:v55+s4+$0x0], $0xffff;
	[tilespmem:s11+$0x0] =	vst v1  }
0x11b: {  	v1 =	vadd.s32 $0x140, v32;
	v8 =	vld.idx.msk [tilespmem:v8+s4+$0x0], $0xffff;
	[tilespmem:s19+$0x0] =	vst v57  }
0x11c: {  	v62 =	vadd.s32 $0x1E0, v34;
	s12 =	sor.u32 s0, s1;
	s14 =	sadd.s32 $0x11200, s5;
	v5 =	vld.idx.msk [tilespmem:v53+s4+$0x0], $0xffff;
	[tilespmem:s2+$0x0] =	vst v3  }
0x11d: {  	s16 =	sor.u32 s10, s14;
	v3 =	vadd.s32 $0x1C0, v33;
	[tilespmem:s12+$0x0] =	vst v39;
	v55 =	vld.idx.msk [tilespmem:v58+s4+$0x0], $0xffff  }
0x11e: {  	v59 =	vadd.s32 $0x140, v9;
	s17 =	sor.u32 s28, s15;
	v37 =	vld.idx.msk [tilespmem:v54+s4+$0x0], $0xffff;
	[tilespmem:s16+$0x0] =	vst v2  }
0x11f: {  	[tilespmem:s17+$0x0] =	vst v56;
	s12 =	sor.u32 s9, s14;
	v2 =	vadd.s32 $0x140, v43;
	v60 =	vld.idx.msk [tilespmem:v36+s4+$0x0], $0xffff  }
0x120: {  	v61 =	vadd.s32 $0x1C0, v35;
	s1 =	sor.u32 s3, s1;
	[tilespmem:s12+$0x0] =	vst v4;
	v1 =	vld.idx.msk [tilespmem:v1+s4+$0x0], $0xffff  }
0x121: {  	v41 =	vadd.s32 $0x1A0, v43;
	v42 =	vadd.s32 $0x180, v7;
	v63 =	vadd.s32 $0x160, v32;
	s7 =	sor.u32 s30, s15;
	s5 =	sadd.s32 $0x12200, s5;
	s11 =	sor.u32 s29, s15;
	v52 =	vld.idx.msk [tilespmem:v62+s4+$0x0], $0xffff;
	[tilespmem:s1+$0x0] =	vst v8  }
0x122: {  	v34 =	vadd.s32 $0x1E0, v33;
	v44 =	vadd.s32 $0x180, v9;
	v46 =	vadd.s32 $0x160, v7;
	s6 =	sor.u32 s3, s14;
	s1 =	sor.u32 s0, s14;
	s14 =	sadd.s32 $0xD200, s26;
	[tilespmem:s11+$0x0] =	vst v5;
	v50 =	vld.idx.msk [tilespmem:v3+s4+$0x0], $0xffff  }
0x123: {  	s31 =	simm.s32 $0x4;
	v40 =	vadd.s32 $0x1A0, v9;
	v47 =	vadd.s32 $0x160, v43;
	v45 =	vadd.s32 $0x180, v43;
	s8 =	sor.u32 s0, s5;
	s16 =	sor.u32 s25, s14;
	v53 =	vld.idx.msk [tilespmem:v59+s4+$0x0], $0xffff;
	[tilespmem:s7+$0x0] =	vst v37  }
0x124: {  	v48 =	vadd.s32 $0x1E0, v9;
	v49 =	vadd.s32 $0x160, v9;
	v38 =	vadd.s32 $0x1C0, v9;
	s19 =	sor.u32 s9, s5;
	s15 =	sor.u32 s10, s5;
	s17 =	sor.u32 s28, s14;
	[tilespmem:s16+$0x0] =	vst v55;
	v54 =	vld.idx.msk [tilespmem:v2+s4+$0x0], $0xffff  }
0x125: {  	s10 =	sor.u32 s3, s5;
	s3 =	simm.s32 $0x400;
	v33 =	vadd.s32 $0x1E0, v35;
	v35 =	vadd.s32 $0x1E0, v7;
	v39 =	vadd.s32 $0x1C0, v43;
	s9 =	simm.s32 $0x20;
	v51 =	vld.idx.msk [tilespmem:v61+s4+$0x0], $0xffff;
	[tilespmem:s17+$0x0] =	vst v1  }
0x126: {  	v43 =	vadd.s32 $0x1E0, v43;
	v36 =	vadd.s32 $0x1A0, v7;
	s0 =	simm.s32 $0x80;
	s2 =	sor.u32 s29, s14;
	s12 =	sor.u32 s30, s14;
	v37 =	vadd.s32 $0x1C0, v7;
	[tilespmem:s15+$0x0] =	vst v60;
	v55 =	vld.idx.msk [tilespmem:v63+s4+$0x0], $0xffff  }
.LBB2_5:
0x127: {  	s5 =	sand.u32 $0xC00, s3;
	s7 =	sand.u32 $0x380, s9;
	s31 =	sadd.s32 $0x4, s31;
	v1 =	vld.idx.msk [tilespmem:v46+s4+$0x0], $0xffff;
	[tilespmem:s1+$0x0] =	vst v50  }
0x128: {  	s1 =	sand.u32 $0x40, s0;
	v2 =	vadd.s32 $0x180, v32;
	s5 =	sor.u32 s7, s5;
	p0 =	slt.u32 s31, $0xFC;
	[tilespmem:s2+$0x0] =	vst v53;
	v3 =	vld.idx.msk [tilespmem:v34+s4+$0x0], $0xffff;
	v34 =	vmov v48  }
0x129: {  	s7 =	sor.u32 $0x10, s1;
	s11 =	sor.u32 $0x30, s1;
	s2 =	sadd.s32 $0x1200, s5;
	v4 =	vld.idx.msk [tilespmem:v49+s4+$0x0], $0xffff;
	[tilespmem:s12+$0x0] =	vst v54  }
0x12a: {  	s16 =	sadd.s32 $0xE200, s26;
	s14 =	sor.u32 $0x20, s1;
	s12 =	sor.u32 s11, s2;
	v5 =	vld.idx.msk [tilespmem:v47+s4+$0x0], $0xffff;
	[tilespmem:s6+$0x0] =	vst v51  }
0x12b: {  	s6 =	sor.u32 s1, s2;
	s17 =	sor.u32 s7, s2;
	v6 =	vld [tilespmem:s12+$0x0];
	s12 =	sor.u32 s28, s16;
	[tilespmem:s19+$0x0] =	vst v52  }
0x12c: {  	s15 =	sor.u32 s29, s16;
	s2 =	sor.u32 s14, s2;
	v7 =	vld [tilespmem:s6+$0x0];
	s6 =	sor.u32 s25, s16;
	[tilespmem:s12+$0x0] =	vst v55  }
0x12d: {  	s19 =	smov.u32 s25;
	s25 =	smov.u32 s1;
	[tilespmem:s6+$0x0] =	vst v1;
	s6 =	sor.u32 s30, s16;
	v1 =	vld.idx.msk [tilespmem:v2+s4+$0x0], $0xffff  }
0x12e: {  	s12 =	smov.u32 s28;
	v2 =	vld [tilespmem:s17+$0x0];
	[tilespmem:s8+$0x0] =	vst v3;
	s8 =	smov.u32 s29;
	s29 =	smov.u32 s7  }
0x12f: {  	s28 =	smov.u32 s11;
	s11 =	smov.u32 s30;
	s30 =	smov.u32 s14;
	v3 =	vld [tilespmem:s2+$0x0];
	[tilespmem:s15+$0x0] =	vst v4;
	v4 =	vadd.s32 $0x1A0, v32  }
0x130: {  	v8 =	vadd.s32 $0x100, v6;
	v9 =	vld.idx.msk [tilespmem:v42+s4+$0x0], $0xffff;
	[tilespmem:s6+$0x0] =	vst v5  }
0x131: {  	s1 =	sadd.s32 $0xF200, s26;
	v5 =	vadd.s32 $0x100, v7;
	v50 =	vadd.s32 $0x120, v7;
	v51 =	vadd.s32 $0x140, v7;
	v48 =	vld.idx.msk [tilespmem:v44+s4+$0x0], $0xffff  }
0x132: {  	s7 =	sor.u32 s12, s1;
	s2 =	sor.u32 s19, s1;
	s6 =	sor.u32 s8, s1;
	v46 =	vadd.s32 $0x160, v7;
	v42 =	vadd.s32 $0x180, v7;
	v52 =	vadd.s32 $0x1A0, v7;
	v53 =	vld.idx.msk [tilespmem:v45+s4+$0x0], $0xffff  }
0x133: {  	s1 =	sor.u32 s11, s1;
	v54 =	vadd.s32 $0x100, v2;
	v55 =	vadd.s32 $0x120, v2;
	v56 =	vadd.s32 $0x140, v2;
	[tilespmem:s7+$0x0] =	vst v1;
	v1 =	vld.idx.msk [tilespmem:v33+s4+$0x0], $0xffff;
	v33 =	vmovc v43  }
0x134: {  	v43 =	vadd.s32 $0x100, v3;
	v57 =	vadd.s32 $0x120, v3;
	v58 =	vadd.s32 $0x140, v3;
	v4 =	vld.idx.msk [tilespmem:v4+s4+$0x0], $0xffff  }
0x135: {  	v49 =	vadd.s32 $0x160, v2;
	v44 =	vadd.s32 $0x180, v2;
	v47 =	vadd.s32 $0x160, v3;
	v8 =	vld.idx.msk [tilespmem:v8+s4+$0x0], $0xffff  }
0x136: {  	v59 =	vadd.s32 $0x1A0, v2;
	v45 =	vadd.s32 $0x180, v3;
	v5 =	vld.idx.msk [tilespmem:v5+s4+$0x0], $0xffff;
	[tilespmem:s2+$0x0] =	vst v9;
	v9 =	vadd.s32 $0x1C0, v32  }
0x137: {  	v62 =	vadd.s32 $0x120, v6;
	v60 =	vadd.s32 $0x1C0, v7;
	v61 =	vadd.s32 $0x1A0, v3;
	v63 =	vld.idx.msk [tilespmem:v36+s4+$0x0], $0xffff;
	[tilespmem:s6+$0x0] =	vst v48;
	v36 =	vmovc v52  }
0x138: {  	v7 =	vadd.s32 $0x1E0, v7;
	v10 =	vadd.s32 $0x1C0, v3;
	s2 =	sadd.s32 $0x10200, s26;
	v52 =	vld.idx.msk [tilespmem:v54+s4+$0x0], $0xffff;
	v54 =	vadd.s32 $0x1C0, v2;
	[tilespmem:s1+$0x0] =	vst v53  }
0x139: {  	v48 =	vadd.s32 $0x1E0, v2;
	s6 =	sor.u32 s19, s2;
	s7 =	sor.u32 s12, s2;
	s1 =	sadd.s32 $0xB200, s5;
	v2 =	vld.idx.msk [tilespmem:v43+s4+$0x0], $0xffff;
	v43 =	vadd.s32 $0x1E0, v3;
	[tilespmem:s10+$0x0] =	vst v1  }
0x13a: {  	s10 =	sor.u32 s25, s1;
	s14 =	sor.u32 s29, s1;
	s15 =	sor.u32 s28, s1;
	v1 =	vld.idx.msk [tilespmem:v40+s4+$0x0], $0xffff;
	[tilespmem:s7+$0x0] =	vst v4;
	v40 =	vmov v59  }
0x13b: {  	s1 =	sor.u32 s30, s1;
	s7 =	sor.u32 s8, s2;
	s2 =	sor.u32 s11, s2;
	[tilespmem:s15+$0x0] =	vst v8;
	v3 =	vld.idx.msk [tilespmem:v9+s4+$0x0], $0xffff  }
0x13c: {  	[tilespmem:s10+$0x0] =	vst v5;
	v4 =	vld.idx.msk [tilespmem:v62+s4+$0x0], $0xffff  }
0x13d: {  	v8 =	vadd.s32 $0x1E0, v32;
	v32 =	vmov v6;
	v5 =	vld.idx.msk [tilespmem:v50+s4+$0x0], $0xffff;
	[tilespmem:s6+$0x0] =	vst v63  }
0x13e: {  	v6 =	vadd.s32 $0x140, v32;
	[tilespmem:s14+$0x0] =	vst v52;
	v9 =	vld.idx.msk [tilespmem:v41+s4+$0x0], $0xffff;
	v41 =	vmov v61  }
0x13f: {  	s6 =	sadd.s32 $0x11200, s26;
	v50 =	vld.idx.msk [tilespmem:v55+s4+$0x0], $0xffff;
	[tilespmem:s1+$0x0] =	vst v2  }
0x140: {  	s10 =	sor.u32 s19, s6;
	s1 =	sadd.s32 $0xC200, s5;
	v2 =	vld.idx.msk [tilespmem:v57+s4+$0x0], $0xffff;
	[tilespmem:s7+$0x0] =	vst v1;
	s7 =	sor.u32 s12, s6  }
0x141: {  	s14 =	sor.u32 s25, s1;
	s15 =	sor.u32 s29, s1;
	s16 =	sor.u32 s28, s1;
	v1 =	vld.idx.msk [tilespmem:v37+s4+$0x0], $0xffff;
	[tilespmem:s7+$0x0] =	vst v3;
	v37 =	vmov v60  }
0x142: {  	s7 =	sor.u32 s30, s1;
	s1 =	sor.u32 s8, s6;
	s6 =	sor.u32 s11, s6;
	[tilespmem:s16+$0x0] =	vst v4;
	v3 =	vld.idx.msk [tilespmem:v8+s4+$0x0], $0xffff  }
0x143: {  	[tilespmem:s14+$0x0] =	vst v5;
	v4 =	vld.idx.msk [tilespmem:v6+s4+$0x0], $0xffff  }
0x144: {  	v5 =	vld.idx.msk [tilespmem:v51+s4+$0x0], $0xffff;
	[tilespmem:s2+$0x0] =	vst v9  }
0x145: {  	v6 =	vadd.s32 $0x160, v32;
	[tilespmem:s15+$0x0] =	vst v50;
	v50 =	vld.idx.msk [tilespmem:v38+s4+$0x0], $0xffff;
	v38 =	vmov v54  }
.Ltmp1:
0x146: {  	v53 =	vld.idx.msk [tilespmem:v56+s4+$0x0], $0xffff;
	[tilespmem:s7+$0x0] =	vst v2;
	s7 =	sadd.s32 $0x12200, s26;
	s26 =	smov.u32 s5;
	(pc) =	sbr.rel @p0 .LBB2_5-.Ltmp1, $4  }
0x147: {  	s5 =	sadd.s32 $0xD200, s26;
	v54 =	vld.idx.msk [tilespmem:v58+s4+$0x0], $0xffff;
	[tilespmem:s10+$0x0] =	vst v1;
	s19 =	sor.u32 s19, s7;
	s10 =	sor.u32 s12, s7  }
0x148: {  	s14 =	sor.u32 s25, s5;
	s2 =	sor.u32 s29, s5;
	s15 =	sor.u32 s28, s5;
	v51 =	vld.idx.msk [tilespmem:v39+s4+$0x0], $0xffff;
	[tilespmem:s10+$0x0] =	vst v3;
	v39 =	vmov v10  }
0x149: {  	s8 =	sor.u32 s8, s7;
	s12 =	sor.u32 s30, s5;
	s10 =	sor.u32 s11, s7;
	[tilespmem:s15+$0x0] =	vst v4;
	v52 =	vld.idx.msk [tilespmem:v35+s4+$0x0], $0xffff;
	v35 =	vmov v7  }
0x14a: {  	s0 =	sadd.s32 $0x40, s0;
	s3 =	sadd.s32 $0x200, s3;
	s9 =	sadd.s32 $0x10, s9;
	[tilespmem:s14+$0x0] =	vst v5;
	v55 =	vld.idx.msk [tilespmem:v6+s4+$0x0], $0xffff  }
0x14b: {  	_ =	sdelay $0x3  }
0x14c: {  	v1 =	vld.idx.msk [tilespmem:v46+s4+$0x0], $0xffff;
	[tilespmem:s2+$0x0] =	vst v53;
	v2 =	vadd.s32 $0x180, v32  }
0x14d: {  	v3 =	vld.idx.msk [tilespmem:v49+s4+$0x0], $0xffff;
	[tilespmem:s12+$0x0] =	vst v54  }
0x14e: {  	s0 =	sadd.s32 $0xE200, s26;
	v4 =	vld.idx.msk [tilespmem:v47+s4+$0x0], $0xffff  }
0x14f: {  	s16 =	sor.u32 s28, s0  }
0x150: {  	s3 =	sor.u32 s25, s0;
	[tilespmem:s16+$0x0] =	vst v55  }
0x151: {  	s17 =	sor.u32 s29, s0;
	[tilespmem:s3+$0x0] =	vst v1;
	v1 =	vld.idx.msk [tilespmem:v2+s4+$0x0], $0xffff  }
0x152: {  	s0 =	sor.u32 s30, s0;
	v2 =	vadd.s32 $0x1A0, v32;
	[tilespmem:s17+$0x0] =	vst v3;
	v3 =	vld.idx.msk [tilespmem:v42+s4+$0x0], $0xffff  }
0x153: {  	[tilespmem:s0+$0x0] =	vst v4;
	v47 =	vld.idx.msk [tilespmem:v44+s4+$0x0], $0xffff  }
0x154: {  	s5 =	sadd.s32 $0xF200, s26;
	v5 =	vld.idx.msk [tilespmem:v45+s4+$0x0], $0xffff  }
0x155: {  	s7 =	sor.u32 s28, s5  }
0x156: {  	s9 =	sor.u32 s25, s5;
	[tilespmem:s7+$0x0] =	vst v1  }
0x157: {  	s11 =	sor.u32 s29, s5;
	v1 =	vld.idx.msk [tilespmem:v2+s4+$0x0], $0xffff;
	[tilespmem:s9+$0x0] =	vst v3  }
0x158: {  	s0 =	sor.u32 s30, s5;
	v2 =	vadd.s32 $0x1C0, v32;
	v3 =	vld.idx.msk [tilespmem:v36+s4+$0x0], $0xffff;
	[tilespmem:s11+$0x0] =	vst v47  }
0x159: {  	[tilespmem:s0+$0x0] =	vst v5;
	v4 =	vld.idx.msk [tilespmem:v40+s4+$0x0], $0xffff  }
0x15a: {  	s12 =	sadd.s32 $0x10200, s26;
	v5 =	vld.idx.msk [tilespmem:v41+s4+$0x0], $0xffff  }
0x15b: {  	[tilespmem:s1+$0x0] =	vst v50;
	s14 =	sor.u32 s28, s12  }
0x15c: {  	s15 =	sor.u32 s25, s12;
	[tilespmem:s14+$0x0] =	vst v1  }
0x15d: {  	s16 =	sor.u32 s29, s12;
	v1 =	vld.idx.msk [tilespmem:v2+s4+$0x0], $0xffff;
	[tilespmem:s15+$0x0] =	vst v3  }
0x15e: {  	s0 =	sor.u32 s30, s12;
	v2 =	vadd.s32 $0x1E0, v32;
	[tilespmem:s16+$0x0] =	vst v4;
	v3 =	vld.idx.msk [tilespmem:v37+s4+$0x0], $0xffff  }
0x15f: {  	[tilespmem:s0+$0x0] =	vst v5;
	v4 =	vld.idx.msk [tilespmem:v38+s4+$0x0], $0xffff  }
0x160: {  	[tilespmem:s6+$0x0] =	vst v51;
	s17 =	sadd.s32 $0x11200, s26;
	v5 =	vld.idx.msk [tilespmem:v39+s4+$0x0], $0xffff  }
0x161: {  	v6 =	vld.idx.msk [tilespmem:v34+s4+$0x0], $0xffff;
	[tilespmem:s19+$0x0] =	vst v52;
	s3 =	sor.u32 s28, s17  }
0x162: {  	v7 =	vld.idx.msk [tilespmem:v33+s4+$0x0], $0xffff;
	s5 =	sor.u32 s25, s17;
	[tilespmem:s3+$0x0] =	vst v1  }
0x163: {  	s6 =	sor.u32 s29, s17;
	v1 =	vld.idx.msk [tilespmem:v2+s4+$0x0], $0xffff;
	[tilespmem:s5+$0x0] =	vst v3  }
0x164: {  	s0 =	sor.u32 s30, s17;
	v2 =	vld.idx.msk [tilespmem:v35+s4+$0x0], $0xffff;
	[tilespmem:s6+$0x0] =	vst v4  }
0x165: {  	v3 =	vld.idx.msk [tilespmem:v48+s4+$0x0], $0xffff;
	[tilespmem:s0+$0x0] =	vst v5  }
0x166: {  	[tilespmem:s8+$0x0] =	vst v6;
	s7 =	sadd.s32 $0x12200, s26;
	v48 =	vld.idx.msk [tilespmem:v43+s4+$0x0], $0xffff  }
0x167: {  	[tilespmem:s10+$0x0] =	vst v7;
	s8 =	sor.u32 s28, s7  }
0x168: {  	s9 =	sor.u32 s25, s7;
	[tilespmem:s8+$0x0] =	vst v1  }
0x169: {  	p0 =	seq.s32 s20, $0xF;
	s10 =	sor.u32 s29, s7;
	[tilespmem:s9+$0x0] =	vst v2  }
0x16a: {  	s11 =	sadd.s32 $0x400000, s24;
	s12 =	simm.s32 $0x1000;
	s0 =	sor.u32 s30, s7;
	[tilespmem:s10+$0x0] =	vst v3  }
0x16b: {  	s14 =	simm.s32 $0x400000;
	s15 =	simm.s32 $0xB200;
	[tilespmem:s0+$0x0] =	vst v48;
	s0 =	sadd.s32 @!p0 $0x2, s23  }
0x16c: {  	[hbm4b:s11+s12] =	stream.strided.scatter [tilespmem:s15], [sflag:$0x2], $0x8000, s14, s12, $0x38;
	[tilespmem:$0x13200] =	vst v63  }
0x16d: {  	s1 =	sshrl.u32 @!p0 s0, $0x2;
	s0 =	sshll.u32 @!p0 s0, $0x9;
	s2 =	rddreg [dreg:$0x6]  }
0x16e: {  	s1 =	sadd.s32 @!p0 s2, s1;
	s0 =	sand.u32 @!p0 $0x400, s0;
	s2 =	rddreg [dreg:$0x0]  }
0x16f: {  	s1 =	sshll.u32 @!p0 s1, $0xB;
	s0 =	sadd.s32 @!p0 s2, s0  }
0x170: {  	s2 =	simm.s32 @!p0 $0x1200;
	s0 =	sadd.s32 @!p0 s1, s0;
	s1 =	simm.s32 @!p0 $0x0  }
0x171: {  	[tilespmem:s2], [sflag:$0x1] =	stream.linear.gather @!p0 [hbm4b:s0+s1], $0x1000, $0x38;
	[tilespmem:$0x13200] =	vst v63  }
0x172: {  	_ =	swait.ge [sflag:s13], $0x1000  }
0x173: {  	s16 =	simm.s32 $0x0;
	[sflag:s13] =	ssyncset.done $0x0  }
0x174: {  	s17 =	sand.u32 $0xC00, s16;
	[sflag:s13] =	ssyncadd.s32 $0xFFFFF000  }
0x175: {  	s19 =	sand.u32 $0x380, s16;
	s5 =	sand.u32 $0x40, s16;
	_ =	swait.ge [sflag:s18], $0x8000  }
0x176: {  	s9 =	sor.u32 $0x30, s5;
	s10 =	sor.u32 s19, s17;
	[sflag:s18] =	ssyncset.done $0x0  }
0x177: {  	s1 =	sor.u32 s9, s10;
	[sflag:s18] =	ssyncadd.s32 $0xFFFF8000  }
0x178: {  	s2 =	sor.u32 s5, s10;
	s0 =	sor.u32 $0x20, s5;
	v36 =	vld [tilespmem:s1+$0x2200]  }
0x179: {  	s3 =	sor.u32 $0x10, s5;
	s7 =	sor.u32 s0, s10;
	v35 =	vld [tilespmem:s2+$0x2200]  }
0x17a: {  	s23 =	sor.u32 s3, s10;
	v34 =	vld [tilespmem:s7+$0x2200]  }
0x17b: {  	v33 =	vld [tilespmem:s23+$0x2200];
	_ =	sdelay $0x4  }
0x17c: {  	v1 =	vld.idx.msk [tilespmem:v36+s4+$0x0], $0xffff  }
0x17d: {  	v2 =	vadd.s32 $0x20, v36;
	v3 =	vld.idx.msk [tilespmem:v35+s4+$0x0], $0xffff  }
0x17e: {  	v49 =	vadd.s32 $0x20, v35;
	v52 =	vld.idx.msk [tilespmem:v34+s4+$0x0], $0xffff  }
0x17f: {  	s24 =	sadd.s32 $0x3200, s10;
	v8 =	vadd.s32 $0x20, v34;
	v50 =	vld.idx.msk [tilespmem:v33+s4+$0x0], $0xffff  }
0x180: {  	s11 =	sor.u32 s9, s24;
	v51 =	vadd.s32 $0x20, v33  }
0x181: {  	s25 =	sor.u32 s5, s24;
	[tilespmem:s11+$0x0] =	vst v1  }
0x182: {  	s8 =	sor.u32 s0, s24;
	[tilespmem:s25+$0x0] =	vst v3;
	v1 =	vld.idx.msk [tilespmem:v2+s4+$0x0], $0xffff  }
0x183: {  	s26 =	sor.u32 s3, s24;
	[tilespmem:s8+$0x0] =	vst v52;
	v2 =	vadd.s32 $0x40, v36;
	v3 =	vld.idx.msk [tilespmem:v49+s4+$0x0], $0xffff  }
0x184: {  	v53 =	vadd.s32 $0x40, v35;
	[tilespmem:s26+$0x0] =	vst v50;
	v7 =	vld.idx.msk [tilespmem:v8+s4+$0x0], $0xffff  }
0x185: {  	v5 =	vld.idx.msk [tilespmem:v51+s4+$0x0], $0xffff;
	v8 =	vadd.s32 $0x40, v34  }
0x186: {  	v54 =	vadd.s32 $0x40, v33  }
0x187: {  	s29 =	simm.s32 $0x40;
	s16 =	simm.s32 $0x10;
	[tilespmem:s1+$0x4200] =	vst v1  }
0x188: {  	s17 =	sand.u32 $0x380, s16;
	s15 =	simm.s32 $0x200;
	s8 =	sadd.s32 $0x5200, s10;
	[tilespmem:s2+$0x4200] =	vst v3;
	v1 =	vld.idx.msk [tilespmem:v2+s4+$0x0], $0xffff  }
0x189: {  	s25 =	sand.u32 $0x40, s29;
	s11 =	sor.u32 s9, s8;
	[tilespmem:s7+$0x4200] =	vst v7;
	s2 =	sand.u32 $0xC00, s15;
	v2 =	vadd.s32 $0x60, v36;
	v3 =	vld.idx.msk [tilespmem:v53+s4+$0x0], $0xffff  }
0x18a: {  	v55 =	vadd.s32 $0x60, v35;
	s12 =	sor.u32 s5, s8;
	s24 =	sor.u32 $0x10, s25;
	[tilespmem:s23+$0x4200] =	vst v5;
	v7 =	vld.idx.msk [tilespmem:v8+s4+$0x0], $0xffff;
	s23 =	sor.u32 s17, s2  }
0x18b: {  	s14 =	sor.u32 s3, s8;
	s1 =	sor.u32 s0, s8;
	v5 =	vld.idx.msk [tilespmem:v54+s4+$0x0], $0xffff;
	v8 =	vadd.s32 $0x60, v34;
	s8 =	sor.u32 s24, s23  }
0x18c: {  	v9 =	vld [tilespmem:s8+$0x2200]  }
0x18d: {  	v56 =	vadd.s32 $0x60, v33;
	[tilespmem:s11+$0x0] =	vst v1  }
0x18e: {  	[tilespmem:s12+$0x0] =	vst v3;
	v1 =	vld.idx.msk [tilespmem:v2+s4+$0x0], $0xffff  }
0x18f: {  	[tilespmem:s1+$0x0] =	vst v7;
	v3 =	vld.idx.msk [tilespmem:v55+s4+$0x0], $0xffff  }
0x190: {  	s6 =	sor.u32 s25, s23;
	v2 =	vadd.s32 $0x80, v36;
	v58 =	vld.idx.msk [tilespmem:v8+s4+$0x0], $0xffff  }
0x191: {  	s28 =	sor.u32 $0x30, s25;
	[tilespmem:s14+$0x0] =	vst v5;
	v8 =	vld [tilespmem:s6+$0x2200]  }
0x192: {  	s19 =	sadd.s32 $0x6200, s10;
	v60 =	vadd.s32 $0x80, v34;
	s1 =	sor.u32 s28, s23;
	v57 =	vld.idx.msk [tilespmem:v56+s4+$0x0], $0xffff  }
0x193: {  	v59 =	vadd.s32 $0x80, v35;
	s11 =	sor.u32 s9, s19;
	v32 =	vld [tilespmem:s1+$0x2200]  }
0x194: {  	s26 =	sor.u32 $0x20, s25;
	s12 =	sor.u32 s5, s19;
	v46 =	vld.idx.msk [tilespmem:v9+s4+$0x0], $0xffff;
	[tilespmem:s11+$0x0] =	vst v1  }
0x195: {  	s7 =	sor.u32 s0, s19;
	s2 =	sor.u32 s26, s23;
	v1 =	vadd.s32 $0x80, v33;
	[tilespmem:s12+$0x0] =	vst v3;
	v2 =	vld.idx.msk [tilespmem:v2+s4+$0x0], $0xffff  }
0x196: {  	v10 =	vadd.s32 $0xA0, v36;
	v3 =	vld [tilespmem:s2+$0x2200];
	[tilespmem:s7+$0x0] =	vst v58  }
0x197: {  	v5 =	vld.idx.msk [tilespmem:v60+s4+$0x0], $0xffff  }
0x198: {  	v52 =	vadd.s32 $0xA0, v34;
	s15 =	sadd.s32 $0x7200, s10;
	s14 =	sor.u32 s3, s19;
	v61 =	vld.idx.msk [tilespmem:v59+s4+$0x0], $0xffff  }
0x199: {  	s16 =	sor.u32 s9, s15;
	[tilespmem:s14+$0x0] =	vst v57;
	v44 =	vld.idx.msk [tilespmem:v8+s4+$0x0], $0xffff  }
0x19a: {  	v1 =	vld.idx.msk [tilespmem:v1+s4+$0x0], $0xffff;
	[tilespmem:s16+$0x0] =	vst v2;
	v2 =	vadd.s32 $0xA0, v35  }
0x19b: {  	v63 =	vadd.s32 $0xA0, v33;
	s14 =	sor.u32 s0, s15;
	v62 =	vld.idx.msk [tilespmem:v10+s4+$0x0], $0xffff  }
0x19c: {  	s17 =	sor.u32 s5, s15;
	s19 =	sor.u32 s3, s15;
	v48 =	vadd.s32 $0x20, v8;
	s15 =	sadd.s32 $0x3200, s23;
	[tilespmem:s14+$0x0] =	vst v5;
	v10 =	vld.idx.msk [tilespmem:v32+s4+$0x0], $0xffff  }
0x19d: {  	v45 =	vadd.s32 $0xC0, v36;
	[tilespmem:s17+$0x0] =	vst v61;
	s14 =	sor.u32 s24, s15;
	v57 =	vld.idx.msk [tilespmem:v52+s4+$0x0], $0xffff  }
0x19e: {  	v47 =	vadd.s32 $0x20, v32;
	[tilespmem:s14+$0x0] =	vst v46;
	v49 =	vld.idx.msk [tilespmem:v3+s4+$0x0], $0xffff  }
0x19f: {  	s11 =	sadd.s32 $0x8200, s10;
	v50 =	vadd.s32 $0x20, v3;
	[tilespmem:s19+$0x0] =	vst v1;
	s19 =	sor.u32 s25, s15;
	v2 =	vld.idx.msk [tilespmem:v2+s4+$0x0], $0xffff  }
0x1a0: {  	s16 =	sor.u32 s9, s11;
	v1 =	vadd.s32 $0x20, v9;
	v51 =	vld.idx.msk [tilespmem:v63+s4+$0x0], $0xffff;
	[tilespmem:s19+$0x0] =	vst v44  }
0x1a1: {  	v59 =	vadd.s32 $0xC0, v33;
	s17 =	sor.u32 s28, s15;
	[tilespmem:s16+$0x0] =	vst v62;
	v4 =	vld.idx.msk [tilespmem:v48+s4+$0x0], $0xffff  }
0x1a2: {  	v53 =	vadd.s32 $0xC0, v35;
	s12 =	sor.u32 s26, s15;
	[tilespmem:s17+$0x0] =	vst v10;
	v10 =	vld.idx.msk [tilespmem:v45+s4+$0x0], $0xffff  }
0x1a3: {  	v56 =	vadd.s32 $0x40, v8;
	s15 =	sor.u32 s5, s11;
	v54 =	vld.idx.msk [tilespmem:v47+s4+$0x0], $0xffff;
	[tilespmem:s12+$0x0] =	vst v49  }
0x1a4: {  	v36 =	vadd.s32 $0xE0, v36;
	s16 =	sor.u32 s3, s11;
	v5 =	vld.idx.msk [tilespmem:v50+s4+$0x0], $0xffff;
	[tilespmem:s15+$0x0] =	vst v2  }
0x1a5: {  	v55 =	vadd.s32 $0x40, v32;
	s17 =	sadd.s32 $0x9200, s10;
	v1 =	vld.idx.msk [tilespmem:v1+s4+$0x0], $0xffff;
	[tilespmem:s16+$0x0] =	vst v51  }
0x1a6: {  	s19 =	sor.u32 s9, s17;
	v2 =	vadd.s32 $0x40, v9;
	[tilespmem:s6+$0x4200] =	vst v4;
	v51 =	vld.idx.msk [tilespmem:v59+s4+$0x0], $0xffff  }
0x1a7: {  	v58 =	vadd.s32 $0x40, v3;
	[tilespmem:s19+$0x0] =	vst v10;
	v10 =	vld.idx.msk [tilespmem:v53+s4+$0x0], $0xffff  }
0x1a8: {  	v60 =	vadd.s32 $0xC0, v34;
	s6 =	sor.u32 s0, s11;
	[tilespmem:s1+$0x4200] =	vst v54;
	v62 =	vld.idx.msk [tilespmem:v56+s4+$0x0], $0xffff  }
0x1a9: {  	v35 =	vadd.s32 $0xE0, v35;
	[tilespmem:s6+$0x0] =	vst v57;
	v36 =	vld.idx.msk [tilespmem:v36+s4+$0x0], $0xffff  }
0x1aa: {  	v63 =	vadd.s32 $0x60, v8;
	v61 =	vld.idx.msk [tilespmem:v55+s4+$0x0], $0xffff;
	[tilespmem:s8+$0x4200] =	vst v1  }
0x1ab: {  	v42 =	vadd.s32 $0x80, v9;
	s11 =	sadd.s32 $0x5200, s23;
	[tilespmem:s2+$0x4200] =	vst v5;
	s8 =	sor.u32 s5, s17;
	v1 =	vld.idx.msk [tilespmem:v2+s4+$0x0], $0xffff;
	v2 =	vadd.s32 $0x60, v32  }
0x1ac: {  	v40 =	vadd.s32 $0xA0, v9;
	v39 =	vadd.s32 $0xC0, v9;
	s10 =	sadd.s32 $0xA200, s10;
	v48 =	vadd.s32 $0x60, v9;
	s16 =	sor.u32 s25, s11;
	v53 =	vld.idx.msk [tilespmem:v58+s4+$0x0], $0xffff;
	[tilespmem:s8+$0x0] =	vst v10  }
0x1ad: {  	s30 =	simm.s32 $0x4;
	v37 =	vadd.s32 $0xA0, v8;
	v33 =	vadd.s32 $0xE0, v33;
	v47 =	vadd.s32 $0x60, v3;
	s14 =	sor.u32 s9, s10;
	s31 =	sor.u32 s3, s17;
	v50 =	vld.idx.msk [tilespmem:v60+s4+$0x0], $0xffff;
	[tilespmem:s16+$0x0] =	vst v62  }
0x1ae: {  	v34 =	vadd.s32 $0xE0, v34;
	v43 =	vadd.s32 $0x80, v3;
	v41 =	vadd.s32 $0xA0, v3;
	s12 =	sor.u32 s0, s17;
	s15 =	sor.u32 s28, s11;
	s1 =	sor.u32 s26, s11;
	[tilespmem:s14+$0x0] =	vst v36;
	v52 =	vld.idx.msk [tilespmem:v35+s4+$0x0], $0xffff  }
0x1af: {  	v38 =	vadd.s32 $0xC0, v3;
	v46 =	vadd.s32 $0xE0, v9;
	v44 =	vadd.s32 $0x80, v8;
	s19 =	sor.u32 s3, s10;
	s3 =	simm.s32 $0x20;
	s17 =	sor.u32 s24, s11;
	[tilespmem:s15+$0x0] =	vst v61;
	v49 =	vld.idx.msk [tilespmem:v63+s4+$0x0], $0xffff  }
0x1b0: {  	v45 =	vadd.s32 $0xE0, v3;
	s2 =	sor.u32 s5, s10;
	s11 =	sor.u32 s0, s10;
	s0 =	simm.s32 $0x400;
	v36 =	vadd.s32 $0xC0, v8;
	v35 =	vadd.s32 $0xE0, v8;
	v54 =	vld.idx.msk [tilespmem:v2+s4+$0x0], $0xffff;
	[tilespmem:s17+$0x0] =	vst v1  }
.LBB2_7:
0x1b1: {  	s6 =	sand.u32 $0xC00, s0;
	s7 =	sand.u32 $0x380, s3;
	v1 =	vld.idx.msk [tilespmem:v48+s4+$0x0], $0xffff;
	[tilespmem:s1+$0x0] =	vst v53;
	v2 =	vadd.s32 $0x80, v32;
	s29 =	sadd.s32 $0x40, s29  }
0x1b2: {  	s5 =	sand.u32 $0x40, s29;
	s8 =	sor.u32 s7, s6;
	v3 =	vld.idx.msk [tilespmem:v47+s4+$0x0], $0xffff;
	[tilespmem:s31+$0x0] =	vst v51  }
0x1b3: {  	s30 =	sadd.s32 $0x4, s30;
	s7 =	sadd.s32 $0x6200, s23;
	s9 =	sor.u32 $0x30, s5;
	v4 =	vld.idx.msk [tilespmem:v33+s4+$0x0], $0xffff;
	[tilespmem:s12+$0x0] =	vst v50;
	v33 =	vmov v46  }
0x1b4: {  	p0 =	slt.u32 s30, $0xFC;
	s12 =	sor.u32 s28, s7;
	s1 =	sor.u32 s9, s8;
	[tilespmem:s2+$0x0] =	vst v52;
	v5 =	vld.idx.msk [tilespmem:v34+s4+$0x0], $0xffff;
	v34 =	vmov v45  }
0x1b5: {  	s6 =	sor.u32 $0x10, s5;
	s10 =	sor.u32 $0x20, s5;
	s2 =	sor.u32 s5, s8;
	v6 =	vld [tilespmem:s1+$0x2200];
	[tilespmem:s12+$0x0] =	vst v54  }
0x1b6: {  	s17 =	sor.u32 s6, s8;
	s16 =	sor.u32 s10, s8;
	s12 =	sor.u32 s25, s7;
	v2 =	vld.idx.msk [tilespmem:v2+s4+$0x0], $0xffff  }
0x1b7: {  	v7 =	vld [tilespmem:s2+$0x2200];
	[tilespmem:s12+$0x0] =	vst v49;
	s12 =	sor.u32 s24, s7;
	s7 =	sor.u32 s26, s7  }
0x1b8: {  	v8 =	vld [tilespmem:s17+$0x2200];
	[tilespmem:s12+$0x0] =	vst v1;
	v1 =	vadd.s32 $0xA0, v32  }
0x1b9: {  	v9 =	vld [tilespmem:s16+$0x2200];
	[tilespmem:s7+$0x0] =	vst v3  }
0x1ba: {  	s7 =	sadd.s32 $0x7200, s23;
	v3 =	vld.idx.msk [tilespmem:v44+s4+$0x0], $0xffff;
	[tilespmem:s19+$0x0] =	vst v4  }
0x1bb: {  	s12 =	sor.u32 s25, s7;
	s14 =	sor.u32 s24, s7;
	s15 =	sor.u32 s28, s7;
	v4 =	vld.idx.msk [tilespmem:v42+s4+$0x0], $0xffff;
	[tilespmem:s11+$0x0] =	vst v5  }
0x1bc: {  	s7 =	sor.u32 s26, s7;
	v5 =	vadd.s32 $0x20, v7;
	v10 =	vadd.s32 $0x40, v7;
	v49 =	vadd.s32 $0x60, v7;
	v45 =	vld.idx.msk [tilespmem:v43+s4+$0x0], $0xffff;
	[tilespmem:s15+$0x0] =	vst v2  }
0x1bd: {  	v2 =	vadd.s32 $0x20, v8;
	v50 =	vadd.s32 $0x40, v8;
	v48 =	vadd.s32 $0x60, v8;
	v1 =	vld.idx.msk [tilespmem:v1+s4+$0x0], $0xffff  }
0x1be: {  	v51 =	vadd.s32 $0x20, v9;
	v52 =	vadd.s32 $0x40, v9;
	v47 =	vadd.s32 $0x60, v9;
	v53 =	vld.idx.msk [tilespmem:v6+s4+$0x0], $0xffff  }
0x1bf: {  	v55 =	vadd.s32 $0xC0, v32;
	v44 =	vadd.s32 $0x80, v7;
	v42 =	vadd.s32 $0x80, v8;
	v54 =	vld.idx.msk [tilespmem:v7+s4+$0x0], $0xffff  }
0x1c0: {  	v57 =	vadd.s32 $0x20, v6;
	v46 =	vadd.s32 $0xA0, v7;
	v43 =	vadd.s32 $0x80, v9;
	v56 =	vld.idx.msk [tilespmem:v8+s4+$0x0], $0xffff;
	[tilespmem:s12+$0x0] =	vst v3  }
0x1c1: {  	s11 =	sadd.s32 $0x8200, s23;
	v58 =	vadd.s32 $0xA0, v8;
	v60 =	vadd.s32 $0xA0, v9;
	v3 =	vadd.s32 $0xC0, v7;
	v59 =	vld.idx.msk [tilespmem:v9+s4+$0x0], $0xffff;
	[tilespmem:s14+$0x0] =	vst v4  }
0x1c2: {  	v61 =	vadd.s32 $0xC0, v9;
	s12 =	sadd.s32 $0x3200, s8;
	v4 =	vadd.s32 $0xE0, v7;
	v7 =	vadd.s32 $0xC0, v8;
	s14 =	sor.u32 s25, s11;
	v62 =	vld.idx.msk [tilespmem:v37+s4+$0x0], $0xffff;
	[tilespmem:s7+$0x0] =	vst v45;
	s7 =	sor.u32 s28, s11;
	v37 =	vmovc v46  }
0x1c3: {  	s15 =	sor.u32 s5, s12;
	s19 =	sor.u32 s6, s12;
	s31 =	sor.u32 s9, s12;
	v46 =	vadd.s32 $0xE0, v8;
	v45 =	vadd.s32 $0xE0, v9;
	v8 =	vld.idx.msk [tilespmem:v40+s4+$0x0], $0xffff;
	[tilespmem:s7+$0x0] =	vst v1;
	v40 =	vmov v58  }
0x1c4: {  	s7 =	sor.u32 s10, s12;
	s12 =	sor.u32 s24, s11;
	s11 =	sor.u32 s26, s11;
	[tilespmem:s31+$0x0] =	vst v53;
	v1 =	vld.idx.msk [tilespmem:v55+s4+$0x0], $0xffff  }
0x1c5: {  	[tilespmem:s15+$0x0] =	vst v54;
	v9 =	vld.idx.msk [tilespmem:v57+s4+$0x0], $0xffff  }
0x1c6: {  	v53 =	vadd.s32 $0xE0, v32;
	v32 =	vmov v6;
	v5 =	vld.idx.msk [tilespmem:v5+s4+$0x0], $0xffff;
	[tilespmem:s19+$0x0] =	vst v56  }
0x1c7: {  	v6 =	vadd.s32 $0x40, v32;
	v2 =	vld.idx.msk [tilespmem:v2+s4+$0x0], $0xffff;
	[tilespmem:s7+$0x0] =	vst v59  }
0x1c8: {  	s7 =	sadd.s32 $0x9200, s23;
	v51 =	vld.idx.msk [tilespmem:v51+s4+$0x0], $0xffff;
	[tilespmem:s14+$0x0] =	vst v62  }
0x1c9: {  	s14 =	sor.u32 s25, s7;
	s31 =	sor.u32 s24, s7;
	s15 =	sor.u32 s28, s7;
	[tilespmem:s12+$0x0] =	vst v8;
	v8 =	vld.idx.msk [tilespmem:v41+s4+$0x0], $0xffff;
	v41 =	vmov v60  }
0x1ca: {  	s12 =	sor.u32 s26, s7;
	v54 =	vld.idx.msk [tilespmem:v36+s4+$0x0], $0xffff;
	[tilespmem:s15+$0x0] =	vst v1;
	v36 =	vmov v3  }
0x1cb: {  	[tilespmem:s1+$0x4200] =	vst v9;
	v1 =	vld.idx.msk [tilespmem:v53+s4+$0x0], $0xffff  }
0x1cc: {  	[tilespmem:s2+$0x4200] =	vst v5;
	v3 =	vld.idx.msk [tilespmem:v6+s4+$0x0], $0xffff  }
0x1cd: {  	v5 =	vld.idx.msk [tilespmem:v10+s4+$0x0], $0xffff;
	[tilespmem:s17+$0x4200] =	vst v2  }
0x1ce: {  	s7 =	sadd.s32 $0xA200, s23;
	v6 =	vadd.s32 $0x60, v32;
	v2 =	vld.idx.msk [tilespmem:v50+s4+$0x0], $0xffff;
	[tilespmem:s16+$0x4200] =	vst v51  }
0x1cf: {  	s23 =	smov.u32 s8;
	s8 =	sor.u32 s28, s7;
	v53 =	vld.idx.msk [tilespmem:v52+s4+$0x0], $0xffff;
	[tilespmem:s11+$0x0] =	vst v8  }
.Ltmp2:
0x1d0: {  	s1 =	sadd.s32 $0x5200, s23;
	s2 =	sor.u32 s25, s7;
	[tilespmem:s14+$0x0] =	vst v54;
	v51 =	vld.idx.msk [tilespmem:v39+s4+$0x0], $0xffff;
	(pc) =	sbr.rel @p0 .LBB2_7-.Ltmp2, $4  }
0x1d1: {  	s15 =	sor.u32 s6, s1;
	s11 =	sor.u32 s9, s1;
	s14 =	sor.u32 s5, s1;
	v39 =	vmov v7;
	v50 =	vld.idx.msk [tilespmem:v38+s4+$0x0], $0xffff;
	[tilespmem:s8+$0x0] =	vst v1;
	v38 =	vmov v61  }
0x1d2: {  	s19 =	sor.u32 s24, s7;
	s1 =	sor.u32 s10, s1;
	[tilespmem:s11+$0x0] =	vst v3;
	v52 =	vld.idx.msk [tilespmem:v35+s4+$0x0], $0xffff;
	s11 =	sor.u32 s26, s7;
	v35 =	vmov v4  }
0x1d3: {  	s28 =	smov.u32 s9;
	s24 =	smov.u32 s6;
	s25 =	smov.u32 s5;
	[tilespmem:s14+$0x0] =	vst v5;
	v54 =	vld.idx.msk [tilespmem:v6+s4+$0x0], $0xffff  }
0x1d4: {  	s0 =	sadd.s32 $0x200, s0;
	s3 =	sadd.s32 $0x10, s3;
	s26 =	smov.u32 s10;
	v49 =	vld.idx.msk [tilespmem:v49+s4+$0x0], $0xffff;
	[tilespmem:s15+$0x0] =	vst v2  }
0x1d5: {  	_ =	sdelay $0x2  }
0x1d6: {  	v1 =	vadd.s32 $0x80, v32  }
0x1d7: {  	v2 =	vld.idx.msk [tilespmem:v48+s4+$0x0], $0xffff;
	[tilespmem:s1+$0x0] =	vst v53  }
0x1d8: {  	s0 =	sadd.s32 $0x6200, s23;
	v3 =	vld.idx.msk [tilespmem:v47+s4+$0x0], $0xffff  }
0x1d9: {  	s16 =	sor.u32 s28, s0  }
0x1da: {  	s17 =	sor.u32 s25, s0;
	[tilespmem:s16+$0x0] =	vst v54  }
0x1db: {  	s29 =	sor.u32 s24, s0;
	[tilespmem:s17+$0x0] =	vst v49;
	v1 =	vld.idx.msk [tilespmem:v1+s4+$0x0], $0xffff  }
0x1dc: {  	s0 =	sor.u32 s26, s0;
	[tilespmem:s29+$0x0] =	vst v2;
	v2 =	vadd.s32 $0xA0, v32;
	v4 =	vld.idx.msk [tilespmem:v44+s4+$0x0], $0xffff  }
0x1dd: {  	[tilespmem:s0+$0x0] =	vst v3;
	v3 =	vld.idx.msk [tilespmem:v42+s4+$0x0], $0xffff  }
0x1de: {  	s30 =	sadd.s32 $0x7200, s23;
	v5 =	vld.idx.msk [tilespmem:v43+s4+$0x0], $0xffff  }
0x1df: {  	s5 =	sor.u32 s28, s30  }
0x1e0: {  	s3 =	sor.u32 s25, s30;
	[tilespmem:s5+$0x0] =	vst v1  }
0x1e1: {  	s6 =	sor.u32 s24, s30;
	[tilespmem:s3+$0x0] =	vst v4;
	v1 =	vld.idx.msk [tilespmem:v2+s4+$0x0], $0xffff  }
0x1e2: {  	s0 =	sor.u32 s26, s30;
	v2 =	vadd.s32 $0xC0, v32;
	[tilespmem:s6+$0x0] =	vst v3;
	v3 =	vld.idx.msk [tilespmem:v37+s4+$0x0], $0xffff  }
0x1e3: {  	[tilespmem:s0+$0x0] =	vst v5;
	v58 =	vld.idx.msk [tilespmem:v40+s4+$0x0], $0xffff  }
0x1e4: {  	s7 =	sadd.s32 $0x8200, s23;
	v5 =	vld.idx.msk [tilespmem:v41+s4+$0x0], $0xffff  }
0x1e5: {  	[tilespmem:s31+$0x0] =	vst v51;
	s8 =	sor.u32 s28, s7  }
0x1e6: {  	s9 =	sor.u32 s25, s7;
	[tilespmem:s8+$0x0] =	vst v1  }
0x1e7: {  	s10 =	sor.u32 s24, s7;
	[tilespmem:s9+$0x0] =	vst v3;
	v1 =	vld.idx.msk [tilespmem:v2+s4+$0x0], $0xffff  }
0x1e8: {  	s0 =	sor.u32 s26, s7;
	v2 =	vadd.s32 $0xE0, v32;
	[tilespmem:s10+$0x0] =	vst v58;
	v3 =	vld.idx.msk [tilespmem:v36+s4+$0x0], $0xffff  }
0x1e9: {  	[tilespmem:s0+$0x0] =	vst v5;
	v4 =	vld.idx.msk [tilespmem:v39+s4+$0x0], $0xffff  }
0x1ea: {  	[tilespmem:s12+$0x0] =	vst v50;
	s12 =	sadd.s32 $0x9200, s23;
	v5 =	vld.idx.msk [tilespmem:v38+s4+$0x0], $0xffff  }
0x1eb: {  	v6 =	vld.idx.msk [tilespmem:v33+s4+$0x0], $0xffff;
	[tilespmem:s2+$0x0] =	vst v52;
	s14 =	sor.u32 s28, s12  }
0x1ec: {  	v7 =	vld.idx.msk [tilespmem:v34+s4+$0x0], $0xffff;
	s15 =	sor.u32 s25, s12;
	[tilespmem:s14+$0x0] =	vst v1  }
0x1ed: {  	s16 =	sor.u32 s24, s12;
	[tilespmem:s15+$0x0] =	vst v3;
	v1 =	vld.idx.msk [tilespmem:v2+s4+$0x0], $0xffff  }
0x1ee: {  	s0 =	sor.u32 s26, s12;
	v2 =	vld.idx.msk [tilespmem:v35+s4+$0x0], $0xffff;
	[tilespmem:s16+$0x0] =	vst v4  }
0x1ef: {  	s17 =	sadd.s32 $0xA200, s23;
	s23 =	sshll.u32 s21, $0xC;
	v3 =	vld.idx.msk [tilespmem:v46+s4+$0x0], $0xffff;
	[tilespmem:s0+$0x0] =	vst v5  }
0x1f0: {  	[tilespmem:s19+$0x0] =	vst v6;
	s30 =	sand.u32 $0x3000, s23;
	v59 =	vld.idx.msk [tilespmem:v45+s4+$0x0], $0xffff  }
0x1f1: {  	s19 =	sor.u32 s28, s17;
	[tilespmem:s11+$0x0] =	vst v7;
	s1 =	sor.u32 s22, s30  }
0x1f2: {  	s29 =	sor.u32 s25, s17;
	s1 =	sshrl.u32 s1, $0x3;
	s5 =	rddreg [dreg:$0x2];
	[tilespmem:s19+$0x0] =	vst v1  }
0x1f3: {  	s31 =	sor.u32 s24, s17;
	s21 =	sadd.s32 s5, s1;
	s6 =	simm.s32 $0x1000;
	[tilespmem:s29+$0x0] =	vst v2  }
0x1f4: {  	s7 =	simm.s32 $0x400000;
	s9 =	simm.s32 $0x0;
	s0 =	sor.u32 s26, s17;
	[tilespmem:s31+$0x0] =	vst v3  }
0x1f5: {  	s8 =	simm.s32 $0x3200;
	s10 =	sand.u32 $0xC00, s9;
	s11 =	sand.u32 $0x380, s9;
	[tilespmem:s0+$0x0] =	vst v59  }
0x1f6: {  	[hbm4b:s21+s6] =	stream.strided.scatter [tilespmem:s8], [sflag:$0x2], $0x8000, s7, s6, $0x38;
	[tilespmem:$0x13200] =	vst v63  }
0x1f7: {  	s9 =	sand.u32 $0x40, s9;
	s5 =	sor.u32 s11, s10;
	_ =	swait.ge [sflag:s18], $0x8000  }
0x1f8: {  	s10 =	sor.u32 $0x30, s9;
	s1 =	sadd.s32 $0x2200, s5;
	[sflag:s18] =	ssyncset.done $0x0  }
0x1f9: {  	s12 =	sor.u32 s10, s1;
	[sflag:s18] =	ssyncadd.s32 $0xFFFF8000  }
0x1fa: {  	s3 =	sor.u32 $0x20, s9;
	s0 =	sor.u32 $0x10, s9;
	s6 =	sor.u32 s9, s1;
	v60 =	vld [tilespmem:s12+$0x0]  }
0x1fb: {  	s14 =	sor.u32 s0, s1;
	s1 =	sor.u32 s3, s1;
	v34 =	vld [tilespmem:s6+$0x0]  }
0x1fc: {  	v35 =	vld [tilespmem:s1+$0x0]  }
0x1fd: {  	v33 =	vld [tilespmem:s14+$0x0];
	_ =	sdelay $0x1  }
0x1fe: {  	v1 =	vadd.s32 $0x100, v60  }
0x1ff: {  	v2 =	vadd.s32 $0x100, v34  }
0x200: {  	v61 =	vadd.s32 $0x100, v35  }
0x201: {  	v3 =	vadd.s32 $0x100, v33;
	_ =	sdelay $0x1  }
0x202: {  	v1 =	vld.idx.msk [tilespmem:v1+s4+$0x0], $0xffff  }
0x203: {  	v2 =	vld.idx.msk [tilespmem:v2+s4+$0x0], $0xffff  }
0x204: {  	v62 =	vadd.s32 $0x120, v60;
	v4 =	vld.idx.msk [tilespmem:v61+s4+$0x0], $0xffff  }
0x205: {  	s15 =	sadd.s32 $0xB200, s5;
	v8 =	vadd.s32 $0x120, v35;
	v3 =	vld.idx.msk [tilespmem:v3+s4+$0x0], $0xffff  }
0x206: {  	s16 =	sor.u32 s10, s15;
	v63 =	vadd.s32 $0x120, v34  }
0x207: {  	s17 =	sor.u32 s9, s15;
	[tilespmem:s16+$0x0] =	vst v1  }
0x208: {  	s1 =	sor.u32 s3, s15;
	v32 =	vadd.s32 $0x120, v33;
	[tilespmem:s17+$0x0] =	vst v2  }
0x209: {  	s19 =	sor.u32 s0, s15;
	[tilespmem:s1+$0x0] =	vst v4;
	v1 =	vld.idx.msk [tilespmem:v62+s4+$0x0], $0xffff  }
0x20a: {  	[tilespmem:s19+$0x0] =	vst v3;
	v3 =	vadd.s32 $0x140, v60;
	v40 =	vld.idx.msk [tilespmem:v8+s4+$0x0], $0xffff  }
0x20b: {  	v2 =	vld.idx.msk [tilespmem:v63+s4+$0x0], $0xffff;
	v8 =	vadd.s32 $0x140, v35  }
0x20c: {  	s22 =	sadd.s32 $0xC200, s5;
	v37 =	vadd.s32 $0x140, v34  }
0x20d: {  	s23 =	sor.u32 s10, s22;
	v38 =	vld.idx.msk [tilespmem:v32+s4+$0x0], $0xffff  }
0x20e: {  	v39 =	vadd.s32 $0x140, v33;
	s1 =	sor.u32 s3, s22;
	[tilespmem:s23+$0x0] =	vst v1  }
0x20f: {  	s24 =	sor.u32 s9, s22;
	s31 =	simm.s32 $0x200;
	s8 =	simm.s32 $0x10;
	[tilespmem:s1+$0x0] =	vst v40;
	v1 =	vld.idx.msk [tilespmem:v3+s4+$0x0], $0xffff  }
0x210: {  	s11 =	simm.s32 $0x40;
	s8 =	sand.u32 $0x380, s8;
	s6 =	sand.u32 $0xC00, s31;
	[tilespmem:s24+$0x0] =	vst v2;
	v7 =	vld.idx.msk [tilespmem:v8+s4+$0x0], $0xffff  }
0x211: {  	s25 =	sor.u32 s0, s22;
	s22 =	sand.u32 $0x40, s11;
	s23 =	sor.u32 s8, s6;
	v2 =	vld.idx.msk [tilespmem:v37+s4+$0x0], $0xffff;
	v3 =	vadd.s32 $0x160, v60  }
0x212: {  	s26 =	sadd.s32 $0xD200, s5;
	v41 =	vadd.s32 $0x160, v34;
	[tilespmem:s25+$0x0] =	vst v38;
	s24 =	sor.u32 $0x30, s22;
	s12 =	sadd.s32 $0x2200, s23  }
0x213: {  	s30 =	sor.u32 s10, s26;
	v4 =	vld.idx.msk [tilespmem:v39+s4+$0x0], $0xffff;
	v8 =	vadd.s32 $0x160, v35;
	s14 =	sor.u32 s24, s12  }
0x214: {  	s1 =	sor.u32 s3, s26;
	s16 =	sor.u32 s22, s12;
	v32 =	vld [tilespmem:s14+$0x0];
	[tilespmem:s30+$0x0] =	vst v1  }
0x215: {  	s29 =	sor.u32 s9, s26;
	v42 =	vadd.s32 $0x160, v33;
	[tilespmem:s1+$0x0] =	vst v7;
	v7 =	vld [tilespmem:s16+$0x0]  }
0x216: {  	[tilespmem:s29+$0x0] =	vst v2;
	v1 =	vld.idx.msk [tilespmem:v3+s4+$0x0], $0xffff  }
0x217: {  	s25 =	sor.u32 $0x10, s22;
	v2 =	vld.idx.msk [tilespmem:v41+s4+$0x0], $0xffff;
	v3 =	vadd.s32 $0x180, v60  }
0x218: {  	s7 =	sor.u32 s0, s26;
	v44 =	vadd.s32 $0x180, v34;
	s19 =	sor.u32 s25, s12;
	v43 =	vld.idx.msk [tilespmem:v8+s4+$0x0], $0xffff  }
0x219: {  	s15 =	sadd.s32 $0xE200, s5;
	s26 =	sor.u32 $0x20, s22;
	v9 =	vld [tilespmem:s19+$0x0];
	[tilespmem:s7+$0x0] =	vst v4;
	v8 =	vadd.s32 $0x180, v35  }
0x21a: {  	s17 =	sor.u32 s10, s15;
	s2 =	sor.u32 s26, s12;
	v4 =	vld.idx.msk [tilespmem:v42+s4+$0x0], $0xffff;
	v47 =	vadd.s32 $0x100, v7  }
0x21b: {  	v10 =	vld [tilespmem:s2+$0x0];
	s29 =	sor.u32 s9, s15;
	[tilespmem:s17+$0x0] =	vst v1;
	v1 =	vadd.s32 $0x180, v33  }
0x21c: {  	s31 =	sor.u32 s3, s15;
	[tilespmem:s29+$0x0] =	vst v2;
	v3 =	vld.idx.msk [tilespmem:v3+s4+$0x0], $0xffff  }
0x21d: {  	v2 =	vadd.s32 $0x100, v32;
	[tilespmem:s31+$0x0] =	vst v43;
	v46 =	vld.idx.msk [tilespmem:v44+s4+$0x0], $0xffff  }
0x21e: {  	v45 =	vadd.s32 $0x1A0, v60;
	s30 =	sor.u32 s0, s15;
	v5 =	vld.idx.msk [tilespmem:v8+s4+$0x0], $0xffff  }
0x21f: {  	v48 =	vadd.s32 $0x1A0, v34;
	[tilespmem:s30+$0x0] =	vst v4;
	v6 =	vld.idx.msk [tilespmem:v47+s4+$0x0], $0xffff  }
0x220: {  	s6 =	sadd.s32 $0xF200, s5;
	v8 =	vadd.s32 $0x100, v9;
	v1 =	vld.idx.msk [tilespmem:v1+s4+$0x0], $0xffff  }
0x221: {  	s7 =	sor.u32 s10, s6;
	v52 =	vadd.s32 $0x120, v7  }
0x222: {  	s8 =	sor.u32 s9, s6;
	s12 =	sadd.s32 $0xB200, s23;
	v2 =	vld.idx.msk [tilespmem:v2+s4+$0x0], $0xffff;
	[tilespmem:s7+$0x0] =	vst v3;
	v3 =	vadd.s32 $0x100, v10  }
0x223: {  	v49 =	vadd.s32 $0x1A0, v33;
	s16 =	sor.u32 s22, s12;
	[tilespmem:s8+$0x0] =	vst v46;
	v37 =	vld.idx.msk [tilespmem:v45+s4+$0x0], $0xffff  }
0x224: {  	s11 =	sor.u32 s0, s6;
	v51 =	vadd.s32 $0x120, v32;
	v38 =	vld.idx.msk [tilespmem:v48+s4+$0x0], $0xffff;
	[tilespmem:s16+$0x0] =	vst v6  }
0x225: {  	v50 =	vadd.s32 $0x1C0, v60;
	[tilespmem:s11+$0x0] =	vst v1;
	v1 =	vld.idx.msk [tilespmem:v8+s4+$0x0], $0xffff  }
0x226: {  	v55 =	vadd.s32 $0x1C0, v34;
	s2 =	sor.u32 s3, s6;
	v57 =	vld.idx.msk [tilespmem:v52+s4+$0x0], $0xffff  }
0x227: {  	s1 =	sadd.s32 $0x10200, s5;
	s15 =	sor.u32 s24, s12;
	[tilespmem:s2+$0x0] =	vst v5;
	v8 =	vadd.s32 $0x1A0, v35;
	v3 =	vld.idx.msk [tilespmem:v3+s4+$0x0], $0xffff  }
0x228: {  	s14 =	sor.u32 s10, s1;
	v53 =	vadd.s32 $0x120, v9;
	[tilespmem:s15+$0x0] =	vst v2;
	v39 =	vld.idx.msk [tilespmem:v49+s4+$0x0], $0xffff  }
0x229: {  	v58 =	vadd.s32 $0x140, v7;
	s17 =	sor.u32 s9, s1;
	v56 =	vld.idx.msk [tilespmem:v51+s4+$0x0], $0xffff;
	[tilespmem:s14+$0x0] =	vst v37  }
0x22a: {  	s19 =	sor.u32 s25, s12;
	v54 =	vadd.s32 $0x120, v10;
	s31 =	sadd.s32 $0xC200, s23;
	[tilespmem:s17+$0x0] =	vst v38;
	v2 =	vld.idx.msk [tilespmem:v50+s4+$0x0], $0xffff  }
0x22b: {  	v36 =	vadd.s32 $0x1E0, v60;
	s14 =	sor.u32 s22, s31;
	v4 =	vld.idx.msk [tilespmem:v55+s4+$0x0], $0xffff;
	[tilespmem:s19+$0x0] =	vst v1  }
0x22c: {  	s2 =	sor.u32 s26, s12;
	v1 =	vadd.s32 $0x140, v32;
	v8 =	vld.idx.msk [tilespmem:v8+s4+$0x0], $0xffff;
	[tilespmem:s14+$0x0] =	vst v57  }
0x22d: {  	v62 =	vadd.s32 $0x1E0, v34;
	s29 =	sor.u32 s0, s1;
	s30 =	sadd.s32 $0x11200, s5;
	v5 =	vld.idx.msk [tilespmem:v53+s4+$0x0], $0xffff;
	[tilespmem:s2+$0x0] =	vst v3  }
0x22e: {  	s11 =	sor.u32 s10, s30;
	v3 =	vadd.s32 $0x1C0, v33;
	[tilespmem:s29+$0x0] =	vst v39;
	v55 =	vld.idx.msk [tilespmem:v58+s4+$0x0], $0xffff  }
0x22f: {  	v59 =	vadd.s32 $0x140, v9;
	s12 =	sor.u32 s24, s31;
	v37 =	vld.idx.msk [tilespmem:v54+s4+$0x0], $0xffff;
	[tilespmem:s11+$0x0] =	vst v2  }
0x230: {  	s16 =	sor.u32 s9, s30;
	[tilespmem:s12+$0x0] =	vst v56;
	v2 =	vadd.s32 $0x140, v10;
	v60 =	vld.idx.msk [tilespmem:v36+s4+$0x0], $0xffff  }
0x231: {  	v61 =	vadd.s32 $0x1C0, v35;
	s1 =	sor.u32 s3, s1;
	[tilespmem:s16+$0x0] =	vst v4;
	v1 =	vld.idx.msk [tilespmem:v1+s4+$0x0], $0xffff  }
0x232: {  	s28 =	simm.s32 $0x4;
	v34 =	vadd.s32 $0x1E0, v33;
	v63 =	vadd.s32 $0x160, v32;
	v40 =	vadd.s32 $0x1A0, v9;
	s5 =	sadd.s32 $0x12200, s5;
	s15 =	sor.u32 s25, s31;
	v52 =	vld.idx.msk [tilespmem:v62+s4+$0x0], $0xffff;
	[tilespmem:s1+$0x0] =	vst v8  }
0x233: {  	v41 =	vadd.s32 $0x1A0, v10;
	v42 =	vadd.s32 $0x180, v7;
	s6 =	sor.u32 s3, s30;
	s7 =	sor.u32 s26, s31;
	v46 =	vadd.s32 $0x160, v7;
	s17 =	sadd.s32 $0xD200, s23;
	[tilespmem:s15+$0x0] =	vst v5;
	v50 =	vld.idx.msk [tilespmem:v3+s4+$0x0], $0xffff  }
0x234: {  	v43 =	vadd.s32 $0x1E0, v10;
	v44 =	vadd.s32 $0x180, v9;
	v47 =	vadd.s32 $0x160, v10;
	s8 =	sor.u32 s0, s5;
	s1 =	sor.u32 s0, s30;
	s30 =	sor.u32 s22, s17;
	v53 =	vld.idx.msk [tilespmem:v59+s4+$0x0], $0xffff;
	[tilespmem:s7+$0x0] =	vst v37  }
0x235: {  	v45 =	vadd.s32 $0x180, v10;
	v48 =	vadd.s32 $0x1E0, v9;
	v49 =	vadd.s32 $0x160, v9;
	s31 =	sor.u32 s24, s17;
	s19 =	sor.u32 s9, s5;
	s9 =	simm.s32 $0x20;
	[tilespmem:s30+$0x0] =	vst v55;
	v54 =	vld.idx.msk [tilespmem:v2+s4+$0x0], $0xffff  }
0x236: {  	v38 =	vadd.s32 $0x1C0, v9;
	v33 =	vadd.s32 $0x1E0, v35;
	s29 =	sor.u32 s10, s5;
	s2 =	sor.u32 s25, s17;
	v35 =	vadd.s32 $0x1E0, v7;
	s12 =	sor.u32 s26, s17;
	v51 =	vld.idx.msk [tilespmem:v61+s4+$0x0], $0xffff;
	[tilespmem:s31+$0x0] =	vst v1  }
0x237: {  	s10 =	sor.u32 s3, s5;
	v39 =	vadd.s32 $0x1C0, v10;
	s3 =	simm.s32 $0x400;
	v36 =	vadd.s32 $0x1A0, v7;
	s0 =	simm.s32 $0x80;
	v37 =	vadd.s32 $0x1C0, v7;
	[tilespmem:s29+$0x0] =	vst v60;
	v55 =	vld.idx.msk [tilespmem:v63+s4+$0x0], $0xffff  }
.LBB2_9:
0x238: {  	s5 =	sand.u32 $0xC00, s3;
	s7 =	sand.u32 $0x380, s9;
	s28 =	sadd.s32 $0x4, s28;
	v1 =	vld.idx.msk [tilespmem:v46+s4+$0x0], $0xffff;
	[tilespmem:s1+$0x0] =	vst v50  }
0x239: {  	s1 =	sand.u32 $0x40, s0;
	v2 =	vadd.s32 $0x180, v32;
	s5 =	sor.u32 s7, s5;
	p0 =	slt.u32 s28, $0xFC;
	[tilespmem:s2+$0x0] =	vst v53;
	v3 =	vld.idx.msk [tilespmem:v34+s4+$0x0], $0xffff;
	v34 =	vmov v48  }
0x23a: {  	s7 =	sor.u32 $0x10, s1;
	s11 =	sor.u32 $0x30, s1;
	s2 =	sadd.s32 $0x2200, s5;
	v4 =	vld.idx.msk [tilespmem:v49+s4+$0x0], $0xffff;
	[tilespmem:s12+$0x0] =	vst v54  }
0x23b: {  	s15 =	sadd.s32 $0xE200, s23;
	s14 =	sor.u32 $0x20, s1;
	s12 =	sor.u32 s11, s2;
	v5 =	vld.idx.msk [tilespmem:v47+s4+$0x0], $0xffff;
	[tilespmem:s6+$0x0] =	vst v51  }
0x23c: {  	s6 =	sor.u32 s1, s2;
	s16 =	sor.u32 s7, s2;
	v6 =	vld [tilespmem:s12+$0x0];
	s12 =	sor.u32 s24, s15;
	[tilespmem:s19+$0x0] =	vst v52  }
0x23d: {  	s17 =	sor.u32 s25, s15;
	s2 =	sor.u32 s14, s2;
	v7 =	vld [tilespmem:s6+$0x0];
	s6 =	sor.u32 s22, s15;
	[tilespmem:s12+$0x0] =	vst v55  }
0x23e: {  	s19 =	smov.u32 s22;
	s22 =	smov.u32 s1;
	[tilespmem:s6+$0x0] =	vst v1;
	s6 =	sor.u32 s26, s15;
	v1 =	vld.idx.msk [tilespmem:v2+s4+$0x0], $0xffff  }
0x23f: {  	s12 =	smov.u32 s24;
	v2 =	vld [tilespmem:s16+$0x0];
	[tilespmem:s8+$0x0] =	vst v3;
	s8 =	smov.u32 s25;
	s25 =	smov.u32 s7  }
0x240: {  	s24 =	smov.u32 s11;
	s11 =	smov.u32 s26;
	s26 =	smov.u32 s14;
	v3 =	vld [tilespmem:s2+$0x0];
	[tilespmem:s17+$0x0] =	vst v4;
	v4 =	vadd.s32 $0x1A0, v32  }
0x241: {  	v8 =	vadd.s32 $0x100, v6;
	v9 =	vld.idx.msk [tilespmem:v42+s4+$0x0], $0xffff;
	[tilespmem:s6+$0x0] =	vst v5  }
0x242: {  	s1 =	sadd.s32 $0xF200, s23;
	v5 =	vadd.s32 $0x100, v7;
	v10 =	vadd.s32 $0x120, v7;
	v50 =	vadd.s32 $0x140, v7;
	v48 =	vld.idx.msk [tilespmem:v44+s4+$0x0], $0xffff  }
0x243: {  	s7 =	sor.u32 s12, s1;
	s2 =	sor.u32 s19, s1;
	s6 =	sor.u32 s8, s1;
	v46 =	vadd.s32 $0x160, v7;
	v42 =	vadd.s32 $0x180, v7;
	v51 =	vadd.s32 $0x1A0, v7;
	v52 =	vld.idx.msk [tilespmem:v45+s4+$0x0], $0xffff  }
0x244: {  	s1 =	sor.u32 s11, s1;
	v53 =	vadd.s32 $0x100, v2;
	v54 =	vadd.s32 $0x120, v2;
	v55 =	vadd.s32 $0x140, v2;
	[tilespmem:s7+$0x0] =	vst v1;
	v1 =	vld.idx.msk [tilespmem:v33+s4+$0x0], $0xffff;
	v33 =	vmovc v43  }
0x245: {  	v43 =	vadd.s32 $0x100, v3;
	v56 =	vadd.s32 $0x120, v3;
	v57 =	vadd.s32 $0x140, v3;
	v4 =	vld.idx.msk [tilespmem:v4+s4+$0x0], $0xffff  }
0x246: {  	v49 =	vadd.s32 $0x160, v2;
	v44 =	vadd.s32 $0x180, v2;
	v47 =	vadd.s32 $0x160, v3;
	v8 =	vld.idx.msk [tilespmem:v8+s4+$0x0], $0xffff  }
0x247: {  	v58 =	vadd.s32 $0x1A0, v2;
	v45 =	vadd.s32 $0x180, v3;
	v5 =	vld.idx.msk [tilespmem:v5+s4+$0x0], $0xffff;
	[tilespmem:s2+$0x0] =	vst v9;
	v9 =	vadd.s32 $0x1C0, v32  }
0x248: {  	v61 =	vadd.s32 $0x120, v6;
	v59 =	vadd.s32 $0x1C0, v7;
	v60 =	vadd.s32 $0x1A0, v3;
	v62 =	vld.idx.msk [tilespmem:v36+s4+$0x0], $0xffff;
	[tilespmem:s6+$0x0] =	vst v48;
	v36 =	vmovc v51  }
0x249: {  	v7 =	vadd.s32 $0x1E0, v7;
	v63 =	vadd.s32 $0x1C0, v3;
	s2 =	sadd.s32 $0x10200, s23;
	v51 =	vld.idx.msk [tilespmem:v53+s4+$0x0], $0xffff;
	v53 =	vadd.s32 $0x1C0, v2;
	[tilespmem:s1+$0x0] =	vst v52  }
0x24a: {  	v48 =	vadd.s32 $0x1E0, v2;
	s6 =	sor.u32 s19, s2;
	s7 =	sor.u32 s12, s2;
	s1 =	sadd.s32 $0xB200, s5;
	v2 =	vld.idx.msk [tilespmem:v43+s4+$0x0], $0xffff;
	v43 =	vadd.s32 $0x1E0, v3;
	[tilespmem:s10+$0x0] =	vst v1  }
0x24b: {  	s10 =	sor.u32 s22, s1;
	s14 =	sor.u32 s25, s1;
	s15 =	sor.u32 s24, s1;
	v1 =	vld.idx.msk [tilespmem:v40+s4+$0x0], $0xffff;
	[tilespmem:s7+$0x0] =	vst v4;
	v40 =	vmov v58  }
0x24c: {  	s1 =	sor.u32 s26, s1;
	s7 =	sor.u32 s8, s2;
	s2 =	sor.u32 s11, s2;
	[tilespmem:s15+$0x0] =	vst v8;
	v3 =	vld.idx.msk [tilespmem:v9+s4+$0x0], $0xffff  }
0x24d: {  	[tilespmem:s10+$0x0] =	vst v5;
	v4 =	vld.idx.msk [tilespmem:v61+s4+$0x0], $0xffff  }
0x24e: {  	v8 =	vadd.s32 $0x1E0, v32;
	v32 =	vmov v6;
	v5 =	vld.idx.msk [tilespmem:v10+s4+$0x0], $0xffff;
	[tilespmem:s6+$0x0] =	vst v62  }
0x24f: {  	v6 =	vadd.s32 $0x140, v32;
	[tilespmem:s14+$0x0] =	vst v51;
	v9 =	vld.idx.msk [tilespmem:v41+s4+$0x0], $0xffff;
	v41 =	vmov v60  }
0x250: {  	s6 =	sadd.s32 $0x11200, s23;
	v10 =	vld.idx.msk [tilespmem:v54+s4+$0x0], $0xffff;
	[tilespmem:s1+$0x0] =	vst v2  }
0x251: {  	s10 =	sor.u32 s19, s6;
	s1 =	sadd.s32 $0xC200, s5;
	v2 =	vld.idx.msk [tilespmem:v56+s4+$0x0], $0xffff;
	[tilespmem:s7+$0x0] =	vst v1;
	s7 =	sor.u32 s12, s6  }
0x252: {  	s14 =	sor.u32 s22, s1;
	s15 =	sor.u32 s25, s1;
	s16 =	sor.u32 s24, s1;
	v1 =	vld.idx.msk [tilespmem:v37+s4+$0x0], $0xffff;
	[tilespmem:s7+$0x0] =	vst v3;
	v37 =	vmov v59  }
0x253: {  	s7 =	sor.u32 s26, s1;
	s1 =	sor.u32 s8, s6;
	s6 =	sor.u32 s11, s6;
	[tilespmem:s16+$0x0] =	vst v4;
	v3 =	vld.idx.msk [tilespmem:v8+s4+$0x0], $0xffff  }
0x254: {  	[tilespmem:s14+$0x0] =	vst v5;
	v4 =	vld.idx.msk [tilespmem:v6+s4+$0x0], $0xffff  }
0x255: {  	v5 =	vld.idx.msk [tilespmem:v50+s4+$0x0], $0xffff;
	[tilespmem:s2+$0x0] =	vst v9  }
0x256: {  	v6 =	vadd.s32 $0x160, v32;
	[tilespmem:s15+$0x0] =	vst v10;
	v50 =	vld.idx.msk [tilespmem:v38+s4+$0x0], $0xffff;
	v38 =	vmov v53  }
.Ltmp3:
0x257: {  	v53 =	vld.idx.msk [tilespmem:v55+s4+$0x0], $0xffff;
	[tilespmem:s7+$0x0] =	vst v2;
	s7 =	sadd.s32 $0x12200, s23;
	s23 =	smov.u32 s5;
	(pc) =	sbr.rel @p0 .LBB2_9-.Ltmp3, $4  }
0x258: {  	s5 =	sadd.s32 $0xD200, s23;
	v54 =	vld.idx.msk [tilespmem:v57+s4+$0x0], $0xffff;
	[tilespmem:s10+$0x0] =	vst v1;
	s19 =	sor.u32 s19, s7;
	s10 =	sor.u32 s12, s7  }
0x259: {  	s14 =	sor.u32 s22, s5;
	s2 =	sor.u32 s25, s5;
	s15 =	sor.u32 s24, s5;
	v51 =	vld.idx.msk [tilespmem:v39+s4+$0x0], $0xffff;
	[tilespmem:s10+$0x0] =	vst v3;
	v39 =	vmov v63  }
0x25a: {  	s8 =	sor.u32 s8, s7;
	s12 =	sor.u32 s26, s5;
	s10 =	sor.u32 s11, s7;
	[tilespmem:s15+$0x0] =	vst v4;
	v52 =	vld.idx.msk [tilespmem:v35+s4+$0x0], $0xffff;
	v35 =	vmov v7  }
0x25b: {  	s0 =	sadd.s32 $0x40, s0;
	s3 =	sadd.s32 $0x200, s3;
	s9 =	sadd.s32 $0x10, s9;
	[tilespmem:s14+$0x0] =	vst v5;
	v55 =	vld.idx.msk [tilespmem:v6+s4+$0x0], $0xffff  }
0x25c: {  	_ =	sdelay $0x3  }
0x25d: {  	v1 =	vld.idx.msk [tilespmem:v46+s4+$0x0], $0xffff;
	[tilespmem:s2+$0x0] =	vst v53;
	v2 =	vadd.s32 $0x180, v32  }
0x25e: {  	v3 =	vld.idx.msk [tilespmem:v49+s4+$0x0], $0xffff;
	[tilespmem:s12+$0x0] =	vst v54  }
0x25f: {  	s0 =	sadd.s32 $0xE200, s23;
	v4 =	vld.idx.msk [tilespmem:v47+s4+$0x0], $0xffff  }
0x260: {  	s17 =	sor.u32 s24, s0  }
0x261: {  	s28 =	sor.u32 s22, s0;
	[tilespmem:s17+$0x0] =	vst v55  }
0x262: {  	s29 =	sor.u32 s25, s0;
	[tilespmem:s28+$0x0] =	vst v1;
	v1 =	vld.idx.msk [tilespmem:v2+s4+$0x0], $0xffff  }
0x263: {  	s0 =	sor.u32 s26, s0;
	v2 =	vadd.s32 $0x1A0, v32;
	[tilespmem:s29+$0x0] =	vst v3;
	v3 =	vld.idx.msk [tilespmem:v42+s4+$0x0], $0xffff  }
0x264: {  	[tilespmem:s0+$0x0] =	vst v4;
	v62 =	vld.idx.msk [tilespmem:v44+s4+$0x0], $0xffff  }
0x265: {  	s30 =	sadd.s32 $0xF200, s23;
	v5 =	vld.idx.msk [tilespmem:v45+s4+$0x0], $0xffff  }
0x266: {  	s31 =	sor.u32 s24, s30  }
0x267: {  	s3 =	sor.u32 s22, s30;
	[tilespmem:s31+$0x0] =	vst v1  }
0x268: {  	s5 =	sor.u32 s25, s30;
	[tilespmem:s3+$0x0] =	vst v3;
	v1 =	vld.idx.msk [tilespmem:v2+s4+$0x0], $0xffff  }
0x269: {  	s0 =	sor.u32 s26, s30;
	v2 =	vadd.s32 $0x1C0, v32;
	v3 =	vld.idx.msk [tilespmem:v36+s4+$0x0], $0xffff;
	[tilespmem:s5+$0x0] =	vst v62  }
0x26a: {  	[tilespmem:s0+$0x0] =	vst v5;
	v4 =	vld.idx.msk [tilespmem:v40+s4+$0x0], $0xffff  }
0x26b: {  	s7 =	sadd.s32 $0x10200, s23;
	v5 =	vld.idx.msk [tilespmem:v41+s4+$0x0], $0xffff  }
0x26c: {  	[tilespmem:s1+$0x0] =	vst v50;
	s9 =	sor.u32 s24, s7  }
0x26d: {  	s11 =	sor.u32 s22, s7;
	[tilespmem:s9+$0x0] =	vst v1  }
0x26e: {  	s12 =	sor.u32 s25, s7;
	v1 =	vld.idx.msk [tilespmem:v2+s4+$0x0], $0xffff;
	[tilespmem:s11+$0x0] =	vst v3  }
0x26f: {  	s0 =	sor.u32 s26, s7;
	v2 =	vadd.s32 $0x1E0, v32;
	[tilespmem:s12+$0x0] =	vst v4;
	v3 =	vld.idx.msk [tilespmem:v37+s4+$0x0], $0xffff  }
0x270: {  	[tilespmem:s0+$0x0] =	vst v5;
	v4 =	vld.idx.msk [tilespmem:v38+s4+$0x0], $0xffff  }
0x271: {  	s14 =	sadd.s32 $0x11200, s23;
	[tilespmem:s6+$0x0] =	vst v51;
	v5 =	vld.idx.msk [tilespmem:v39+s4+$0x0], $0xffff  }
0x272: {  	v6 =	vld.idx.msk [tilespmem:v34+s4+$0x0], $0xffff;
	s15 =	sor.u32 s24, s14;
	[tilespmem:s19+$0x0] =	vst v52  }
0x273: {  	s16 =	sor.u32 s22, s14;
	v7 =	vld.idx.msk [tilespmem:v33+s4+$0x0], $0xffff;
	[tilespmem:s15+$0x0] =	vst v1  }
0x274: {  	s17 =	sor.u32 s25, s14;
	v1 =	vld.idx.msk [tilespmem:v2+s4+$0x0], $0xffff;
	[tilespmem:s16+$0x0] =	vst v3  }
0x275: {  	s0 =	sor.u32 s26, s14;
	v2 =	vld.idx.msk [tilespmem:v35+s4+$0x0], $0xffff;
	[tilespmem:s17+$0x0] =	vst v4  }
0x276: {  	v3 =	vld.idx.msk [tilespmem:v48+s4+$0x0], $0xffff;
	[tilespmem:s0+$0x0] =	vst v5  }
0x277: {  	s20 =	sadd.s32 $0x1, s20;
	s19 =	sadd.s32 $0x12200, s23;
	[tilespmem:s8+$0x0] =	vst v6;
	v63 =	vld.idx.msk [tilespmem:v43+s4+$0x0], $0xffff  }
0x278: {  	p0 =	sne.s32 s20, $0x10;
	s23 =	sor.u32 s24, s19;
	[tilespmem:s10+$0x0] =	vst v7  }
.Ltmp4:
0x279: {  	s24 =	sor.u32 s22, s19;
	[tilespmem:s23+$0x0] =	vst v1;
	(pc) =	sbr.rel @p0 .LBB2_2-.Ltmp4, $4  }
0x27a: {  	s28 =	sor.u32 s25, s19;
	[tilespmem:s24+$0x0] =	vst v2  }
0x27b: {  	s29 =	sadd.s32 $0x400000, s21;
	s0 =	sor.u32 s26, s19;
	[tilespmem:s28+$0x0] =	vst v3  }
0x27c: {  	s30 =	simm.s32 $0x1000;
	s31 =	simm.s32 $0x400000;
	s3 =	simm.s32 $0xB200;
	[tilespmem:s0+$0x0] =	vst v63  }
0x27d: {  	[hbm4b:s29+s30] =	stream.strided.scatter [tilespmem:s3], [sflag:$0x2], $0x8000, s31, s30, $0x38;
	[tilespmem:$0x13200] =	vst v63  }
0x27e: {  	_ =	swait.ge [sflag:s18], $0x8000  }
0x27f: {  	[sflag:s18] =	ssyncset.done $0x0  }
0x280: {  	[sflag:s18] =	ssyncadd.s32 $0xFFFF8000  }
0x281: {  	_ =	swait.ge [sflag:s18], $0x8000  }
0x282: {  	s1 =	rddreg [dreg:$0x8]  }
0x283: {  	s0 =	rddreg [dreg:$0x7];
	s1 =	sadd.s32 $0x1, s1  }
0x284: {  	p0 =	sne.s32 s1, s0  }
.Ltmp5:
0x285: {  	_ = 	snop;
	(pc) =	sbr.rel @p0 .LBB2_1-.Ltmp5, $3  }
0x286: {  	_ =	sdelay $0x1  }
0x287: {  	[sflag:s18] =	ssyncset.done $0x0  }
0x288: {  	[sflag:s18] =	ssyncadd.s32 $0xFFFF8000  }
0x289: {  	_ =	sfence.sel $0x180000  }
0x28a: {  	[bflag:$0x0] =	sbarrier.arrive $0xFFFF  }
0x28b: {  	_ =	strace $0x90000047  }
0x28c: {  	s0 =	stileid.u32;
	[bflag:$0x2] =	sbarrier.arrive $0xFFFF  }
0x28d: {  	p0 =	sne.s32 s0, $0x0;
	s0 =	rddreg [dreg:$0x3]  }
0x28e: {  	s0 =	sadd.s32 @!p0 $0x100000, s0  }
0x28f: {  	[sflag:s0] =	ssyncadd.tile.s32 @!p0 $0x1;
	_ =	shalt  }
.Lfunc_end2:
_tile_overlayer_lowered:
.L_overlay_start_2:
0x290: {  	(tag) =	ssettag $0x2  }
0x291: {  	s0 =	rddreg [dreg:$0x0];
	s2 =	stileid.u32  }
0x292: {  	s1 =	rddreg [dreg:$0x1];
	p0 =	sne.s32 s2, $0x0  }
0x293: {  	s3 =	rddreg [dreg:$0x2];
	[bflag:$0x3] =	sbarrier.arrive $0xFFFF;
	s2 =	simm.s32 @!p0 $0x1C03  }
0x294: {  	[timem:s3], [sflag:s2] =	dma.local @!p0 [hbm:s0], s1  }
0x295: {  	s0 =	simm.s32 @!p0 $0x3  }
0x296: {  	_ =	swait.ge @!p0 [sflag:s0], s1  }
0x297: {  	s1 =	ssub.s32 @!p0 $0x0, s1;
	[sflag:s0] =	ssyncset.done @!p0 $0x0  }
0x298: {  	[sflag:s0] =	ssyncadd.s32 @!p0 s1  }
0x299: {  	[bflag:$0x3] =	sbarrier.arrive $0xFFFF  }
0x29a: {  	_ =	shalt  }

</sc_bundles>
